<compile_context>
chip_gen: v7x
topology: tpu7x:2x2x1
jax: 0.10.2.dev20260603
libtpu: 0.0.44.dev20260713+nightly
codegen_flags: <defaults>
</compile_context>

<pallas_src>
import functools

import jax
import jax.numpy as jnp
from jax import lax
from jax.experimental import pallas as pl
from jax.experimental.pallas import tpu as pltpu
from jax.experimental.pallas import tpu_sc as plsc

NRP = 24
MAXZ = 84
CHUNK = 2048


@functools.lru_cache(maxsize=None)
def _make_gather(B: int):
    info = plsc.get_sparse_core_info()
    nw = info.num_cores * info.num_subcores
    b_per_w = B // nw
    n_chunks = b_per_w // CHUNK
    assert b_per_w % CHUNK == 0 and n_chunks % 2 == 0 and n_chunks >= 4
    c16 = CHUNK // 16

    mesh = plsc.VectorSubcoreMesh(core_axis_name="c", subcore_axis_name="s")

    @functools.partial(
        pl.kernel,
        mesh=mesh,
        compiler_params=pltpu.CompilerParams(needs_layout_passes=False),
        out_type=jax.ShapeDtypeStruct((NRP, B), jnp.float32),
        scratch_types=[
            pltpu.VMEM((MAXZ * NRP,), jnp.float32),
            pltpu.VMEM((CHUNK,), jnp.int32),
            pltpu.VMEM((CHUNK,), jnp.int32),
            pltpu.VMEM((NRP, CHUNK), jnp.float32),
            pltpu.VMEM((NRP, CHUNK), jnp.float32),
            pltpu.SemaphoreType.DMA,
            pltpu.SemaphoreType.DMA,
            pltpu.SemaphoreType.DMA,
            pltpu.SemaphoreType.DMA,
        ],
    )
    def gather_kernel(z_hbm, p_hbm, out_hbm, p_v, z0, z1, r0, r1,
                      sz0, sz1, so0, so1):
        wid = lax.axis_index("s") * info.num_cores + lax.axis_index("c")
        base = wid * b_per_w
        zs, rs, szs, sos = (z0, z1), (r0, r1), (sz0, sz1), (so0, so1)

        pltpu.sync_copy(p_hbm, p_v)

        def z_start(g, b):
            pltpu.make_async_copy(
                z_hbm.at[pl.ds(base + g * CHUNK, CHUNK)], zs[b], szs[b]
            ).start()

        def z_wait(b):
            pltpu.make_async_copy(
                z_hbm.at[pl.ds(0, CHUNK)], zs[b], szs[b]).wait()

        def o_start(g, b):
            pltpu.make_async_copy(
                rs[b], out_hbm.at[:, pl.ds(base + g * CHUNK, CHUNK)],
                sos[b]).start()

        def o_wait(b):
            pltpu.make_async_copy(
                rs[b], out_hbm.at[:, pl.ds(0, CHUNK)], sos[b]).wait()

        def compute(zr, rr):
            @plsc.parallel_loop(0, c16, 1, unroll=8)
            def _(a):
                a0 = a * 16
                zv24 = zr[pl.ds(a0, 16)] * NRP
                vals = [plsc.load_gather(p_v, [zv24 + j])
                        for j in range(NRP)]
                for j in range(NRP):
                    rr[j, pl.ds(a0, 16)] = vals[j]

        z_start(0, 0)
        z_start(1, 1)
        z_wait(0)
        compute(z0, r0)
        o_start(0, 0)
        z_start(2, 0)
        z_wait(1)
        compute(z1, r1)
        o_start(1, 1)
        z_start(3, 1)

        def pair(i, carry):
            for b in (0, 1):
                g = 2 * i + b
                z_wait(b)
                o_wait(b)
                compute(zs[b], rs[b])
                o_start(g, b)

                @pl.when(g + 2 < n_chunks)
                def _():
                    z_start(g + 2, b)
            return carry

        lax.fori_loop(1, n_chunks // 2, pair, 0)
        o_wait(0)
        o_wait(1)

    return gather_kernel


def kernel(Z, p, alpha, chi):
    B = Z.shape[0]
    zi = Z.astype(jnp.int32)
    gathered_t = _make_gather(B)(zi, p.reshape(-1))
    return (gathered_t.T, alpha, chi)

# --- scband reference (transcript-rebuilt; emitter-appended) ---
"""Pipeline reference for scband-pack-parameters-9801115369545 (READ-ONLY COPY).

The authoritative reference and input builder live on the scoring server;
editing this copy changes nothing except your own understanding.
"""

import jax, jax.numpy as jnp
import numpy as np

MAX_Z = 84   # atomic numbers supported by AM1 table
NRP = 24     # number of required AM1 parameters (len(parameterlist['AM1']), learned=[])
N_ATOMS = 1048576


def setup_inputs(seed: int = 0) -> dict:
    key = jax.random.key(seed)
    k1, k2, k3, k4 = jax.random.split(key, 4)
    # atomic numbers of every atom in the batch (0 reserved / padding excluded -> [1, MAX_Z))
    Z = jax.random.randint(k1, (N_ATOMS,), 1, MAX_Z).astype(jnp.int64)
    # learned/loaded per-element parameter table: self.p with shape [max_element+1, nrp]
    p = jax.random.normal(k2, (MAX_Z, NRP), dtype=jnp.float32)
    # pairwise core-core correction tables from PWCCT
    alpha = jax.random.normal(k3, (MAX_Z, MAX_Z), dtype=jnp.float32)
    chi = jax.random.normal(k4, (MAX_Z, MAX_Z), dtype=jnp.float32)
    return {"Z": Z, "p": p, "alpha": alpha, "chi": chi}


def reference(Z, p, alpha, chi):
    # Original forward:
    #   for i in range(nrp): learned_params[required_list[i]] = self.p[Z, i]
    #   return (learned_params, self.alpha, self.chi)
    # Gathering all columns at once: gathered[:, i] == p[Z, i]
    gathered = jnp.take(p, Z, axis=0)  # [N_ATOMS, NRP]
    return (gathered, alpha, chi)

if __name__ == "__main__":
    import jax
    _d = setup_inputs()
    print(jax.jit(kernel)(*tuple(_d.values())))

</pallas_src>

<mosaic_0001>
#map = affine_map<(d0, d1) -> (0)>
#map1 = affine_map<(d0, d1) -> (0, 0)>
module attributes {stable_mosaic.version = 14 : i64} {
  func.func @gather_kernel(%arg0: i32, %arg1: i32, %arg2: memref<1048576xi32, #tpu.memory_space<hbm>>, %arg3: memref<2016xf32, #tpu.memory_space<hbm>>, %arg4: memref<24x1048576xf32, #tpu.memory_space<hbm>>, %arg5: memref<2016xf32, #tpu.memory_space<vmem>>, %arg6: memref<2048xi32, #tpu.memory_space<vmem>>, %arg7: memref<2048xi32, #tpu.memory_space<vmem>>, %arg8: memref<24x2048xf32, #tpu.memory_space<vmem>>, %arg9: memref<24x2048xf32, #tpu.memory_space<vmem>>, %arg10: memref<!tpu.dma_semaphore, #tpu.memory_space<semaphore_mem>>, %arg11: memref<!tpu.dma_semaphore, #tpu.memory_space<semaphore_mem>>, %arg12: memref<!tpu.dma_semaphore, #tpu.memory_space<semaphore_mem>>, %arg13: memref<!tpu.dma_semaphore, #tpu.memory_space<semaphore_mem>>) attributes {dimension_semantics = [#tpu.dimension_semantics<core_parallel>, #tpu.dimension_semantics<subcore_parallel>], iteration_bounds = array<i64: 2, 16>, scalar_prefetch = 0 : i64, scratch_operands = 9 : i64, tpu.core_type = #tpu.core_type<sc_vector_subcore>, window_params = [{transform_indices = #map}, {transform_indices = #map}, {transform_indices = #map1}]} {
    %mul3A = arith.constant 2 : i32
    %mul3A_0 = arith.muli %arg1, %mul3A : i32
    %add3A = arith.addi %mul3A_0, %arg0 : i32
    %mul3A_1 = arith.constant 32768 : i32
    %mul3A_2 = arith.muli %add3A, %mul3A_1 : i32
    "tpu.region"() ({
      %run_scoped3A = tpu.sem_alloc : memref<!tpu.dma_semaphore, #tpu.memory_space<semaphore_mem>>
      tpu.enqueue_dma source(%arg3 : memref<2016xf32, #tpu.memory_space<hbm>>) target(%arg5 : memref<2016xf32, #tpu.memory_space<vmem>>) target_semaphore(%run_scoped3A : memref<!tpu.dma_semaphore, #tpu.memory_space<semaphore_mem>>)
      tpu.wait_dma2 semaphore(%run_scoped3A : memref<!tpu.dma_semaphore, #tpu.memory_space<semaphore_mem>>) src(%arg3 : memref<2016xf32, #tpu.memory_space<hbm>>) dst(%arg5 : memref<2016xf32, #tpu.memory_space<vmem>>)
      tpu.yield
    }) : () -> ()
    %add3A_3 = arith.constant 0 : i32
    %add3A_4 = arith.addi %mul3A_2, %add3A_3 : i32
    %dma_start3A = tpu.memref_slice %arg2[%add3A_4] : memref<1048576xi32, #tpu.memory_space<hbm>> -> memref<2048xi32, #tpu.memory_space<hbm>>
    %dma_start3A_5 = tpu.memref_slice %arg2[%add3A_4] : memref<1048576xi32, #tpu.memory_space<hbm>> -> memref<2048xi32, #tpu.memory_space<hbm>>
    tpu.enqueue_dma source(%dma_start3A_5 : memref<2048xi32, #tpu.memory_space<hbm>>) target(%arg6 : memref<2048xi32, #tpu.memory_space<vmem>>) target_semaphore(%arg10 : memref<!tpu.dma_semaphore, #tpu.memory_space<semaphore_mem>>)
    %add3A_6 = arith.constant 2048 : i32
    %add3A_7 = arith.addi %mul3A_2, %add3A_6 : i32
    %dma_start3A_8 = tpu.memref_slice %arg2[%add3A_7] : memref<1048576xi32, #tpu.memory_space<hbm>> -> memref<2048xi32, #tpu.memory_space<hbm>>
    %dma_start3A_9 = tpu.memref_slice %arg2[%add3A_7] : memref<1048576xi32, #tpu.memory_space<hbm>> -> memref<2048xi32, #tpu.memory_space<hbm>>
    tpu.enqueue_dma source(%dma_start3A_9 : memref<2048xi32, #tpu.memory_space<hbm>>) target(%arg7 : memref<2048xi32, #tpu.memory_space<vmem>>) target_semaphore(%arg11 : memref<!tpu.dma_semaphore, #tpu.memory_space<semaphore_mem>>)
    %dma_wait3A = arith.constant 0 : i32
    %dma_wait3A_10 = tpu.memref_slice %arg2[%dma_wait3A] : memref<1048576xi32, #tpu.memory_space<hbm>> -> memref<2048xi32, #tpu.memory_space<hbm>>
    %dma_wait3A_11 = arith.constant 0 : i32
    %dma_wait3A_12 = tpu.memref_slice %arg2[%dma_wait3A_11] : memref<1048576xi32, #tpu.memory_space<hbm>> -> memref<2048xi32, #tpu.memory_space<hbm>>
    tpu.wait_dma2 semaphore(%arg10 : memref<!tpu.dma_semaphore, #tpu.memory_space<semaphore_mem>>) src(%dma_wait3A_12 : memref<2048xi32, #tpu.memory_space<hbm>>) dst(%arg6 : memref<2048xi32, #tpu.memory_space<vmem>>)
    %parallel_loop3A = arith.constant 0 : i32
    %parallel_loop3A_13 = arith.constant 128 : i32
    %parallel_loop3A_14 = arith.constant 1 : i32
    scf.for %parallel_loop3A_59 = %parallel_loop3A to %parallel_loop3A_13 step %parallel_loop3A_14  : i32 {
      %parallel_loop3A_60 = arith.constant 16 : i32
      %parallel_loop3A_61 = arith.muli %parallel_loop3A_59, %parallel_loop3A_60 : i32
      %parallel_loop3A_62 = arith.index_cast %parallel_loop3A_61 : i32 to index
      %parallel_loop3A_63 = tpu.vector_load %arg6[%parallel_loop3A_62] {strides = array<i32>} : memref<2048xi32, #tpu.memory_space<vmem>>, vector<16xi32>,
      %parallel_loop3A_64 = arith.constant 24 : i32
      %parallel_loop3A_65 = vector.broadcast %parallel_loop3A_64 : i32 to vector<16xi32>
      %parallel_loop3A_66 = arith.muli %parallel_loop3A_63, %parallel_loop3A_65 : vector<16xi32>
      %parallel_loop3A_67 = arith.constant 0 : i32
      %parallel_loop3A_68 = vector.broadcast %parallel_loop3A_67 : i32 to vector<16xi32>
      %parallel_loop3A_69 = arith.addi %parallel_loop3A_66, %parallel_loop3A_68 : vector<16xi32>
      %parallel_loop3A_70 = tpu.vector_load_idx %arg5[%parallel_loop3A_69] : memref<2016xf32, #tpu.memory_space<vmem>>[vector<16xi32>], vector<16xf32>,
      %parallel_loop3A_71 = arith.constant 1 : i32
      %parallel_loop3A_72 = vector.broadcast %parallel_loop3A_71 : i32 to vector<16xi32>
      %parallel_loop3A_73 = arith.addi %parallel_loop3A_66, %parallel_loop3A_72 : vector<16xi32>
      %parallel_loop3A_74 = tpu.vector_load_idx %arg5[%parallel_loop3A_73] : memref<2016xf32, #tpu.memory_space<vmem>>[vector<16xi32>], vector<16xf32>,
      %parallel_loop3A_75 = arith.constant 2 : i32
      %parallel_loop3A_76 = vector.broadcast %parallel_loop3A_75 : i32 to vector<16xi32>
      %parallel_loop3A_77 = arith.addi %parallel_loop3A_66, %parallel_loop3A_76 : vector<16xi32>
      %parallel_loop3A_78 = tpu.vector_load_idx %arg5[%parallel_loop3A_77] : memref<2016xf32, #tpu.memory_space<vmem>>[vector<16xi32>], vector<16xf32>,
      %parallel_loop3A_79 = arith.constant 3 : i32
      %parallel_loop3A_80 = vector.broadcast %parallel_loop3A_79 : i32 to vector<16xi32>
      %parallel_loop3A_81 = arith.addi %parallel_loop3A_66, %parallel_loop3A_80 : vector<16xi32>
      %parallel_loop3A_82 = tpu.vector_load_idx %arg5[%parallel_loop3A_81] : memref<2016xf32, #tpu.memory_space<vmem>>[vector<16xi32>], vector<16xf32>,
      %parallel_loop3A_83 = arith.constant 4 : i32
      %parallel_loop3A_84 = vector.broadcast %parallel_loop3A_83 : i32 to vector<16xi32>
      %parallel_loop3A_85 = arith.addi %parallel_loop3A_66, %parallel_loop3A_84 : vector<16xi32>
      %parallel_loop3A_86 = tpu.vector_load_idx %arg5[%parallel_loop3A_85] : memref<2016xf32, #tpu.memory_space<vmem>>[vector<16xi32>], vector<16xf32>,
      %parallel_loop3A_87 = arith.constant 5 : i32
      %parallel_loop3A_88 = vector.broadcast %parallel_loop3A_87 : i32 to vector<16xi32>
      %parallel_loop3A_89 = arith.addi %parallel_loop3A_66, %parallel_loop3A_88 : vector<16xi32>
      %parallel_loop3A_90 = tpu.vector_load_idx %arg5[%parallel_loop3A_89] : memref<2016xf32, #tpu.memory_space<vmem>>[vector<16xi32>], vector<16xf32>,
      %parallel_loop3A_91 = arith.constant 6 : i32
      %parallel_loop3A_92 = vector.broadcast %parallel_loop3A_91 : i32 to vector<16xi32>
      %parallel_loop3A_93 = arith.addi %parallel_loop3A_66, %parallel_loop3A_92 : vector<16xi32>
      %parallel_loop3A_94 = tpu.vector_load_idx %arg5[%parallel_loop3A_93] : memref<2016xf32, #tpu.memory_space<vmem>>[vector<16xi32>], vector<16xf32>,
      %parallel_loop3A_95 = arith.constant 7 : i32
      %parallel_loop3A_96 = vector.broadcast %parallel_loop3A_95 : i32 to vector<16xi32>
      %parallel_loop3A_97 = arith.addi %parallel_loop3A_66, %parallel_loop3A_96 : vector<16xi32>
      %parallel_loop3A_98 = tpu.vector_load_idx %arg5[%parallel_loop3A_97] : memref<2016xf32, #tpu.memory_space<vmem>>[vector<16xi32>], vector<16xf32>,
      %parallel_loop3A_99 = arith.constant 8 : i32
      %parallel_loop3A_100 = vector.broadcast %parallel_loop3A_99 : i32 to vector<16xi32>
      %parallel_loop3A_101 = arith.addi %parallel_loop3A_66, %parallel_loop3A_100 : vector<16xi32>
      %parallel_loop3A_102 = tpu.vector_load_idx %arg5[%parallel_loop3A_101] : memref<2016xf32, #tpu.memory_space<vmem>>[vector<16xi32>], vector<16xf32>,
      %parallel_loop3A_103 = arith.constant 9 : i32
      %parallel_loop3A_104 = vector.broadcast %parallel_loop3A_103 : i32 to vector<16xi32>
      %parallel_loop3A_105 = arith.addi %parallel_loop3A_66, %parallel_loop3A_104 : vector<16xi32>
      %parallel_loop3A_106 = tpu.vector_load_idx %arg5[%parallel_loop3A_105] : memref<2016xf32, #tpu.memory_space<vmem>>[vector<16xi32>], vector<16xf32>,
      %parallel_loop3A_107 = arith.constant 10 : i32
      %parallel_loop3A_108 = vector.broadcast %parallel_loop3A_107 : i32 to vector<16xi32>
      %parallel_loop3A_109 = arith.addi %parallel_loop3A_66, %parallel_loop3A_108 : vector<16xi32>
      %parallel_loop3A_110 = tpu.vector_load_idx %arg5[%parallel_loop3A_109] : memref<2016xf32, #tpu.memory_space<vmem>>[vector<16xi32>], vector<16xf32>,
      %parallel_loop3A_111 = arith.constant 11 : i32
      %parallel_loop3A_112 = vector.broadcast %parallel_loop3A_111 : i32 to vector<16xi32>
      %parallel_loop3A_113 = arith.addi %parallel_loop3A_66, %parallel_loop3A_112 : vector<16xi32>
      %parallel_loop3A_114 = tpu.vector_load_idx %arg5[%parallel_loop3A_113] : memref<2016xf32, #tpu.memory_space<vmem>>[vector<16xi32>], vector<16xf32>,
      %parallel_loop3A_115 = arith.constant 12 : i32
      %parallel_loop3A_116 = vector.broadcast %parallel_loop3A_115 : i32 to vector<16xi32>
      %parallel_loop3A_117 = arith.addi %parallel_loop3A_66, %parallel_loop3A_116 : vector<16xi32>
      %parallel_loop3A_118 = tpu.vector_load_idx %arg5[%parallel_loop3A_117] : memref<2016xf32, #tpu.memory_space<vmem>>[vector<16xi32>], vector<16xf32>,
      %parallel_loop3A_119 = arith.constant 13 : i32
      %parallel_loop3A_120 = vector.broadcast %parallel_loop3A_119 : i32 to vector<16xi32>
      %parallel_loop3A_121 = arith.addi %parallel_loop3A_66, %parallel_loop3A_120 : vector<16xi32>
      %parallel_loop3A_122 = tpu.vector_load_idx %arg5[%parallel_loop3A_121] : memref<2016xf32, #tpu.memory_space<vmem>>[vector<16xi32>], vector<16xf32>,
      %parallel_loop3A_123 = arith.constant 14 : i32
      %parallel_loop3A_124 = vector.broadcast %parallel_loop3A_123 : i32 to vector<16xi32>
      %parallel_loop3A_125 = arith.addi %parallel_loop3A_66, %parallel_loop3A_124 : vector<16xi32>
      %parallel_loop3A_126 = tpu.vector_load_idx %arg5[%parallel_loop3A_125] : memref<2016xf32, #tpu.memory_space<vmem>>[vector<16xi32>], vector<16xf32>,
      %parallel_loop3A_127 = arith.constant 15 : i32
      %parallel_loop3A_128 = vector.broadcast %parallel_loop3A_127 : i32 to vector<16xi32>
      %parallel_loop3A_129 = arith.addi %parallel_loop3A_66, %parallel_loop3A_128 : vector<16xi32>
      %parallel_loop3A_130 = tpu.vector_load_idx %arg5[%parallel_loop3A_129] : memref<2016xf32, #tpu.memory_space<vmem>>[vector<16xi32>], vector<16xf32>,
      %parallel_loop3A_131 = arith.constant 16 : i32
      %parallel_loop3A_132 = vector.broadcast %parallel_loop3A_131 : i32 to vector<16xi32>
      %parallel_loop3A_133 = arith.addi %parallel_loop3A_66, %parallel_loop3A_132 : vector<16xi32>
      %parallel_loop3A_134 = tpu.vector_load_idx %arg5[%parallel_loop3A_133] : memref<2016xf32, #tpu.memory_space<vmem>>[vector<16xi32>], vector<16xf32>,
      %parallel_loop3A_135 = arith.constant 17 : i32
      %parallel_loop3A_136 = vector.broadcast %parallel_loop3A_135 : i32 to vector<16xi32>
      %parallel_loop3A_137 = arith.addi %parallel_loop3A_66, %parallel_loop3A_136 : vector<16xi32>
      %parallel_loop3A_138 = tpu.vector_load_idx %arg5[%parallel_loop3A_137] : memref<2016xf32, #tpu.memory_space<vmem>>[vector<16xi32>], vector<16xf32>,
      %parallel_loop3A_139 = arith.constant 18 : i32
      %parallel_loop3A_140 = vector.broadcast %parallel_loop3A_139 : i32 to vector<16xi32>
      %parallel_loop3A_141 = arith.addi %parallel_loop3A_66, %parallel_loop3A_140 : vector<16xi32>
      %parallel_loop3A_142 = tpu.vector_load_idx %arg5[%parallel_loop3A_141] : memref<2016xf32, #tpu.memory_space<vmem>>[vector<16xi32>], vector<16xf32>,
      %parallel_loop3A_143 = arith.constant 19 : i32
      %parallel_loop3A_144 = vector.broadcast %parallel_loop3A_143 : i32 to vector<16xi32>
      %parallel_loop3A_145 = arith.addi %parallel_loop3A_66, %parallel_loop3A_144 : vector<16xi32>
      %parallel_loop3A_146 = tpu.vector_load_idx %arg5[%parallel_loop3A_145] : memref<2016xf32, #tpu.memory_space<vmem>>[vector<16xi32>], vector<16xf32>,
      %parallel_loop3A_147 = arith.constant 20 : i32
      %parallel_loop3A_148 = vector.broadcast %parallel_loop3A_147 : i32 to vector<16xi32>
      %parallel_loop3A_149 = arith.addi %parallel_loop3A_66, %parallel_loop3A_148 : vector<16xi32>
      %parallel_loop3A_150 = tpu.vector_load_idx %arg5[%parallel_loop3A_149] : memref<2016xf32, #tpu.memory_space<vmem>>[vector<16xi32>], vector<16xf32>,
      %parallel_loop3A_151 = arith.constant 21 : i32
      %parallel_loop3A_152 = vector.broadcast %parallel_loop3A_151 : i32 to vector<16xi32>
      %parallel_loop3A_153 = arith.addi %parallel_loop3A_66, %parallel_loop3A_152 : vector<16xi32>
      %parallel_loop3A_154 = tpu.vector_load_idx %arg5[%parallel_loop3A_153] : memref<2016xf32, #tpu.memory_space<vmem>>[vector<16xi32>], vector<16xf32>,
      %parallel_loop3A_155 = arith.constant 22 : i32
      %parallel_loop3A_156 = vector.broadcast %parallel_loop3A_155 : i32 to vector<16xi32>
      %parallel_loop3A_157 = arith.addi %parallel_loop3A_66, %parallel_loop3A_156 : vector<16xi32>
      %parallel_loop3A_158 = tpu.vector_load_idx %arg5[%parallel_loop3A_157] : memref<2016xf32, #tpu.memory_space<vmem>>[vector<16xi32>], vector<16xf32>,
      %parallel_loop3A_159 = arith.constant 23 : i32
      %parallel_loop3A_160 = vector.broadcast %parallel_loop3A_159 : i32 to vector<16xi32>
      %parallel_loop3A_161 = arith.addi %parallel_loop3A_66, %parallel_loop3A_160 : vector<16xi32>
      %parallel_loop3A_162 = tpu.vector_load_idx %arg5[%parallel_loop3A_161] : memref<2016xf32, #tpu.memory_space<vmem>>[vector<16xi32>], vector<16xf32>,
      %parallel_loop3A_163 = arith.constant 0 : i32
      %parallel_loop3A_164 = arith.index_cast %parallel_loop3A_163 : i32 to index
      %parallel_loop3A_165 = arith.index_cast %parallel_loop3A_61 : i32 to index
      %parallel_loop3A_166 = tpu.vector_load %arg8[%parallel_loop3A_164, %parallel_loop3A_165] {strides = array<i32>} : memref<24x2048xf32, #tpu.memory_space<vmem>>, vector<16xf32>,
      tpu.vector_store %arg8[%parallel_loop3A_164, %parallel_loop3A_165], %parallel_loop3A_70 {strides = array<i32>} : memref<24x2048xf32, #tpu.memory_space<vmem>>, vector<16xf32>,
      %parallel_loop3A_167 = arith.constant 1 : i32
      %parallel_loop3A_168 = arith.index_cast %parallel_loop3A_167 : i32 to index
      %parallel_loop3A_169 = arith.index_cast %parallel_loop3A_61 : i32 to index
      %parallel_loop3A_170 = tpu.vector_load %arg8[%parallel_loop3A_168, %parallel_loop3A_169] {strides = array<i32>} : memref<24x2048xf32, #tpu.memory_space<vmem>>, vector<16xf32>,
      tpu.vector_store %arg8[%parallel_loop3A_168, %parallel_loop3A_169], %parallel_loop3A_74 {strides = array<i32>} : memref<24x2048xf32, #tpu.memory_space<vmem>>, vector<16xf32>,
      %parallel_loop3A_171 = arith.constant 2 : i32
      %parallel_loop3A_172 = arith.index_cast %parallel_loop3A_171 : i32 to index
      %parallel_loop3A_173 = arith.index_cast %parallel_loop3A_61 : i32 to index
      %parallel_loop3A_174 = tpu.vector_load %arg8[%parallel_loop3A_172, %parallel_loop3A_173] {strides = array<i32>} : memref<24x2048xf32, #tpu.memory_space<vmem>>, vector<16xf32>,
      tpu.vector_store %arg8[%parallel_loop3A_172, %parallel_loop3A_173], %parallel_loop3A_78 {strides = array<i32>} : memref<24x2048xf32, #tpu.memory_space<vmem>>, vector<16xf32>,
      %parallel_loop3A_175 = arith.constant 3 : i32
      %parallel_loop3A_176 = arith.index_cast %parallel_loop3A_175 : i32 to index
      %parallel_loop3A_177 = arith.index_cast %parallel_loop3A_61 : i32 to index
      %parallel_loop3A_178 = tpu.vector_load %arg8[%parallel_loop3A_176, %parallel_loop3A_177] {strides = array<i32>} : memref<24x2048xf32, #tpu.memory_space<vmem>>, vector<16xf32>,
      tpu.vector_store %arg8[%parallel_loop3A_176, %parallel_loop3A_177], %parallel_loop3A_82 {strides = array<i32>} : memref<24x2048xf32, #tpu.memory_space<vmem>>, vector<16xf32>,
      %parallel_loop3A_179 = arith.constant 4 : i32
      %parallel_loop3A_180 = arith.index_cast %parallel_loop3A_179 : i32 to index
      %parallel_loop3A_181 = arith.index_cast %parallel_loop3A_61 : i32 to index
      %parallel_loop3A_182 = tpu.vector_load %arg8[%parallel_loop3A_180, %parallel_loop3A_181] {strides = array<i32>} : memref<24x2048xf32, #tpu.memory_space<vmem>>, vector<16xf32>,
      tpu.vector_store %arg8[%parallel_loop3A_180, %parallel_loop3A_181], %parallel_loop3A_86 {strides = array<i32>} : memref<24x2048xf32, #tpu.memory_space<vmem>>, vector<16xf32>,
      %parallel_loop3A_183 = arith.constant 5 : i32
      %parallel_loop3A_184 = arith.index_cast %parallel_loop3A_183 : i32 to index
      %parallel_loop3A_185 = arith.index_cast %parallel_loop3A_61 : i32 to index
      %parallel_loop3A_186 = tpu.vector_load %arg8[%parallel_loop3A_184, %parallel_loop3A_185] {strides = array<i32>} : memref<24x2048xf32, #tpu.memory_space<vmem>>, vector<16xf32>,
      tpu.vector_store %arg8[%parallel_loop3A_184, %parallel_loop3A_185], %parallel_loop3A_90 {strides = array<i32>} : memref<24x2048xf32, #tpu.memory_space<vmem>>, vector<16xf32>,
      %parallel_loop3A_187 = arith.constant 6 : i32
      %parallel_loop3A_188 = arith.index_cast %parallel_loop3A_187 : i32 to index
      %parallel_loop3A_189 = arith.index_cast %parallel_loop3A_61 : i32 to index
      %parallel_loop3A_190 = tpu.vector_load %arg8[%parallel_loop3A_188, %parallel_loop3A_189] {strides = array<i32>} : memref<24x2048xf32, #tpu.memory_space<vmem>>, vector<16xf32>,
      tpu.vector_store %arg8[%parallel_loop3A_188, %parallel_loop3A_189], %parallel_loop3A_94 {strides = array<i32>} : memref<24x2048xf32, #tpu.memory_space<vmem>>, vector<16xf32>,
      %parallel_loop3A_191 = arith.constant 7 : i32
      %parallel_loop3A_192 = arith.index_cast %parallel_loop3A_191 : i32 to index
      %parallel_loop3A_193 = arith.index_cast %parallel_loop3A_61 : i32 to index
      %parallel_loop3A_194 = tpu.vector_load %arg8[%parallel_loop3A_192, %parallel_loop3A_193] {strides = array<i32>} : memref<24x2048xf32, #tpu.memory_space<vmem>>, vector<16xf32>,
      tpu.vector_store %arg8[%parallel_loop3A_192, %parallel_loop3A_193], %parallel_loop3A_98 {strides = array<i32>} : memref<24x2048xf32, #tpu.memory_space<vmem>>, vector<16xf32>,
      %parallel_loop3A_195 = arith.constant 8 : i32
      %parallel_loop3A_196 = arith.index_cast %parallel_loop3A_195 : i32 to index
      %parallel_loop3A_197 = arith.index_cast %parallel_loop3A_61 : i32 to index
      %parallel_loop3A_198 = tpu.vector_load %arg8[%parallel_loop3A_196, %parallel_loop3A_197] {strides = array<i32>} : memref<24x2048xf32, #tpu.memory_space<vmem>>, vector<16xf32>,
      tpu.vector_store %arg8[%parallel_loop3A_196, %parallel_loop3A_197], %parallel_loop3A_102 {strides = array<i32>} : memref<24x2048xf32, #tpu.memory_space<vmem>>, vector<16xf32>,
      %parallel_loop3A_199 = arith.constant 9 : i32
      %parallel_loop3A_200 = arith.index_cast %parallel_loop3A_199 : i32 to index
      %parallel_loop3A_201 = arith.index_cast %parallel_loop3A_61 : i32 to index
      %parallel_loop3A_202 = tpu.vector_load %arg8[%parallel_loop3A_200, %parallel_loop3A_201] {strides = array<i32>} : memref<24x2048xf32, #tpu.memory_space<vmem>>, vector<16xf32>,
      tpu.vector_store %arg8[%parallel_loop3A_200, %parallel_loop3A_201], %parallel_loop3A_106 {strides = array<i32>} : memref<24x2048xf32, #tpu.memory_space<vmem>>, vector<16xf32>,
      %parallel_loop3A_203 = arith.constant 10 : i32
      %parallel_loop3A_204 = arith.index_cast %parallel_loop3A_203 : i32 to index
      %parallel_loop3A_205 = arith.index_cast %parallel_loop3A_61 : i32 to index
      %parallel_loop3A_206 = tpu.vector_load %arg8[%parallel_loop3A_204, %parallel_loop3A_205] {strides = array<i32>} : memref<24x2048xf32, #tpu.memory_space<vmem>>, vector<16xf32>,
      tpu.vector_store %arg8[%parallel_loop3A_204, %parallel_loop3A_205], %parallel_loop3A_110 {strides = array<i32>} : memref<24x2048xf32, #tpu.memory_space<vmem>>, vector<16xf32>,
      %parallel_loop3A_207 = arith.constant 11 : i32
      %parallel_loop3A_208 = arith.index_cast %parallel_loop3A_207 : i32 to index
      %parallel_loop3A_209 = arith.index_cast %parallel_loop3A_61 : i32 to index
      %parallel_loop3A_210 = tpu.vector_load %arg8[%parallel_loop3A_208, %parallel_loop3A_209] {strides = array<i32>} : memref<24x2048xf32, #tpu.memory_space<vmem>>, vector<16xf32>,
      tpu.vector_store %arg8[%parallel_loop3A_208, %parallel_loop3A_209], %parallel_loop3A_114 {strides = array<i32>} : memref<24x2048xf32, #tpu.memory_space<vmem>>, vector<16xf32>,
      %parallel_loop3A_211 = arith.constant 12 : i32
      %parallel_loop3A_212 = arith.index_cast %parallel_loop3A_211 : i32 to index
      %parallel_loop3A_213 = arith.index_cast %parallel_loop3A_61 : i32 to index
      %parallel_loop3A_214 = tpu.vector_load %arg8[%parallel_loop3A_212, %parallel_loop3A_213] {strides = array<i32>} : memref<24x2048xf32, #tpu.memory_space<vmem>>, vector<16xf32>,
      tpu.vector_store %arg8[%parallel_loop3A_212, %parallel_loop3A_213], %parallel_loop3A_118 {strides = array<i32>} : memref<24x2048xf32, #tpu.memory_space<vmem>>, vector<16xf32>,
      %parallel_loop3A_215 = arith.constant 13 : i32
      %parallel_loop3A_216 = arith.index_cast %parallel_loop3A_215 : i32 to index
      %parallel_loop3A_217 = arith.index_cast %parallel_loop3A_61 : i32 to index
      %parallel_loop3A_218 = tpu.vector_load %arg8[%parallel_loop3A_216, %parallel_loop3A_217] {strides = array<i32>} : memref<24x2048xf32, #tpu.memory_space<vmem>>, vector<16xf32>,
      tpu.vector_store %arg8[%parallel_loop3A_216, %parallel_loop3A_217], %parallel_loop3A_122 {strides = array<i32>} : memref<24x2048xf32, #tpu.memory_space<vmem>>, vector<16xf32>,
      %parallel_loop3A_219 = arith.constant 14 : i32
      %parallel_loop3A_220 = arith.index_cast %parallel_loop3A_219 : i32 to index
      %parallel_loop3A_221 = arith.index_cast %parallel_loop3A_61 : i32 to index
      %parallel_loop3A_222 = tpu.vector_load %arg8[%parallel_loop3A_220, %parallel_loop3A_221] {strides = array<i32>} : memref<24x2048xf32, #tpu.memory_space<vmem>>, vector<16xf32>,
      tpu.vector_store %arg8[%parallel_loop3A_220, %parallel_loop3A_221], %parallel_loop3A_126 {strides = array<i32>} : memref<24x2048xf32, #tpu.memory_space<vmem>>, vector<16xf32>,
      %parallel_loop3A_223 = arith.constant 15 : i32
      %parallel_loop3A_224 = arith.index_cast %parallel_loop3A_223 : i32 to index
      %parallel_loop3A_225 = arith.index_cast %parallel_loop3A_61 : i32 to index
      %parallel_loop3A_226 = tpu.vector_load %arg8[%parallel_loop3A_224, %parallel_loop3A_225] {strides = array<i32>} : memref<24x2048xf32, #tpu.memory_space<vmem>>, vector<16xf32>,
      tpu.vector_store %arg8[%parallel_loop3A_224, %parallel_loop3A_225], %parallel_loop3A_130 {strides = array<i32>} : memref<24x2048xf32, #tpu.memory_space<vmem>>, vector<16xf32>,
      %parallel_loop3A_227 = arith.constant 16 : i32
      %parallel_loop3A_228 = arith.index_cast %parallel_loop3A_227 : i32 to index
      %parallel_loop3A_229 = arith.index_cast %parallel_loop3A_61 : i32 to index
      %parallel_loop3A_230 = tpu.vector_load %arg8[%parallel_loop3A_228, %parallel_loop3A_229] {strides = array<i32>} : memref<24x2048xf32, #tpu.memory_space<vmem>>, vector<16xf32>,
      tpu.vector_store %arg8[%parallel_loop3A_228, %parallel_loop3A_229], %parallel_loop3A_134 {strides = array<i32>} : memref<24x2048xf32, #tpu.memory_space<vmem>>, vector<16xf32>,
      %parallel_loop3A_231 = arith.constant 17 : i32
      %parallel_loop3A_232 = arith.index_cast %parallel_loop3A_231 : i32 to index
      %parallel_loop3A_233 = arith.index_cast %parallel_loop3A_61 : i32 to index
      %parallel_loop3A_234 = tpu.vector_load %arg8[%parallel_loop3A_232, %parallel_loop3A_233] {strides = array<i32>} : memref<24x2048xf32, #tpu.memory_space<vmem>>, vector<16xf32>,
      tpu.vector_store %arg8[%parallel_loop3A_232, %parallel_loop3A_233], %parallel_loop3A_138 {strides = array<i32>} : memref<24x2048xf32, #tpu.memory_space<vmem>>, vector<16xf32>,
      %parallel_loop3A_235 = arith.constant 18 : i32
      %parallel_loop3A_236 = arith.index_cast %parallel_loop3A_235 : i32 to index
      %parallel_loop3A_237 = arith.index_cast %parallel_loop3A_61 : i32 to index
      %parallel_loop3A_238 = tpu.vector_load %arg8[%parallel_loop3A_236, %parallel_loop3A_237] {strides = array<i32>} : memref<24x2048xf32, #tpu.memory_space<vmem>>, vector<16xf32>,
      tpu.vector_store %arg8[%parallel_loop3A_236, %parallel_loop3A_237], %parallel_loop3A_142 {strides = array<i32>} : memref<24x2048xf32, #tpu.memory_space<vmem>>, vector<16xf32>,
      %parallel_loop3A_239 = arith.constant 19 : i32
      %parallel_loop3A_240 = arith.index_cast %parallel_loop3A_239 : i32 to index
      %parallel_loop3A_241 = arith.index_cast %parallel_loop3A_61 : i32 to index
      %parallel_loop3A_242 = tpu.vector_load %arg8[%parallel_loop3A_240, %parallel_loop3A_241] {strides = array<i32>} : memref<24x2048xf32, #tpu.memory_space<vmem>>, vector<16xf32>,
      tpu.vector_store %arg8[%parallel_loop3A_240, %parallel_loop3A_241], %parallel_loop3A_146 {strides = array<i32>} : memref<24x2048xf32, #tpu.memory_space<vmem>>, vector<16xf32>,
      %parallel_loop3A_243 = arith.constant 20 : i32
      %parallel_loop3A_244 = arith.index_cast %parallel_loop3A_243 : i32 to index
      %parallel_loop3A_245 = arith.index_cast %parallel_loop3A_61 : i32 to index
      %parallel_loop3A_246 = tpu.vector_load %arg8[%parallel_loop3A_244, %parallel_loop3A_245] {strides = array<i32>} : memref<24x2048xf32, #tpu.memory_space<vmem>>, vector<16xf32>,
      tpu.vector_store %arg8[%parallel_loop3A_244, %parallel_loop3A_245], %parallel_loop3A_150 {strides = array<i32>} : memref<24x2048xf32, #tpu.memory_space<vmem>>, vector<16xf32>,
      %parallel_loop3A_247 = arith.constant 21 : i32
      %parallel_loop3A_248 = arith.index_cast %parallel_loop3A_247 : i32 to index
      %parallel_loop3A_249 = arith.index_cast %parallel_loop3A_61 : i32 to index
      %parallel_loop3A_250 = tpu.vector_load %arg8[%parallel_loop3A_248, %parallel_loop3A_249] {strides = array<i32>} : memref<24x2048xf32, #tpu.memory_space<vmem>>, vector<16xf32>,
      tpu.vector_store %arg8[%parallel_loop3A_248, %parallel_loop3A_249], %parallel_loop3A_154 {strides = array<i32>} : memref<24x2048xf32, #tpu.memory_space<vmem>>, vector<16xf32>,
      %parallel_loop3A_251 = arith.constant 22 : i32
      %parallel_loop3A_252 = arith.index_cast %parallel_loop3A_251 : i32 to index
      %parallel_loop3A_253 = arith.index_cast %parallel_loop3A_61 : i32 to index
      %parallel_loop3A_254 = tpu.vector_load %arg8[%parallel_loop3A_252, %parallel_loop3A_253] {strides = array<i32>} : memref<24x2048xf32, #tpu.memory_space<vmem>>, vector<16xf32>,
      tpu.vector_store %arg8[%parallel_loop3A_252, %parallel_loop3A_253], %parallel_loop3A_158 {strides = array<i32>} : memref<24x2048xf32, #tpu.memory_space<vmem>>, vector<16xf32>,
      %parallel_loop3A_255 = arith.constant 23 : i32
      %parallel_loop3A_256 = arith.index_cast %parallel_loop3A_255 : i32 to index
      %parallel_loop3A_257 = arith.index_cast %parallel_loop3A_61 : i32 to index
      %parallel_loop3A_258 = tpu.vector_load %arg8[%parallel_loop3A_256, %parallel_loop3A_257] {strides = array<i32>} : memref<24x2048xf32, #tpu.memory_space<vmem>>, vector<16xf32>,
      tpu.vector_store %arg8[%parallel_loop3A_256, %parallel_loop3A_257], %parallel_loop3A_162 {strides = array<i32>} : memref<24x2048xf32, #tpu.memory_space<vmem>>, vector<16xf32>,
    } {sc.loop_unroll_factor = 8 : i64, sc.parallel_access}
    %add3A_15 = arith.constant 0 : i32
    %add3A_16 = arith.addi %mul3A_2, %add3A_15 : i32
    %dma_start3A_17 = arith.constant 0 : i32
    %dma_start3A_18 = tpu.memref_slice %arg4[%dma_start3A_17, %add3A_16] : memref<24x1048576xf32, #tpu.memory_space<hbm>> -> memref<24x2048xf32, #tpu.memory_space<hbm>>
    %dma_start3A_19 = arith.constant 0 : i32
    %dma_start3A_20 = tpu.memref_slice %arg4[%dma_start3A_19, %add3A_16] : memref<24x1048576xf32, #tpu.memory_space<hbm>> -> memref<24x2048xf32, #tpu.memory_space<hbm>>
    tpu.enqueue_dma source(%arg8 : memref<24x2048xf32, #tpu.memory_space<vmem>>) target(%dma_start3A_20 : memref<24x2048xf32, #tpu.memory_space<hbm>>) target_semaphore(%arg12 : memref<!tpu.dma_semaphore, #tpu.memory_space<semaphore_mem>>)
    %add3A_21 = arith.constant 4096 : i32
    %add3A_22 = arith.addi %mul3A_2, %add3A_21 : i32
    %dma_start3A_23 = tpu.memref_slice %arg2[%add3A_22] : memref<1048576xi32, #tpu.memory_space<hbm>> -> memref<2048xi32, #tpu.memory_space<hbm>>
    %dma_start3A_24 = tpu.memref_slice %arg2[%add3A_22] : memref<1048576xi32, #tpu.memory_space<hbm>> -> memref<2048xi32, #tpu.memory_space<hbm>>
    tpu.enqueue_dma source(%dma_start3A_24 : memref<2048xi32, #tpu.memory_space<hbm>>) target(%arg6 : memref<2048xi32, #tpu.memory_space<vmem>>) target_semaphore(%arg10 : memref<!tpu.dma_semaphore, #tpu.memory_space<semaphore_mem>>)
    %dma_wait3A_25 = arith.constant 0 : i32
    %dma_wait3A_26 = tpu.memref_slice %arg2[%dma_wait3A_25] : memref<1048576xi32, #tpu.memory_space<hbm>> -> memref<2048xi32, #tpu.memory_space<hbm>>
    %dma_wait3A_27 = arith.constant 0 : i32
    %dma_wait3A_28 = tpu.memref_slice %arg2[%dma_wait3A_27] : memref<1048576xi32, #tpu.memory_space<hbm>> -> memref<2048xi32, #tpu.memory_space<hbm>>
    tpu.wait_dma2 semaphore(%arg11 : memref<!tpu.dma_semaphore, #tpu.memory_space<semaphore_mem>>) src(%dma_wait3A_28 : memref<2048xi32, #tpu.memory_space<hbm>>) dst(%arg7 : memref<2048xi32, #tpu.memory_space<vmem>>)
    %parallel_loop3A_29 = arith.constant 0 : i32
    %parallel_loop3A_30 = arith.constant 128 : i32
    %parallel_loop3A_31 = arith.constant 1 : i32
    scf.for %parallel_loop3A_59 = %parallel_loop3A_29 to %parallel_loop3A_30 step %parallel_loop3A_31  : i32 {
      %parallel_loop3A_60 = arith.constant 16 : i32
      %parallel_loop3A_61 = arith.muli %parallel_loop3A_59, %parallel_loop3A_60 : i32
      %parallel_loop3A_62 = arith.index_cast %parallel_loop3A_61 : i32 to index
      %parallel_loop3A_63 = tpu.vector_load %arg7[%parallel_loop3A_62] {strides = array<i32>} : memref<2048xi32, #tpu.memory_space<vmem>>, vector<16xi32>,
      %parallel_loop3A_64 = arith.constant 24 : i32
      %parallel_loop3A_65 = vector.broadcast %parallel_loop3A_64 : i32 to vector<16xi32>
      %parallel_loop3A_66 = arith.muli %parallel_loop3A_63, %parallel_loop3A_65 : vector<16xi32>
      %parallel_loop3A_67 = arith.constant 0 : i32
      %parallel_loop3A_68 = vector.broadcast %parallel_loop3A_67 : i32 to vector<16xi32>
      %parallel_loop3A_69 = arith.addi %parallel_loop3A_66, %parallel_loop3A_68 : vector<16xi32>
      %parallel_loop3A_70 = tpu.vector_load_idx %arg5[%parallel_loop3A_69] : memref<2016xf32, #tpu.memory_space<vmem>>[vector<16xi32>], vector<16xf32>,
      %parallel_loop3A_71 = arith.constant 1 : i32
      %parallel_loop3A_72 = vector.broadcast %parallel_loop3A_71 : i32 to vector<16xi32>
      %parallel_loop3A_73 = arith.addi %parallel_loop3A_66, %parallel_loop3A_72 : vector<16xi32>
      %parallel_loop3A_74 = tpu.vector_load_idx %arg5[%parallel_loop3A_73] : memref<2016xf32, #tpu.memory_space<vmem>>[vector<16xi32>], vector<16xf32>,
      %parallel_loop3A_75 = arith.constant 2 : i32
      %parallel_loop3A_76 = vector.broadcast %parallel_loop3A_75 : i32 to vector<16xi32>
      %parallel_loop3A_77 = arith.addi %parallel_loop3A_66, %parallel_loop3A_76 : vector<16xi32>
      %parallel_loop3A_78 = tpu.vector_load_idx %arg5[%parallel_loop3A_77] : memref<2016xf32, #tpu.memory_space<vmem>>[vector<16xi32>], vector<16xf32>,
      %parallel_loop3A_79 = arith.constant 3 : i32
      %parallel_loop3A_80 = vector.broadcast %parallel_loop3A_79 : i32 to vector<16xi32>
      %parallel_loop3A_81 = arith.addi %parallel_loop3A_66, %parallel_loop3A_80 : vector<16xi32>
      %parallel_loop3A_82 = tpu.vector_load_idx %arg5[%parallel_loop3A_81] : memref<2016xf32, #tpu.memory_space<vmem>>[vector<16xi32>], vector<16xf32>,
      %parallel_loop3A_83 = arith.constant 4 : i32
      %parallel_loop3A_84 = vector.broadcast %parallel_loop3A_83 : i32 to vector<16xi32>
      %parallel_loop3A_85 = arith.addi %parallel_loop3A_66, %parallel_loop3A_84 : vector<16xi32>
      %parallel_loop3A_86 = tpu.vector_load_idx %arg5[%parallel_loop3A_85] : memref<2016xf32, #tpu.memory_space<vmem>>[vector<16xi32>], vector<16xf32>,
      %parallel_loop3A_87 = arith.constant 5 : i32
      %parallel_loop3A_88 = vector.broadcast %parallel_loop3A_87 : i32 to vector<16xi32>
      %parallel_loop3A_89 = arith.addi %parallel_loop3A_66, %parallel_loop3A_88 : vector<16xi32>
      %parallel_loop3A_90 = tpu.vector_load_idx %arg5[%parallel_loop3A_89] : memref<2016xf32, #tpu.memory_space<vmem>>[vector<16xi32>], vector<16xf32>,
      %parallel_loop3A_91 = arith.constant 6 : i32
      %parallel_loop3A_92 = vector.broadcast %parallel_loop3A_91 : i32 to vector<16xi32>
      %parallel_loop3A_93 = arith.addi %parallel_loop3A_66, %parallel_loop3A_92 : vector<16xi32>
      %parallel_loop3A_94 = tpu.vector_load_idx %arg5[%parallel_loop3A_93] : memref<2016xf32, #tpu.memory_space<vmem>>[vector<16xi32>], vector<16xf32>,
      %parallel_loop3A_95 = arith.constant 7 : i32
      %parallel_loop3A_96 = vector.broadcast %parallel_loop3A_95 : i32 to vector<16xi32>
      %parallel_loop3A_97 = arith.addi %parallel_loop3A_66, %parallel_loop3A_96 : vector<16xi32>
      %parallel_loop3A_98 = tpu.vector_load_idx %arg5[%parallel_loop3A_97] : memref<2016xf32, #tpu.memory_space<vmem>>[vector<16xi32>], vector<16xf32>,
      %parallel_loop3A_99 = arith.constant 8 : i32
      %parallel_loop3A_100 = vector.broadcast %parallel_loop3A_99 : i32 to vector<16xi32>
      %parallel_loop3A_101 = arith.addi %parallel_loop3A_66, %parallel_loop3A_100 : vector<16xi32>
      %parallel_loop3A_102 = tpu.vector_load_idx %arg5[%parallel_loop3A_101] : memref<2016xf32, #tpu.memory_space<vmem>>[vector<16xi32>], vector<16xf32>,
      %parallel_loop3A_103 = arith.constant 9 : i32
      %parallel_loop3A_104 = vector.broadcast %parallel_loop3A_103 : i32 to vector<16xi32>
      %parallel_loop3A_105 = arith.addi %parallel_loop3A_66, %parallel_loop3A_104 : vector<16xi32>
      %parallel_loop3A_106 = tpu.vector_load_idx %arg5[%parallel_loop3A_105] : memref<2016xf32, #tpu.memory_space<vmem>>[vector<16xi32>], vector<16xf32>,
      %parallel_loop3A_107 = arith.constant 10 : i32
      %parallel_loop3A_108 = vector.broadcast %parallel_loop3A_107 : i32 to vector<16xi32>
      %parallel_loop3A_109 = arith.addi %parallel_loop3A_66, %parallel_loop3A_108 : vector<16xi32>
      %parallel_loop3A_110 = tpu.vector_load_idx %arg5[%parallel_loop3A_109] : memref<2016xf32, #tpu.memory_space<vmem>>[vector<16xi32>], vector<16xf32>,
      %parallel_loop3A_111 = arith.constant 11 : i32
      %parallel_loop3A_112 = vector.broadcast %parallel_loop3A_111 : i32 to vector<16xi32>
      %parallel_loop3A_113 = arith.addi %parallel_loop3A_66, %parallel_loop3A_112 : vector<16xi32>
      %parallel_loop3A_114 = tpu.vector_load_idx %arg5[%parallel_loop3A_113] : memref<2016xf32, #tpu.memory_space<vmem>>[vector<16xi32>], vector<16xf32>,
      %parallel_loop3A_115 = arith.constant 12 : i32
      %parallel_loop3A_116 = vector.broadcast %parallel_loop3A_115 : i32 to vector<16xi32>
      %parallel_loop3A_117 = arith.addi %parallel_loop3A_66, %parallel_loop3A_116 : vector<16xi32>
      %parallel_loop3A_118 = tpu.vector_load_idx %arg5[%parallel_loop3A_117] : memref<2016xf32, #tpu.memory_space<vmem>>[vector<16xi32>], vector<16xf32>,
      %parallel_loop3A_119 = arith.constant 13 : i32
      %parallel_loop3A_120 = vector.broadcast %parallel_loop3A_119 : i32 to vector<16xi32>
      %parallel_loop3A_121 = arith.addi %parallel_loop3A_66, %parallel_loop3A_120 : vector<16xi32>
      %parallel_loop3A_122 = tpu.vector_load_idx %arg5[%parallel_loop3A_121] : memref<2016xf32, #tpu.memory_space<vmem>>[vector<16xi32>], vector<16xf32>,
      %parallel_loop3A_123 = arith.constant 14 : i32
      %parallel_loop3A_124 = vector.broadcast %parallel_loop3A_123 : i32 to vector<16xi32>
      %parallel_loop3A_125 = arith.addi %parallel_loop3A_66, %parallel_loop3A_124 : vector<16xi32>
      %parallel_loop3A_126 = tpu.vector_load_idx %arg5[%parallel_loop3A_125] : memref<2016xf32, #tpu.memory_space<vmem>>[vector<16xi32>], vector<16xf32>,
      %parallel_loop3A_127 = arith.constant 15 : i32
      %parallel_loop3A_128 = vector.broadcast %parallel_loop3A_127 : i32 to vector<16xi32>
      %parallel_loop3A_129 = arith.addi %parallel_loop3A_66, %parallel_loop3A_128 : vector<16xi32>
      %parallel_loop3A_130 = tpu.vector_load_idx %arg5[%parallel_loop3A_129] : memref<2016xf32, #tpu.memory_space<vmem>>[vector<16xi32>], vector<16xf32>,
      %parallel_loop3A_131 = arith.constant 16 : i32
      %parallel_loop3A_132 = vector.broadcast %parallel_loop3A_131 : i32 to vector<16xi32>
      %parallel_loop3A_133 = arith.addi %parallel_loop3A_66, %parallel_loop3A_132 : vector<16xi32>
      %parallel_loop3A_134 = tpu.vector_load_idx %arg5[%parallel_loop3A_133] : memref<2016xf32, #tpu.memory_space<vmem>>[vector<16xi32>], vector<16xf32>,
      %parallel_loop3A_135 = arith.constant 17 : i32
      %parallel_loop3A_136 = vector.broadcast %parallel_loop3A_135 : i32 to vector<16xi32>
      %parallel_loop3A_137 = arith.addi %parallel_loop3A_66, %parallel_loop3A_136 : vector<16xi32>
      %parallel_loop3A_138 = tpu.vector_load_idx %arg5[%parallel_loop3A_137] : memref<2016xf32, #tpu.memory_space<vmem>>[vector<16xi32>], vector<16xf32>,
      %parallel_loop3A_139 = arith.constant 18 : i32
      %parallel_loop3A_140 = vector.broadcast %parallel_loop3A_139 : i32 to vector<16xi32>
      %parallel_loop3A_141 = arith.addi %parallel_loop3A_66, %parallel_loop3A_140 : vector<16xi32>
      %parallel_loop3A_142 = tpu.vector_load_idx %arg5[%parallel_loop3A_141] : memref<2016xf32, #tpu.memory_space<vmem>>[vector<16xi32>], vector<16xf32>,
      %parallel_loop3A_143 = arith.constant 19 : i32
      %parallel_loop3A_144 = vector.broadcast %parallel_loop3A_143 : i32 to vector<16xi32>
      %parallel_loop3A_145 = arith.addi %parallel_loop3A_66, %parallel_loop3A_144 : vector<16xi32>
      %parallel_loop3A_146 = tpu.vector_load_idx %arg5[%parallel_loop3A_145] : memref<2016xf32, #tpu.memory_space<vmem>>[vector<16xi32>], vector<16xf32>,
      %parallel_loop3A_147 = arith.constant 20 : i32
      %parallel_loop3A_148 = vector.broadcast %parallel_loop3A_147 : i32 to vector<16xi32>
      %parallel_loop3A_149 = arith.addi %parallel_loop3A_66, %parallel_loop3A_148 : vector<16xi32>
      %parallel_loop3A_150 = tpu.vector_load_idx %arg5[%parallel_loop3A_149] : memref<2016xf32, #tpu.memory_space<vmem>>[vector<16xi32>], vector<16xf32>,
      %parallel_loop3A_151 = arith.constant 21 : i32
      %parallel_loop3A_152 = vector.broadcast %parallel_loop3A_151 : i32 to vector<16xi32>
      %parallel_loop3A_153 = arith.addi %parallel_loop3A_66, %parallel_loop3A_152 : vector<16xi32>
      %parallel_loop3A_154 = tpu.vector_load_idx %arg5[%parallel_loop3A_153] : memref<2016xf32, #tpu.memory_space<vmem>>[vector<16xi32>], vector<16xf32>,
      %parallel_loop3A_155 = arith.constant 22 : i32
      %parallel_loop3A_156 = vector.broadcast %parallel_loop3A_155 : i32 to vector<16xi32>
      %parallel_loop3A_157 = arith.addi %parallel_loop3A_66, %parallel_loop3A_156 : vector<16xi32>
      %parallel_loop3A_158 = tpu.vector_load_idx %arg5[%parallel_loop3A_157] : memref<2016xf32, #tpu.memory_space<vmem>>[vector<16xi32>], vector<16xf32>,
      %parallel_loop3A_159 = arith.constant 23 : i32
      %parallel_loop3A_160 = vector.broadcast %parallel_loop3A_159 : i32 to vector<16xi32>
      %parallel_loop3A_161 = arith.addi %parallel_loop3A_66, %parallel_loop3A_160 : vector<16xi32>
      %parallel_loop3A_162 = tpu.vector_load_idx %arg5[%parallel_loop3A_161] : memref<2016xf32, #tpu.memory_space<vmem>>[vector<16xi32>], vector<16xf32>,
      %parallel_loop3A_163 = arith.constant 0 : i32
      %parallel_loop3A_164 = arith.index_cast %parallel_loop3A_163 : i32 to index
      %parallel_loop3A_165 = arith.index_cast %parallel_loop3A_61 : i32 to index
      %parallel_loop3A_166 = tpu.vector_load %arg9[%parallel_loop3A_164, %parallel_loop3A_165] {strides = array<i32>} : memref<24x2048xf32, #tpu.memory_space<vmem>>, vector<16xf32>,
      tpu.vector_store %arg9[%parallel_loop3A_164, %parallel_loop3A_165], %parallel_loop3A_70 {strides = array<i32>} : memref<24x2048xf32, #tpu.memory_space<vmem>>, vector<16xf32>,
      %parallel_loop3A_167 = arith.constant 1 : i32
      %parallel_loop3A_168 = arith.index_cast %parallel_loop3A_167 : i32 to index
      %parallel_loop3A_169 = arith.index_cast %parallel_loop3A_61 : i32 to index
      %parallel_loop3A_170 = tpu.vector_load %arg9[%parallel_loop3A_168, %parallel_loop3A_169] {strides = array<i32>} : memref<24x2048xf32, #tpu.memory_space<vmem>>, vector<16xf32>,
      tpu.vector_store %arg9[%parallel_loop3A_168, %parallel_loop3A_169], %parallel_loop3A_74 {strides = array<i32>} : memref<24x2048xf32, #tpu.memory_space<vmem>>, vector<16xf32>,
      %parallel_loop3A_171 = arith.constant 2 : i32
      %parallel_loop3A_172 = arith.index_cast %parallel_loop3A_171 : i32 to index
      %parallel_loop3A_173 = arith.index_cast %parallel_loop3A_61 : i32 to index
      %parallel_loop3A_174 = tpu.vector_load %arg9[%parallel_loop3A_172, %parallel_loop3A_173] {strides = array<i32>} : memref<24x2048xf32, #tpu.memory_space<vmem>>, vector<16xf32>,
      tpu.vector_store %arg9[%parallel_loop3A_172, %parallel_loop3A_173], %parallel_loop3A_78 {strides = array<i32>} : memref<24x2048xf32, #tpu.memory_space<vmem>>, vector<16xf32>,
      %parallel_loop3A_175 = arith.constant 3 : i32
      %parallel_loop3A_176 = arith.index_cast %parallel_loop3A_175 : i32 to index
      %parallel_loop3A_177 = arith.index_cast %parallel_loop3A_61 : i32 to index
      %parallel_loop3A_178 = tpu.vector_load %arg9[%parallel_loop3A_176, %parallel_loop3A_177] {strides = array<i32>} : memref<24x2048xf32, #tpu.memory_space<vmem>>, vector<16xf32>,
      tpu.vector_store %arg9[%parallel_loop3A_176, %parallel_loop3A_177], %parallel_loop3A_82 {strides = array<i32>} : memref<24x2048xf32, #tpu.memory_space<vmem>>, vector<16xf32>,
      %parallel_loop3A_179 = arith.constant 4 : i32
      %parallel_loop3A_180 = arith.index_cast %parallel_loop3A_179 : i32 to index
      %parallel_loop3A_181 = arith.index_cast %parallel_loop3A_61 : i32 to index
      %parallel_loop3A_182 = tpu.vector_load %arg9[%parallel_loop3A_180, %parallel_loop3A_181] {strides = array<i32>} : memref<24x2048xf32, #tpu.memory_space<vmem>>, vector<16xf32>,
      tpu.vector_store %arg9[%parallel_loop3A_180, %parallel_loop3A_181], %parallel_loop3A_86 {strides = array<i32>} : memref<24x2048xf32, #tpu.memory_space<vmem>>, vector<16xf32>,
      %parallel_loop3A_183 = arith.constant 5 : i32
      %parallel_loop3A_184 = arith.index_cast %parallel_loop3A_183 : i32 to index
      %parallel_loop3A_185 = arith.index_cast %parallel_loop3A_61 : i32 to index
      %parallel_loop3A_186 = tpu.vector_load %arg9[%parallel_loop3A_184, %parallel_loop3A_185] {strides = array<i32>} : memref<24x2048xf32, #tpu.memory_space<vmem>>, vector<16xf32>,
      tpu.vector_store %arg9[%parallel_loop3A_184, %parallel_loop3A_185], %parallel_loop3A_90 {strides = array<i32>} : memref<24x2048xf32, #tpu.memory_space<vmem>>, vector<16xf32>,
      %parallel_loop3A_187 = arith.constant 6 : i32
      %parallel_loop3A_188 = arith.index_cast %parallel_loop3A_187 : i32 to index
      %parallel_loop3A_189 = arith.index_cast %parallel_loop3A_61 : i32 to index
      %parallel_loop3A_190 = tpu.vector_load %arg9[%parallel_loop3A_188, %parallel_loop3A_189] {strides = array<i32>} : memref<24x2048xf32, #tpu.memory_space<vmem>>, vector<16xf32>,
      tpu.vector_store %arg9[%parallel_loop3A_188, %parallel_loop3A_189], %parallel_loop3A_94 {strides = array<i32>} : memref<24x2048xf32, #tpu.memory_space<vmem>>, vector<16xf32>,
      %parallel_loop3A_191 = arith.constant 7 : i32
      %parallel_loop3A_192 = arith.index_cast %parallel_loop3A_191 : i32 to index
      %parallel_loop3A_193 = arith.index_cast %parallel_loop3A_61 : i32 to index
      %parallel_loop3A_194 = tpu.vector_load %arg9[%parallel_loop3A_192, %parallel_loop3A_193] {strides = array<i32>} : memref<24x2048xf32, #tpu.memory_space<vmem>>, vector<16xf32>,
      tpu.vector_store %arg9[%parallel_loop3A_192, %parallel_loop3A_193], %parallel_loop3A_98 {strides = array<i32>} : memref<24x2048xf32, #tpu.memory_space<vmem>>, vector<16xf32>,
      %parallel_loop3A_195 = arith.constant 8 : i32
      %parallel_loop3A_196 = arith.index_cast %parallel_loop3A_195 : i32 to index
      %parallel_loop3A_197 = arith.index_cast %parallel_loop3A_61 : i32 to index
      %parallel_loop3A_198 = tpu.vector_load %arg9[%parallel_loop3A_196, %parallel_loop3A_197] {strides = array<i32>} : memref<24x2048xf32, #tpu.memory_space<vmem>>, vector<16xf32>,
      tpu.vector_store %arg9[%parallel_loop3A_196, %parallel_loop3A_197], %parallel_loop3A_102 {strides = array<i32>} : memref<24x2048xf32, #tpu.memory_space<vmem>>, vector<16xf32>,
      %parallel_loop3A_199 = arith.constant 9 : i32
      %parallel_loop3A_200 = arith.index_cast %parallel_loop3A_199 : i32 to index
      %parallel_loop3A_201 = arith.index_cast %parallel_loop3A_61 : i32 to index
      %parallel_loop3A_202 = tpu.vector_load %arg9[%parallel_loop3A_200, %parallel_loop3A_201] {strides = array<i32>} : memref<24x2048xf32, #tpu.memory_space<vmem>>, vector<16xf32>,
      tpu.vector_store %arg9[%parallel_loop3A_200, %parallel_loop3A_201], %parallel_loop3A_106 {strides = array<i32>} : memref<24x2048xf32, #tpu.memory_space<vmem>>, vector<16xf32>,
      %parallel_loop3A_203 = arith.constant 10 : i32
      %parallel_loop3A_204 = arith.index_cast %parallel_loop3A_203 : i32 to index
      %parallel_loop3A_205 = arith.index_cast %parallel_loop3A_61 : i32 to index
      %parallel_loop3A_206 = tpu.vector_load %arg9[%parallel_loop3A_204, %parallel_loop3A_205] {strides = array<i32>} : memref<24x2048xf32, #tpu.memory_space<vmem>>, vector<16xf32>,
      tpu.vector_store %arg9[%parallel_loop3A_204, %parallel_loop3A_205], %parallel_loop3A_110 {strides = array<i32>} : memref<24x2048xf32, #tpu.memory_space<vmem>>, vector<16xf32>,
      %parallel_loop3A_207 = arith.constant 11 : i32
      %parallel_loop3A_208 = arith.index_cast %parallel_loop3A_207 : i32 to index
      %parallel_loop3A_209 = arith.index_cast %parallel_loop3A_61 : i32 to index
      %parallel_loop3A_210 = tpu.vector_load %arg9[%parallel_loop3A_208, %parallel_loop3A_209] {strides = array<i32>} : memref<24x2048xf32, #tpu.memory_space<vmem>>, vector<16xf32>,
      tpu.vector_store %arg9[%parallel_loop3A_208, %parallel_loop3A_209], %parallel_loop3A_114 {strides = array<i32>} : memref<24x2048xf32, #tpu.memory_space<vmem>>, vector<16xf32>,
      %parallel_loop3A_211 = arith.constant 12 : i32
      %parallel_loop3A_212 = arith.index_cast %parallel_loop3A_211 : i32 to index
      %parallel_loop3A_213 = arith.index_cast %parallel_loop3A_61 : i32 to index
      %parallel_loop3A_214 = tpu.vector_load %arg9[%parallel_loop3A_212, %parallel_loop3A_213] {strides = array<i32>} : memref<24x2048xf32, #tpu.memory_space<vmem>>, vector<16xf32>,
      tpu.vector_store %arg9[%parallel_loop3A_212, %parallel_loop3A_213], %parallel_loop3A_118 {strides = array<i32>} : memref<24x2048xf32, #tpu.memory_space<vmem>>, vector<16xf32>,
      %parallel_loop3A_215 = arith.constant 13 : i32
      %parallel_loop3A_216 = arith.index_cast %parallel_loop3A_215 : i32 to index
      %parallel_loop3A_217 = arith.index_cast %parallel_loop3A_61 : i32 to index
      %parallel_loop3A_218 = tpu.vector_load %arg9[%parallel_loop3A_216, %parallel_loop3A_217] {strides = array<i32>} : memref<24x2048xf32, #tpu.memory_space<vmem>>, vector<16xf32>,
      tpu.vector_store %arg9[%parallel_loop3A_216, %parallel_loop3A_217], %parallel_loop3A_122 {strides = array<i32>} : memref<24x2048xf32, #tpu.memory_space<vmem>>, vector<16xf32>,
      %parallel_loop3A_219 = arith.constant 14 : i32
      %parallel_loop3A_220 = arith.index_cast %parallel_loop3A_219 : i32 to index
      %parallel_loop3A_221 = arith.index_cast %parallel_loop3A_61 : i32 to index
      %parallel_loop3A_222 = tpu.vector_load %arg9[%parallel_loop3A_220, %parallel_loop3A_221] {strides = array<i32>} : memref<24x2048xf32, #tpu.memory_space<vmem>>, vector<16xf32>,
      tpu.vector_store %arg9[%parallel_loop3A_220, %parallel_loop3A_221], %parallel_loop3A_126 {strides = array<i32>} : memref<24x2048xf32, #tpu.memory_space<vmem>>, vector<16xf32>,
      %parallel_loop3A_223 = arith.constant 15 : i32
      %parallel_loop3A_224 = arith.index_cast %parallel_loop3A_223 : i32 to index
      %parallel_loop3A_225 = arith.index_cast %parallel_loop3A_61 : i32 to index
      %parallel_loop3A_226 = tpu.vector_load %arg9[%parallel_loop3A_224, %parallel_loop3A_225] {strides = array<i32>} : memref<24x2048xf32, #tpu.memory_space<vmem>>, vector<16xf32>,
      tpu.vector_store %arg9[%parallel_loop3A_224, %parallel_loop3A_225], %parallel_loop3A_130 {strides = array<i32>} : memref<24x2048xf32, #tpu.memory_space<vmem>>, vector<16xf32>,
      %parallel_loop3A_227 = arith.constant 16 : i32
      %parallel_loop3A_228 = arith.index_cast %parallel_loop3A_227 : i32 to index
      %parallel_loop3A_229 = arith.index_cast %parallel_loop3A_61 : i32 to index
      %parallel_loop3A_230 = tpu.vector_load %arg9[%parallel_loop3A_228, %parallel_loop3A_229] {strides = array<i32>} : memref<24x2048xf32, #tpu.memory_space<vmem>>, vector<16xf32>,
      tpu.vector_store %arg9[%parallel_loop3A_228, %parallel_loop3A_229], %parallel_loop3A_134 {strides = array<i32>} : memref<24x2048xf32, #tpu.memory_space<vmem>>, vector<16xf32>,
      %parallel_loop3A_231 = arith.constant 17 : i32
      %parallel_loop3A_232 = arith.index_cast %parallel_loop3A_231 : i32 to index
      %parallel_loop3A_233 = arith.index_cast %parallel_loop3A_61 : i32 to index
      %parallel_loop3A_234 = tpu.vector_load %arg9[%parallel_loop3A_232, %parallel_loop3A_233] {strides = array<i32>} : memref<24x2048xf32, #tpu.memory_space<vmem>>, vector<16xf32>,
      tpu.vector_store %arg9[%parallel_loop3A_232, %parallel_loop3A_233], %parallel_loop3A_138 {strides = array<i32>} : memref<24x2048xf32, #tpu.memory_space<vmem>>, vector<16xf32>,
      %parallel_loop3A_235 = arith.constant 18 : i32
      %parallel_loop3A_236 = arith.index_cast %parallel_loop3A_235 : i32 to index
      %parallel_loop3A_237 = arith.index_cast %parallel_loop3A_61 : i32 to index
      %parallel_loop3A_238 = tpu.vector_load %arg9[%parallel_loop3A_236, %parallel_loop3A_237] {strides = array<i32>} : memref<24x2048xf32, #tpu.memory_space<vmem>>, vector<16xf32>,
      tpu.vector_store %arg9[%parallel_loop3A_236, %parallel_loop3A_237], %parallel_loop3A_142 {strides = array<i32>} : memref<24x2048xf32, #tpu.memory_space<vmem>>, vector<16xf32>,
      %parallel_loop3A_239 = arith.constant 19 : i32
      %parallel_loop3A_240 = arith.index_cast %parallel_loop3A_239 : i32 to index
      %parallel_loop3A_241 = arith.index_cast %parallel_loop3A_61 : i32 to index
      %parallel_loop3A_242 = tpu.vector_load %arg9[%parallel_loop3A_240, %parallel_loop3A_241] {strides = array<i32>} : memref<24x2048xf32, #tpu.memory_space<vmem>>, vector<16xf32>,
      tpu.vector_store %arg9[%parallel_loop3A_240, %parallel_loop3A_241], %parallel_loop3A_146 {strides = array<i32>} : memref<24x2048xf32, #tpu.memory_space<vmem>>, vector<16xf32>,
      %parallel_loop3A_243 = arith.constant 20 : i32
      %parallel_loop3A_244 = arith.index_cast %parallel_loop3A_243 : i32 to index
      %parallel_loop3A_245 = arith.index_cast %parallel_loop3A_61 : i32 to index
      %parallel_loop3A_246 = tpu.vector_load %arg9[%parallel_loop3A_244, %parallel_loop3A_245] {strides = array<i32>} : memref<24x2048xf32, #tpu.memory_space<vmem>>, vector<16xf32>,
      tpu.vector_store %arg9[%parallel_loop3A_244, %parallel_loop3A_245], %parallel_loop3A_150 {strides = array<i32>} : memref<24x2048xf32, #tpu.memory_space<vmem>>, vector<16xf32>,
      %parallel_loop3A_247 = arith.constant 21 : i32
      %parallel_loop3A_248 = arith.index_cast %parallel_loop3A_247 : i32 to index
      %parallel_loop3A_249 = arith.index_cast %parallel_loop3A_61 : i32 to index
      %parallel_loop3A_250 = tpu.vector_load %arg9[%parallel_loop3A_248, %parallel_loop3A_249] {strides = array<i32>} : memref<24x2048xf32, #tpu.memory_space<vmem>>, vector<16xf32>,
      tpu.vector_store %arg9[%parallel_loop3A_248, %parallel_loop3A_249], %parallel_loop3A_154 {strides = array<i32>} : memref<24x2048xf32, #tpu.memory_space<vmem>>, vector<16xf32>,
      %parallel_loop3A_251 = arith.constant 22 : i32
      %parallel_loop3A_252 = arith.index_cast %parallel_loop3A_251 : i32 to index
      %parallel_loop3A_253 = arith.index_cast %parallel_loop3A_61 : i32 to index
      %parallel_loop3A_254 = tpu.vector_load %arg9[%parallel_loop3A_252, %parallel_loop3A_253] {strides = array<i32>} : memref<24x2048xf32, #tpu.memory_space<vmem>>, vector<16xf32>,
      tpu.vector_store %arg9[%parallel_loop3A_252, %parallel_loop3A_253], %parallel_loop3A_158 {strides = array<i32>} : memref<24x2048xf32, #tpu.memory_space<vmem>>, vector<16xf32>,
      %parallel_loop3A_255 = arith.constant 23 : i32
      %parallel_loop3A_256 = arith.index_cast %parallel_loop3A_255 : i32 to index
      %parallel_loop3A_257 = arith.index_cast %parallel_loop3A_61 : i32 to index
      %parallel_loop3A_258 = tpu.vector_load %arg9[%parallel_loop3A_256, %parallel_loop3A_257] {strides = array<i32>} : memref<24x2048xf32, #tpu.memory_space<vmem>>, vector<16xf32>,
      tpu.vector_store %arg9[%parallel_loop3A_256, %parallel_loop3A_257], %parallel_loop3A_162 {strides = array<i32>} : memref<24x2048xf32, #tpu.memory_space<vmem>>, vector<16xf32>,
    } {sc.loop_unroll_factor = 8 : i64, sc.parallel_access}
    %add3A_32 = arith.constant 2048 : i32
    %add3A_33 = arith.addi %mul3A_2, %add3A_32 : i32
    %dma_start3A_34 = arith.constant 0 : i32
    %dma_start3A_35 = tpu.memref_slice %arg4[%dma_start3A_34, %add3A_33] : memref<24x1048576xf32, #tpu.memory_space<hbm>> -> memref<24x2048xf32, #tpu.memory_space<hbm>>
    %dma_start3A_36 = arith.constant 0 : i32
    %dma_start3A_37 = tpu.memref_slice %arg4[%dma_start3A_36, %add3A_33] : memref<24x1048576xf32, #tpu.memory_space<hbm>> -> memref<24x2048xf32, #tpu.memory_space<hbm>>
    tpu.enqueue_dma source(%arg9 : memref<24x2048xf32, #tpu.memory_space<vmem>>) target(%dma_start3A_37 : memref<24x2048xf32, #tpu.memory_space<hbm>>) target_semaphore(%arg13 : memref<!tpu.dma_semaphore, #tpu.memory_space<semaphore_mem>>)
    %add3A_38 = arith.constant 6144 : i32
    %add3A_39 = arith.addi %mul3A_2, %add3A_38 : i32
    %dma_start3A_40 = tpu.memref_slice %arg2[%add3A_39] : memref<1048576xi32, #tpu.memory_space<hbm>> -> memref<2048xi32, #tpu.memory_space<hbm>>
    %dma_start3A_41 = tpu.memref_slice %arg2[%add3A_39] : memref<1048576xi32, #tpu.memory_space<hbm>> -> memref<2048xi32, #tpu.memory_space<hbm>>
    tpu.enqueue_dma source(%dma_start3A_41 : memref<2048xi32, #tpu.memory_space<hbm>>) target(%arg7 : memref<2048xi32, #tpu.memory_space<vmem>>) target_semaphore(%arg11 : memref<!tpu.dma_semaphore, #tpu.memory_space<semaphore_mem>>)
    %scan3A = arith.constant 0 : i32
    %scan3A_42 = arith.constant 1 : i32
    %scan3A_43 = arith.constant 7 : i32
    %scan3A_44 = arith.addi %scan3A_42, %scan3A_43 : i32
    %scan3A_45 = arith.constant 1 : i32
    scf.for %scan3A_59 = %scan3A_42 to %scan3A_44 step %scan3A_45  : i32 {
      %mul3A_60 = arith.constant 2 : i32
      %mul3A_61 = arith.muli %mul3A_60, %scan3A_59 : i32
      %add3A_62 = arith.constant 0 : i32
      %add3A_63 = arith.addi %mul3A_61, %add3A_62 : i32
      %dma_wait3A_64 = arith.constant 0 : i32
      %dma_wait3A_65 = tpu.memref_slice %arg2[%dma_wait3A_64] : memref<1048576xi32, #tpu.memory_space<hbm>> -> memref<2048xi32, #tpu.memory_space<hbm>>
      %dma_wait3A_66 = arith.constant 0 : i32
      %dma_wait3A_67 = tpu.memref_slice %arg2[%dma_wait3A_66] : memref<1048576xi32, #tpu.memory_space<hbm>> -> memref<2048xi32, #tpu.memory_space<hbm>>
      tpu.wait_dma2 semaphore(%arg10 : memref<!tpu.dma_semaphore, #tpu.memory_space<semaphore_mem>>) src(%dma_wait3A_67 : memref<2048xi32, #tpu.memory_space<hbm>>) dst(%arg6 : memref<2048xi32, #tpu.memory_space<vmem>>)
      %dma_wait3A_68 = arith.constant 0 : i32
      %dma_wait3A_69 = arith.constant 0 : i32
      %dma_wait3A_70 = tpu.memref_slice %arg4[%dma_wait3A_68, %dma_wait3A_69] : memref<24x1048576xf32, #tpu.memory_space<hbm>> -> memref<24x2048xf32, #tpu.memory_space<hbm>>
      %dma_wait3A_71 = arith.constant 0 : i32
      %dma_wait3A_72 = arith.constant 0 : i32
      %dma_wait3A_73 = tpu.memref_slice %arg4[%dma_wait3A_71, %dma_wait3A_72] : memref<24x1048576xf32, #tpu.memory_space<hbm>> -> memref<24x2048xf32, #tpu.memory_space<hbm>>
      tpu.wait_dma2 semaphore(%arg12 : memref<!tpu.dma_semaphore, #tpu.memory_space<semaphore_mem>>) src(%arg8 : memref<24x2048xf32, #tpu.memory_space<vmem>>) dst(%dma_wait3A_73 : memref<24x2048xf32, #tpu.memory_space<hbm>>)
      %parallel_loop3A_74 = arith.constant 0 : i32
      %parallel_loop3A_75 = arith.constant 128 : i32
      %parallel_loop3A_76 = arith.constant 1 : i32
      scf.for %parallel_loop3A_119 = %parallel_loop3A_74 to %parallel_loop3A_75 step %parallel_loop3A_76  : i32 {
        %parallel_loop3A_120 = arith.constant 16 : i32
        %parallel_loop3A_121 = arith.muli %parallel_loop3A_119, %parallel_loop3A_120 : i32
        %parallel_loop3A_122 = arith.index_cast %parallel_loop3A_121 : i32 to index
        %parallel_loop3A_123 = tpu.vector_load %arg6[%parallel_loop3A_122] {strides = array<i32>} : memref<2048xi32, #tpu.memory_space<vmem>>, vector<16xi32>,
        %parallel_loop3A_124 = arith.constant 24 : i32
        %parallel_loop3A_125 = vector.broadcast %parallel_loop3A_124 : i32 to vector<16xi32>
        %parallel_loop3A_126 = arith.muli %parallel_loop3A_123, %parallel_loop3A_125 : vector<16xi32>
        %parallel_loop3A_127 = arith.constant 0 : i32
        %parallel_loop3A_128 = vector.broadcast %parallel_loop3A_127 : i32 to vector<16xi32>
        %parallel_loop3A_129 = arith.addi %parallel_loop3A_126, %parallel_loop3A_128 : vector<16xi32>
        %parallel_loop3A_130 = tpu.vector_load_idx %arg5[%parallel_loop3A_129] : memref<2016xf32, #tpu.memory_space<vmem>>[vector<16xi32>], vector<16xf32>,
        %parallel_loop3A_131 = arith.constant 1 : i32
        %parallel_loop3A_132 = vector.broadcast %parallel_loop3A_131 : i32 to vector<16xi32>
        %parallel_loop3A_133 = arith.addi %parallel_loop3A_126, %parallel_loop3A_132 : vector<16xi32>
        %parallel_loop3A_134 = tpu.vector_load_idx %arg5[%parallel_loop3A_133] : memref<2016xf32, #tpu.memory_space<vmem>>[vector<16xi32>], vector<16xf32>,
        %parallel_loop3A_135 = arith.constant 2 : i32
        %parallel_loop3A_136 = vector.broadcast %parallel_loop3A_135 : i32 to vector<16xi32>
        %parallel_loop3A_137 = arith.addi %parallel_loop3A_126, %parallel_loop3A_136 : vector<16xi32>
        %parallel_loop3A_138 = tpu.vector_load_idx %arg5[%parallel_loop3A_137] : memref<2016xf32, #tpu.memory_space<vmem>>[vector<16xi32>], vector<16xf32>,
        %parallel_loop3A_139 = arith.constant 3 : i32
        %parallel_loop3A_140 = vector.broadcast %parallel_loop3A_139 : i32 to vector<16xi32>
        %parallel_loop3A_141 = arith.addi %parallel_loop3A_126, %parallel_loop3A_140 : vector<16xi32>
        %parallel_loop3A_142 = tpu.vector_load_idx %arg5[%parallel_loop3A_141] : memref<2016xf32, #tpu.memory_space<vmem>>[vector<16xi32>], vector<16xf32>,
        %parallel_loop3A_143 = arith.constant 4 : i32
        %parallel_loop3A_144 = vector.broadcast %parallel_loop3A_143 : i32 to vector<16xi32>
        %parallel_loop3A_145 = arith.addi %parallel_loop3A_126, %parallel_loop3A_144 : vector<16xi32>
        %parallel_loop3A_146 = tpu.vector_load_idx %arg5[%parallel_loop3A_145] : memref<2016xf32, #tpu.memory_space<vmem>>[vector<16xi32>], vector<16xf32>,
        %parallel_loop3A_147 = arith.constant 5 : i32
        %parallel_loop3A_148 = vector.broadcast %parallel_loop3A_147 : i32 to vector<16xi32>
        %parallel_loop3A_149 = arith.addi %parallel_loop3A_126, %parallel_loop3A_148 : vector<16xi32>
        %parallel_loop3A_150 = tpu.vector_load_idx %arg5[%parallel_loop3A_149] : memref<2016xf32, #tpu.memory_space<vmem>>[vector<16xi32>], vector<16xf32>,
        %parallel_loop3A_151 = arith.constant 6 : i32
        %parallel_loop3A_152 = vector.broadcast %parallel_loop3A_151 : i32 to vector<16xi32>
        %parallel_loop3A_153 = arith.addi %parallel_loop3A_126, %parallel_loop3A_152 : vector<16xi32>
        %parallel_loop3A_154 = tpu.vector_load_idx %arg5[%parallel_loop3A_153] : memref<2016xf32, #tpu.memory_space<vmem>>[vector<16xi32>], vector<16xf32>,
        %parallel_loop3A_155 = arith.constant 7 : i32
        %parallel_loop3A_156 = vector.broadcast %parallel_loop3A_155 : i32 to vector<16xi32>
        %parallel_loop3A_157 = arith.addi %parallel_loop3A_126, %parallel_loop3A_156 : vector<16xi32>
        %parallel_loop3A_158 = tpu.vector_load_idx %arg5[%parallel_loop3A_157] : memref<2016xf32, #tpu.memory_space<vmem>>[vector<16xi32>], vector<16xf32>,
        %parallel_loop3A_159 = arith.constant 8 : i32
        %parallel_loop3A_160 = vector.broadcast %parallel_loop3A_159 : i32 to vector<16xi32>
        %parallel_loop3A_161 = arith.addi %parallel_loop3A_126, %parallel_loop3A_160 : vector<16xi32>
        %parallel_loop3A_162 = tpu.vector_load_idx %arg5[%parallel_loop3A_161] : memref<2016xf32, #tpu.memory_space<vmem>>[vector<16xi32>], vector<16xf32>,
        %parallel_loop3A_163 = arith.constant 9 : i32
        %parallel_loop3A_164 = vector.broadcast %parallel_loop3A_163 : i32 to vector<16xi32>
        %parallel_loop3A_165 = arith.addi %parallel_loop3A_126, %parallel_loop3A_164 : vector<16xi32>
        %parallel_loop3A_166 = tpu.vector_load_idx %arg5[%parallel_loop3A_165] : memref<2016xf32, #tpu.memory_space<vmem>>[vector<16xi32>], vector<16xf32>,
        %parallel_loop3A_167 = arith.constant 10 : i32
        %parallel_loop3A_168 = vector.broadcast %parallel_loop3A_167 : i32 to vector<16xi32>
        %parallel_loop3A_169 = arith.addi %parallel_loop3A_126, %parallel_loop3A_168 : vector<16xi32>
        %parallel_loop3A_170 = tpu.vector_load_idx %arg5[%parallel_loop3A_169] : memref<2016xf32, #tpu.memory_space<vmem>>[vector<16xi32>], vector<16xf32>,
        %parallel_loop3A_171 = arith.constant 11 : i32
        %parallel_loop3A_172 = vector.broadcast %parallel_loop3A_171 : i32 to vector<16xi32>
        %parallel_loop3A_173 = arith.addi %parallel_loop3A_126, %parallel_loop3A_172 : vector<16xi32>
        %parallel_loop3A_174 = tpu.vector_load_idx %arg5[%parallel_loop3A_173] : memref<2016xf32, #tpu.memory_space<vmem>>[vector<16xi32>], vector<16xf32>,
        %parallel_loop3A_175 = arith.constant 12 : i32
        %parallel_loop3A_176 = vector.broadcast %parallel_loop3A_175 : i32 to vector<16xi32>
        %parallel_loop3A_177 = arith.addi %parallel_loop3A_126, %parallel_loop3A_176 : vector<16xi32>
        %parallel_loop3A_178 = tpu.vector_load_idx %arg5[%parallel_loop3A_177] : memref<2016xf32, #tpu.memory_space<vmem>>[vector<16xi32>], vector<16xf32>,
        %parallel_loop3A_179 = arith.constant 13 : i32
        %parallel_loop3A_180 = vector.broadcast %parallel_loop3A_179 : i32 to vector<16xi32>
        %parallel_loop3A_181 = arith.addi %parallel_loop3A_126, %parallel_loop3A_180 : vector<16xi32>
        %parallel_loop3A_182 = tpu.vector_load_idx %arg5[%parallel_loop3A_181] : memref<2016xf32, #tpu.memory_space<vmem>>[vector<16xi32>], vector<16xf32>,
        %parallel_loop3A_183 = arith.constant 14 : i32
        %parallel_loop3A_184 = vector.broadcast %parallel_loop3A_183 : i32 to vector<16xi32>
        %parallel_loop3A_185 = arith.addi %parallel_loop3A_126, %parallel_loop3A_184 : vector<16xi32>
        %parallel_loop3A_186 = tpu.vector_load_idx %arg5[%parallel_loop3A_185] : memref<2016xf32, #tpu.memory_space<vmem>>[vector<16xi32>], vector<16xf32>,
        %parallel_loop3A_187 = arith.constant 15 : i32
        %parallel_loop3A_188 = vector.broadcast %parallel_loop3A_187 : i32 to vector<16xi32>
        %parallel_loop3A_189 = arith.addi %parallel_loop3A_126, %parallel_loop3A_188 : vector<16xi32>
        %parallel_loop3A_190 = tpu.vector_load_idx %arg5[%parallel_loop3A_189] : memref<2016xf32, #tpu.memory_space<vmem>>[vector<16xi32>], vector<16xf32>,
        %parallel_loop3A_191 = arith.constant 16 : i32
        %parallel_loop3A_192 = vector.broadcast %parallel_loop3A_191 : i32 to vector<16xi32>
        %parallel_loop3A_193 = arith.addi %parallel_loop3A_126, %parallel_loop3A_192 : vector<16xi32>
        %parallel_loop3A_194 = tpu.vector_load_idx %arg5[%parallel_loop3A_193] : memref<2016xf32, #tpu.memory_space<vmem>>[vector<16xi32>], vector<16xf32>,
        %parallel_loop3A_195 = arith.constant 17 : i32
        %parallel_loop3A_196 = vector.broadcast %parallel_loop3A_195 : i32 to vector<16xi32>
        %parallel_loop3A_197 = arith.addi %parallel_loop3A_126, %parallel_loop3A_196 : vector<16xi32>
        %parallel_loop3A_198 = tpu.vector_load_idx %arg5[%parallel_loop3A_197] : memref<2016xf32, #tpu.memory_space<vmem>>[vector<16xi32>], vector<16xf32>,
        %parallel_loop3A_199 = arith.constant 18 : i32
        %parallel_loop3A_200 = vector.broadcast %parallel_loop3A_199 : i32 to vector<16xi32>
        %parallel_loop3A_201 = arith.addi %parallel_loop3A_126, %parallel_loop3A_200 : vector<16xi32>
        %parallel_loop3A_202 = tpu.vector_load_idx %arg5[%parallel_loop3A_201] : memref<2016xf32, #tpu.memory_space<vmem>>[vector<16xi32>], vector<16xf32>,
        %parallel_loop3A_203 = arith.constant 19 : i32
        %parallel_loop3A_204 = vector.broadcast %parallel_loop3A_203 : i32 to vector<16xi32>
        %parallel_loop3A_205 = arith.addi %parallel_loop3A_126, %parallel_loop3A_204 : vector<16xi32>
        %parallel_loop3A_206 = tpu.vector_load_idx %arg5[%parallel_loop3A_205] : memref<2016xf32, #tpu.memory_space<vmem>>[vector<16xi32>], vector<16xf32>,
        %parallel_loop3A_207 = arith.constant 20 : i32
        %parallel_loop3A_208 = vector.broadcast %parallel_loop3A_207 : i32 to vector<16xi32>
        %parallel_loop3A_209 = arith.addi %parallel_loop3A_126, %parallel_loop3A_208 : vector<16xi32>
        %parallel_loop3A_210 = tpu.vector_load_idx %arg5[%parallel_loop3A_209] : memref<2016xf32, #tpu.memory_space<vmem>>[vector<16xi32>], vector<16xf32>,
        %parallel_loop3A_211 = arith.constant 21 : i32
        %parallel_loop3A_212 = vector.broadcast %parallel_loop3A_211 : i32 to vector<16xi32>
        %parallel_loop3A_213 = arith.addi %parallel_loop3A_126, %parallel_loop3A_212 : vector<16xi32>
        %parallel_loop3A_214 = tpu.vector_load_idx %arg5[%parallel_loop3A_213] : memref<2016xf32, #tpu.memory_space<vmem>>[vector<16xi32>], vector<16xf32>,
        %parallel_loop3A_215 = arith.constant 22 : i32
        %parallel_loop3A_216 = vector.broadcast %parallel_loop3A_215 : i32 to vector<16xi32>
        %parallel_loop3A_217 = arith.addi %parallel_loop3A_126, %parallel_loop3A_216 : vector<16xi32>
        %parallel_loop3A_218 = tpu.vector_load_idx %arg5[%parallel_loop3A_217] : memref<2016xf32, #tpu.memory_space<vmem>>[vector<16xi32>], vector<16xf32>,
        %parallel_loop3A_219 = arith.constant 23 : i32
        %parallel_loop3A_220 = vector.broadcast %parallel_loop3A_219 : i32 to vector<16xi32>
        %parallel_loop3A_221 = arith.addi %parallel_loop3A_126, %parallel_loop3A_220 : vector<16xi32>
        %parallel_loop3A_222 = tpu.vector_load_idx %arg5[%parallel_loop3A_221] : memref<2016xf32, #tpu.memory_space<vmem>>[vector<16xi32>], vector<16xf32>,
        %parallel_loop3A_223 = arith.constant 0 : i32
        %parallel_loop3A_224 = arith.index_cast %parallel_loop3A_223 : i32 to index
        %parallel_loop3A_225 = arith.index_cast %parallel_loop3A_121 : i32 to index
        %parallel_loop3A_226 = tpu.vector_load %arg8[%parallel_loop3A_224, %parallel_loop3A_225] {strides = array<i32>} : memref<24x2048xf32, #tpu.memory_space<vmem>>, vector<16xf32>,
        tpu.vector_store %arg8[%parallel_loop3A_224, %parallel_loop3A_225], %parallel_loop3A_130 {strides = array<i32>} : memref<24x2048xf32, #tpu.memory_space<vmem>>, vector<16xf32>,
        %parallel_loop3A_227 = arith.constant 1 : i32
        %parallel_loop3A_228 = arith.index_cast %parallel_loop3A_227 : i32 to index
        %parallel_loop3A_229 = arith.index_cast %parallel_loop3A_121 : i32 to index
        %parallel_loop3A_230 = tpu.vector_load %arg8[%parallel_loop3A_228, %parallel_loop3A_229] {strides = array<i32>} : memref<24x2048xf32, #tpu.memory_space<vmem>>, vector<16xf32>,
        tpu.vector_store %arg8[%parallel_loop3A_228, %parallel_loop3A_229], %parallel_loop3A_134 {strides = array<i32>} : memref<24x2048xf32, #tpu.memory_space<vmem>>, vector<16xf32>,
        %parallel_loop3A_231 = arith.constant 2 : i32
        %parallel_loop3A_232 = arith.index_cast %parallel_loop3A_231 : i32 to index
        %parallel_loop3A_233 = arith.index_cast %parallel_loop3A_121 : i32 to index
        %parallel_loop3A_234 = tpu.vector_load %arg8[%parallel_loop3A_232, %parallel_loop3A_233] {strides = array<i32>} : memref<24x2048xf32, #tpu.memory_space<vmem>>, vector<16xf32>,
        tpu.vector_store %arg8[%parallel_loop3A_232, %parallel_loop3A_233], %parallel_loop3A_138 {strides = array<i32>} : memref<24x2048xf32, #tpu.memory_space<vmem>>, vector<16xf32>,
        %parallel_loop3A_235 = arith.constant 3 : i32
        %parallel_loop3A_236 = arith.index_cast %parallel_loop3A_235 : i32 to index
        %parallel_loop3A_237 = arith.index_cast %parallel_loop3A_121 : i32 to index
        %parallel_loop3A_238 = tpu.vector_load %arg8[%parallel_loop3A_236, %parallel_loop3A_237] {strides = array<i32>} : memref<24x2048xf32, #tpu.memory_space<vmem>>, vector<16xf32>,
        tpu.vector_store %arg8[%parallel_loop3A_236, %parallel_loop3A_237], %parallel_loop3A_142 {strides = array<i32>} : memref<24x2048xf32, #tpu.memory_space<vmem>>, vector<16xf32>,
        %parallel_loop3A_239 = arith.constant 4 : i32
        %parallel_loop3A_240 = arith.index_cast %parallel_loop3A_239 : i32 to index
        %parallel_loop3A_241 = arith.index_cast %parallel_loop3A_121 : i32 to index
        %parallel_loop3A_242 = tpu.vector_load %arg8[%parallel_loop3A_240, %parallel_loop3A_241] {strides = array<i32>} : memref<24x2048xf32, #tpu.memory_space<vmem>>, vector<16xf32>,
        tpu.vector_store %arg8[%parallel_loop3A_240, %parallel_loop3A_241], %parallel_loop3A_146 {strides = array<i32>} : memref<24x2048xf32, #tpu.memory_space<vmem>>, vector<16xf32>,
        %parallel_loop3A_243 = arith.constant 5 : i32
        %parallel_loop3A_244 = arith.index_cast %parallel_loop3A_243 : i32 to index
        %parallel_loop3A_245 = arith.index_cast %parallel_loop3A_121 : i32 to index
        %parallel_loop3A_246 = tpu.vector_load %arg8[%parallel_loop3A_244, %parallel_loop3A_245] {strides = array<i32>} : memref<24x2048xf32, #tpu.memory_space<vmem>>, vector<16xf32>,
        tpu.vector_store %arg8[%parallel_loop3A_244, %parallel_loop3A_245], %parallel_loop3A_150 {strides = array<i32>} : memref<24x2048xf32, #tpu.memory_space<vmem>>, vector<16xf32>,
        %parallel_loop3A_247 = arith.constant 6 : i32
        %parallel_loop3A_248 = arith.index_cast %parallel_loop3A_247 : i32 to index
        %parallel_loop3A_249 = arith.index_cast %parallel_loop3A_121 : i32 to index
        %parallel_loop3A_250 = tpu.vector_load %arg8[%parallel_loop3A_248, %parallel_loop3A_249] {strides = array<i32>} : memref<24x2048xf32, #tpu.memory_space<vmem>>, vector<16xf32>,
        tpu.vector_store %arg8[%parallel_loop3A_248, %parallel_loop3A_249], %parallel_loop3A_154 {strides = array<i32>} : memref<24x2048xf32, #tpu.memory_space<vmem>>, vector<16xf32>,
        %parallel_loop3A_251 = arith.constant 7 : i32
        %parallel_loop3A_252 = arith.index_cast %parallel_loop3A_251 : i32 to index
        %parallel_loop3A_253 = arith.index_cast %parallel_loop3A_121 : i32 to index
        %parallel_loop3A_254 = tpu.vector_load %arg8[%parallel_loop3A_252, %parallel_loop3A_253] {strides = array<i32>} : memref<24x2048xf32, #tpu.memory_space<vmem>>, vector<16xf32>,
        tpu.vector_store %arg8[%parallel_loop3A_252, %parallel_loop3A_253], %parallel_loop3A_158 {strides = array<i32>} : memref<24x2048xf32, #tpu.memory_space<vmem>>, vector<16xf32>,
        %parallel_loop3A_255 = arith.constant 8 : i32
        %parallel_loop3A_256 = arith.index_cast %parallel_loop3A_255 : i32 to index
        %parallel_loop3A_257 = arith.index_cast %parallel_loop3A_121 : i32 to index
        %parallel_loop3A_258 = tpu.vector_load %arg8[%parallel_loop3A_256, %parallel_loop3A_257] {strides = array<i32>} : memref<24x2048xf32, #tpu.memory_space<vmem>>, vector<16xf32>,
        tpu.vector_store %arg8[%parallel_loop3A_256, %parallel_loop3A_257], %parallel_loop3A_162 {strides = array<i32>} : memref<24x2048xf32, #tpu.memory_space<vmem>>, vector<16xf32>,
        %parallel_loop3A_259 = arith.constant 9 : i32
        %parallel_loop3A_260 = arith.index_cast %parallel_loop3A_259 : i32 to index
        %parallel_loop3A_261 = arith.index_cast %parallel_loop3A_121 : i32 to index
        %parallel_loop3A_262 = tpu.vector_load %arg8[%parallel_loop3A_260, %parallel_loop3A_261] {strides = array<i32>} : memref<24x2048xf32, #tpu.memory_space<vmem>>, vector<16xf32>,
        tpu.vector_store %arg8[%parallel_loop3A_260, %parallel_loop3A_261], %parallel_loop3A_166 {strides = array<i32>} : memref<24x2048xf32, #tpu.memory_space<vmem>>, vector<16xf32>,
        %parallel_loop3A_263 = arith.constant 10 : i32
        %parallel_loop3A_264 = arith.index_cast %parallel_loop3A_263 : i32 to index
        %parallel_loop3A_265 = arith.index_cast %parallel_loop3A_121 : i32 to index
        %parallel_loop3A_266 = tpu.vector_load %arg8[%parallel_loop3A_264, %parallel_loop3A_265] {strides = array<i32>} : memref<24x2048xf32, #tpu.memory_space<vmem>>, vector<16xf32>,
        tpu.vector_store %arg8[%parallel_loop3A_264, %parallel_loop3A_265], %parallel_loop3A_170 {strides = array<i32>} : memref<24x2048xf32, #tpu.memory_space<vmem>>, vector<16xf32>,
        %parallel_loop3A_267 = arith.constant 11 : i32
        %parallel_loop3A_268 = arith.index_cast %parallel_loop3A_267 : i32 to index
        %parallel_loop3A_269 = arith.index_cast %parallel_loop3A_121 : i32 to index
        %parallel_loop3A_270 = tpu.vector_load %arg8[%parallel_loop3A_268, %parallel_loop3A_269] {strides = array<i32>} : memref<24x2048xf32, #tpu.memory_space<vmem>>, vector<16xf32>,
        tpu.vector_store %arg8[%parallel_loop3A_268, %parallel_loop3A_269], %parallel_loop3A_174 {strides = array<i32>} : memref<24x2048xf32, #tpu.memory_space<vmem>>, vector<16xf32>,
        %parallel_loop3A_271 = arith.constant 12 : i32
        %parallel_loop3A_272 = arith.index_cast %parallel_loop3A_271 : i32 to index
        %parallel_loop3A_273 = arith.index_cast %parallel_loop3A_121 : i32 to index
        %parallel_loop3A_274 = tpu.vector_load %arg8[%parallel_loop3A_272, %parallel_loop3A_273] {strides = array<i32>} : memref<24x2048xf32, #tpu.memory_space<vmem>>, vector<16xf32>,
        tpu.vector_store %arg8[%parallel_loop3A_272, %parallel_loop3A_273], %parallel_loop3A_178 {strides = array<i32>} : memref<24x2048xf32, #tpu.memory_space<vmem>>, vector<16xf32>,
        %parallel_loop3A_275 = arith.constant 13 : i32
        %parallel_loop3A_276 = arith.index_cast %parallel_loop3A_275 : i32 to index
        %parallel_loop3A_277 = arith.index_cast %parallel_loop3A_121 : i32 to index
        %parallel_loop3A_278 = tpu.vector_load %arg8[%parallel_loop3A_276, %parallel_loop3A_277] {strides = array<i32>} : memref<24x2048xf32, #tpu.memory_space<vmem>>, vector<16xf32>,
        tpu.vector_store %arg8[%parallel_loop3A_276, %parallel_loop3A_277], %parallel_loop3A_182 {strides = array<i32>} : memref<24x2048xf32, #tpu.memory_space<vmem>>, vector<16xf32>,
        %parallel_loop3A_279 = arith.constant 14 : i32
        %parallel_loop3A_280 = arith.index_cast %parallel_loop3A_279 : i32 to index
        %parallel_loop3A_281 = arith.index_cast %parallel_loop3A_121 : i32 to index
        %parallel_loop3A_282 = tpu.vector_load %arg8[%parallel_loop3A_280, %parallel_loop3A_281] {strides = array<i32>} : memref<24x2048xf32, #tpu.memory_space<vmem>>, vector<16xf32>,
        tpu.vector_store %arg8[%parallel_loop3A_280, %parallel_loop3A_281], %parallel_loop3A_186 {strides = array<i32>} : memref<24x2048xf32, #tpu.memory_space<vmem>>, vector<16xf32>,
        %parallel_loop3A_283 = arith.constant 15 : i32
        %parallel_loop3A_284 = arith.index_cast %parallel_loop3A_283 : i32 to index
        %parallel_loop3A_285 = arith.index_cast %parallel_loop3A_121 : i32 to index
        %parallel_loop3A_286 = tpu.vector_load %arg8[%parallel_loop3A_284, %parallel_loop3A_285] {strides = array<i32>} : memref<24x2048xf32, #tpu.memory_space<vmem>>, vector<16xf32>,
        tpu.vector_store %arg8[%parallel_loop3A_284, %parallel_loop3A_285], %parallel_loop3A_190 {strides = array<i32>} : memref<24x2048xf32, #tpu.memory_space<vmem>>, vector<16xf32>,
        %parallel_loop3A_287 = arith.constant 16 : i32
        %parallel_loop3A_288 = arith.index_cast %parallel_loop3A_287 : i32 to index
        %parallel_loop3A_289 = arith.index_cast %parallel_loop3A_121 : i32 to index
        %parallel_loop3A_290 = tpu.vector_load %arg8[%parallel_loop3A_288, %parallel_loop3A_289] {strides = array<i32>} : memref<24x2048xf32, #tpu.memory_space<vmem>>, vector<16xf32>,
        tpu.vector_store %arg8[%parallel_loop3A_288, %parallel_loop3A_289], %parallel_loop3A_194 {strides = array<i32>} : memref<24x2048xf32, #tpu.memory_space<vmem>>, vector<16xf32>,
        %parallel_loop3A_291 = arith.constant 17 : i32
        %parallel_loop3A_292 = arith.index_cast %parallel_loop3A_291 : i32 to index
        %parallel_loop3A_293 = arith.index_cast %parallel_loop3A_121 : i32 to index
        %parallel_loop3A_294 = tpu.vector_load %arg8[%parallel_loop3A_292, %parallel_loop3A_293] {strides = array<i32>} : memref<24x2048xf32, #tpu.memory_space<vmem>>, vector<16xf32>,
        tpu.vector_store %arg8[%parallel_loop3A_292, %parallel_loop3A_293], %parallel_loop3A_198 {strides = array<i32>} : memref<24x2048xf32, #tpu.memory_space<vmem>>, vector<16xf32>,
        %parallel_loop3A_295 = arith.constant 18 : i32
        %parallel_loop3A_296 = arith.index_cast %parallel_loop3A_295 : i32 to index
        %parallel_loop3A_297 = arith.index_cast %parallel_loop3A_121 : i32 to index
        %parallel_loop3A_298 = tpu.vector_load %arg8[%parallel_loop3A_296, %parallel_loop3A_297] {strides = array<i32>} : memref<24x2048xf32, #tpu.memory_space<vmem>>, vector<16xf32>,
        tpu.vector_store %arg8[%parallel_loop3A_296, %parallel_loop3A_297], %parallel_loop3A_202 {strides = array<i32>} : memref<24x2048xf32, #tpu.memory_space<vmem>>, vector<16xf32>,
        %parallel_loop3A_299 = arith.constant 19 : i32
        %parallel_loop3A_300 = arith.index_cast %parallel_loop3A_299 : i32 to index
        %parallel_loop3A_301 = arith.index_cast %parallel_loop3A_121 : i32 to index
        %parallel_loop3A_302 = tpu.vector_load %arg8[%parallel_loop3A_300, %parallel_loop3A_301] {strides = array<i32>} : memref<24x2048xf32, #tpu.memory_space<vmem>>, vector<16xf32>,
        tpu.vector_store %arg8[%parallel_loop3A_300, %parallel_loop3A_301], %parallel_loop3A_206 {strides = array<i32>} : memref<24x2048xf32, #tpu.memory_space<vmem>>, vector<16xf32>,
        %parallel_loop3A_303 = arith.constant 20 : i32
        %parallel_loop3A_304 = arith.index_cast %parallel_loop3A_303 : i32 to index
        %parallel_loop3A_305 = arith.index_cast %parallel_loop3A_121 : i32 to index
        %parallel_loop3A_306 = tpu.vector_load %arg8[%parallel_loop3A_304, %parallel_loop3A_305] {strides = array<i32>} : memref<24x2048xf32, #tpu.memory_space<vmem>>, vector<16xf32>,
        tpu.vector_store %arg8[%parallel_loop3A_304, %parallel_loop3A_305], %parallel_loop3A_210 {strides = array<i32>} : memref<24x2048xf32, #tpu.memory_space<vmem>>, vector<16xf32>,
        %parallel_loop3A_307 = arith.constant 21 : i32
        %parallel_loop3A_308 = arith.index_cast %parallel_loop3A_307 : i32 to index
        %parallel_loop3A_309 = arith.index_cast %parallel_loop3A_121 : i32 to index
        %parallel_loop3A_310 = tpu.vector_load %arg8[%parallel_loop3A_308, %parallel_loop3A_309] {strides = array<i32>} : memref<24x2048xf32, #tpu.memory_space<vmem>>, vector<16xf32>,
        tpu.vector_store %arg8[%parallel_loop3A_308, %parallel_loop3A_309], %parallel_loop3A_214 {strides = array<i32>} : memref<24x2048xf32, #tpu.memory_space<vmem>>, vector<16xf32>,
        %parallel_loop3A_311 = arith.constant 22 : i32
        %parallel_loop3A_312 = arith.index_cast %parallel_loop3A_311 : i32 to index
        %parallel_loop3A_313 = arith.index_cast %parallel_loop3A_121 : i32 to index
        %parallel_loop3A_314 = tpu.vector_load %arg8[%parallel_loop3A_312, %parallel_loop3A_313] {strides = array<i32>} : memref<24x2048xf32, #tpu.memory_space<vmem>>, vector<16xf32>,
        tpu.vector_store %arg8[%parallel_loop3A_312, %parallel_loop3A_313], %parallel_loop3A_218 {strides = array<i32>} : memref<24x2048xf32, #tpu.memory_space<vmem>>, vector<16xf32>,
        %parallel_loop3A_315 = arith.constant 23 : i32
        %parallel_loop3A_316 = arith.index_cast %parallel_loop3A_315 : i32 to index
        %parallel_loop3A_317 = arith.index_cast %parallel_loop3A_121 : i32 to index
        %parallel_loop3A_318 = tpu.vector_load %arg8[%parallel_loop3A_316, %parallel_loop3A_317] {strides = array<i32>} : memref<24x2048xf32, #tpu.memory_space<vmem>>, vector<16xf32>,
        tpu.vector_store %arg8[%parallel_loop3A_316, %parallel_loop3A_317], %parallel_loop3A_222 {strides = array<i32>} : memref<24x2048xf32, #tpu.memory_space<vmem>>, vector<16xf32>,
      } {sc.loop_unroll_factor = 8 : i64, sc.parallel_access}
      %mul3A_77 = arith.constant 2048 : i32
      %mul3A_78 = arith.muli %add3A_63, %mul3A_77 : i32
      %add3A_79 = arith.addi %mul3A_2, %mul3A_78 : i32
      %dma_start3A_80 = arith.constant 0 : i32
      %dma_start3A_81 = tpu.memref_slice %arg4[%dma_start3A_80, %add3A_79] : memref<24x1048576xf32, #tpu.memory_space<hbm>> -> memref<24x2048xf32, #tpu.memory_space<hbm>>
      %dma_start3A_82 = arith.constant 0 : i32
      %dma_start3A_83 = tpu.memref_slice %arg4[%dma_start3A_82, %add3A_79] : memref<24x1048576xf32, #tpu.memory_space<hbm>> -> memref<24x2048xf32, #tpu.memory_space<hbm>>
      tpu.enqueue_dma source(%arg8 : memref<24x2048xf32, #tpu.memory_space<vmem>>) target(%dma_start3A_83 : memref<24x2048xf32, #tpu.memory_space<hbm>>) target_semaphore(%arg12 : memref<!tpu.dma_semaphore, #tpu.memory_space<semaphore_mem>>)
      %add3A_84 = arith.constant 2 : i32
      %add3A_85 = arith.addi %add3A_63, %add3A_84 : i32
      %lt3A = arith.constant 16 : i32
      %lt3A_86 = arith.cmpi slt, %add3A_85, %lt3A : i32
      %convert_element_type3A = arith.extui %lt3A_86 : i1 to i32
      %cond3A = arith.constant 0 : i32
      %cond3A_87 = arith.cmpi ne, %convert_element_type3A, %cond3A : i32
      scf.if %cond3A_87 {
        %add3A_119 = arith.constant 2 : i32
        %add3A_120 = arith.addi %add3A_63, %add3A_119 : i32
        %mul3A_121 = arith.constant 2048 : i32
        %mul3A_122 = arith.muli %add3A_120, %mul3A_121 : i32
        %add3A_123 = arith.addi %mul3A_2, %mul3A_122 : i32
        %dma_start3A_124 = tpu.memref_slice %arg2[%add3A_123] : memref<1048576xi32, #tpu.memory_space<hbm>> -> memref<2048xi32, #tpu.memory_space<hbm>>
        %dma_start3A_125 = tpu.memref_slice %arg2[%add3A_123] : memref<1048576xi32, #tpu.memory_space<hbm>> -> memref<2048xi32, #tpu.memory_space<hbm>>
        tpu.enqueue_dma source(%dma_start3A_125 : memref<2048xi32, #tpu.memory_space<hbm>>) target(%arg6 : memref<2048xi32, #tpu.memory_space<vmem>>) target_semaphore(%arg10 : memref<!tpu.dma_semaphore, #tpu.memory_space<semaphore_mem>>)
      } else {
      }
      %mul3A_88 = arith.constant 2 : i32
      %mul3A_89 = arith.muli %mul3A_88, %scan3A_59 : i32
      %add3A_90 = arith.constant 1 : i32
      %add3A_91 = arith.addi %mul3A_89, %add3A_90 : i32
      %dma_wait3A_92 = arith.constant 0 : i32
      %dma_wait3A_93 = tpu.memref_slice %arg2[%dma_wait3A_92] : memref<1048576xi32, #tpu.memory_space<hbm>> -> memref<2048xi32, #tpu.memory_space<hbm>>
      %dma_wait3A_94 = arith.constant 0 : i32
      %dma_wait3A_95 = tpu.memref_slice %arg2[%dma_wait3A_94] : memref<1048576xi32, #tpu.memory_space<hbm>> -> memref<2048xi32, #tpu.memory_space<hbm>>
      tpu.wait_dma2 semaphore(%arg11 : memref<!tpu.dma_semaphore, #tpu.memory_space<semaphore_mem>>) src(%dma_wait3A_95 : memref<2048xi32, #tpu.memory_space<hbm>>) dst(%arg7 : memref<2048xi32, #tpu.memory_space<vmem>>)
      %dma_wait3A_96 = arith.constant 0 : i32
      %dma_wait3A_97 = arith.constant 0 : i32
      %dma_wait3A_98 = tpu.memref_slice %arg4[%dma_wait3A_96, %dma_wait3A_97] : memref<24x1048576xf32, #tpu.memory_space<hbm>> -> memref<24x2048xf32, #tpu.memory_space<hbm>>
      %dma_wait3A_99 = arith.constant 0 : i32
      %dma_wait3A_100 = arith.constant 0 : i32
      %dma_wait3A_101 = tpu.memref_slice %arg4[%dma_wait3A_99, %dma_wait3A_100] : memref<24x1048576xf32, #tpu.memory_space<hbm>> -> memref<24x2048xf32, #tpu.memory_space<hbm>>
      tpu.wait_dma2 semaphore(%arg13 : memref<!tpu.dma_semaphore, #tpu.memory_space<semaphore_mem>>) src(%arg9 : memref<24x2048xf32, #tpu.memory_space<vmem>>) dst(%dma_wait3A_101 : memref<24x2048xf32, #tpu.memory_space<hbm>>)
      %parallel_loop3A_102 = arith.constant 0 : i32
      %parallel_loop3A_103 = arith.constant 128 : i32
      %parallel_loop3A_104 = arith.constant 1 : i32
      scf.for %parallel_loop3A_119 = %parallel_loop3A_102 to %parallel_loop3A_103 step %parallel_loop3A_104  : i32 {
        %parallel_loop3A_120 = arith.constant 16 : i32
        %parallel_loop3A_121 = arith.muli %parallel_loop3A_119, %parallel_loop3A_120 : i32
        %parallel_loop3A_122 = arith.index_cast %parallel_loop3A_121 : i32 to index
        %parallel_loop3A_123 = tpu.vector_load %arg7[%parallel_loop3A_122] {strides = array<i32>} : memref<2048xi32, #tpu.memory_space<vmem>>, vector<16xi32>,
        %parallel_loop3A_124 = arith.constant 24 : i32
        %parallel_loop3A_125 = vector.broadcast %parallel_loop3A_124 : i32 to vector<16xi32>
        %parallel_loop3A_126 = arith.muli %parallel_loop3A_123, %parallel_loop3A_125 : vector<16xi32>
        %parallel_loop3A_127 = arith.constant 0 : i32
        %parallel_loop3A_128 = vector.broadcast %parallel_loop3A_127 : i32 to vector<16xi32>
        %parallel_loop3A_129 = arith.addi %parallel_loop3A_126, %parallel_loop3A_128 : vector<16xi32>
        %parallel_loop3A_130 = tpu.vector_load_idx %arg5[%parallel_loop3A_129] : memref<2016xf32, #tpu.memory_space<vmem>>[vector<16xi32>], vector<16xf32>,
        %parallel_loop3A_131 = arith.constant 1 : i32
        %parallel_loop3A_132 = vector.broadcast %parallel_loop3A_131 : i32 to vector<16xi32>
        %parallel_loop3A_133 = arith.addi %parallel_loop3A_126, %parallel_loop3A_132 : vector<16xi32>
        %parallel_loop3A_134 = tpu.vector_load_idx %arg5[%parallel_loop3A_133] : memref<2016xf32, #tpu.memory_space<vmem>>[vector<16xi32>], vector<16xf32>,
        %parallel_loop3A_135 = arith.constant 2 : i32
        %parallel_loop3A_136 = vector.broadcast %parallel_loop3A_135 : i32 to vector<16xi32>
        %parallel_loop3A_137 = arith.addi %parallel_loop3A_126, %parallel_loop3A_136 : vector<16xi32>
        %parallel_loop3A_138 = tpu.vector_load_idx %arg5[%parallel_loop3A_137] : memref<2016xf32, #tpu.memory_space<vmem>>[vector<16xi32>], vector<16xf32>,
        %parallel_loop3A_139 = arith.constant 3 : i32
        %parallel_loop3A_140 = vector.broadcast %parallel_loop3A_139 : i32 to vector<16xi32>
        %parallel_loop3A_141 = arith.addi %parallel_loop3A_126, %parallel_loop3A_140 : vector<16xi32>
        %parallel_loop3A_142 = tpu.vector_load_idx %arg5[%parallel_loop3A_141] : memref<2016xf32, #tpu.memory_space<vmem>>[vector<16xi32>], vector<16xf32>,
        %parallel_loop3A_143 = arith.constant 4 : i32
        %parallel_loop3A_144 = vector.broadcast %parallel_loop3A_143 : i32 to vector<16xi32>
        %parallel_loop3A_145 = arith.addi %parallel_loop3A_126, %parallel_loop3A_144 : vector<16xi32>
        %parallel_loop3A_146 = tpu.vector_load_idx %arg5[%parallel_loop3A_145] : memref<2016xf32, #tpu.memory_space<vmem>>[vector<16xi32>], vector<16xf32>,
        %parallel_loop3A_147 = arith.constant 5 : i32
        %parallel_loop3A_148 = vector.broadcast %parallel_loop3A_147 : i32 to vector<16xi32>
        %parallel_loop3A_149 = arith.addi %parallel_loop3A_126, %parallel_loop3A_148 : vector<16xi32>
        %parallel_loop3A_150 = tpu.vector_load_idx %arg5[%parallel_loop3A_149] : memref<2016xf32, #tpu.memory_space<vmem>>[vector<16xi32>], vector<16xf32>,
        %parallel_loop3A_151 = arith.constant 6 : i32
        %parallel_loop3A_152 = vector.broadcast %parallel_loop3A_151 : i32 to vector<16xi32>
        %parallel_loop3A_153 = arith.addi %parallel_loop3A_126, %parallel_loop3A_152 : vector<16xi32>
        %parallel_loop3A_154 = tpu.vector_load_idx %arg5[%parallel_loop3A_153] : memref<2016xf32, #tpu.memory_space<vmem>>[vector<16xi32>], vector<16xf32>,
        %parallel_loop3A_155 = arith.constant 7 : i32
        %parallel_loop3A_156 = vector.broadcast %parallel_loop3A_155 : i32 to vector<16xi32>
        %parallel_loop3A_157 = arith.addi %parallel_loop3A_126, %parallel_loop3A_156 : vector<16xi32>
        %parallel_loop3A_158 = tpu.vector_load_idx %arg5[%parallel_loop3A_157] : memref<2016xf32, #tpu.memory_space<vmem>>[vector<16xi32>], vector<16xf32>,
        %parallel_loop3A_159 = arith.constant 8 : i32
        %parallel_loop3A_160 = vector.broadcast %parallel_loop3A_159 : i32 to vector<16xi32>
        %parallel_loop3A_161 = arith.addi %parallel_loop3A_126, %parallel_loop3A_160 : vector<16xi32>
        %parallel_loop3A_162 = tpu.vector_load_idx %arg5[%parallel_loop3A_161] : memref<2016xf32, #tpu.memory_space<vmem>>[vector<16xi32>], vector<16xf32>,
        %parallel_loop3A_163 = arith.constant 9 : i32
        %parallel_loop3A_164 = vector.broadcast %parallel_loop3A_163 : i32 to vector<16xi32>
        %parallel_loop3A_165 = arith.addi %parallel_loop3A_126, %parallel_loop3A_164 : vector<16xi32>
        %parallel_loop3A_166 = tpu.vector_load_idx %arg5[%parallel_loop3A_165] : memref<2016xf32, #tpu.memory_space<vmem>>[vector<16xi32>], vector<16xf32>,
        %parallel_loop3A_167 = arith.constant 10 : i32
        %parallel_loop3A_168 = vector.broadcast %parallel_loop3A_167 : i32 to vector<16xi32>
        %parallel_loop3A_169 = arith.addi %parallel_loop3A_126, %parallel_loop3A_168 : vector<16xi32>
        %parallel_loop3A_170 = tpu.vector_load_idx %arg5[%parallel_loop3A_169] : memref<2016xf32, #tpu.memory_space<vmem>>[vector<16xi32>], vector<16xf32>,
        %parallel_loop3A_171 = arith.constant 11 : i32
        %parallel_loop3A_172 = vector.broadcast %parallel_loop3A_171 : i32 to vector<16xi32>
        %parallel_loop3A_173 = arith.addi %parallel_loop3A_126, %parallel_loop3A_172 : vector<16xi32>
        %parallel_loop3A_174 = tpu.vector_load_idx %arg5[%parallel_loop3A_173] : memref<2016xf32, #tpu.memory_space<vmem>>[vector<16xi32>], vector<16xf32>,
        %parallel_loop3A_175 = arith.constant 12 : i32
        %parallel_loop3A_176 = vector.broadcast %parallel_loop3A_175 : i32 to vector<16xi32>
        %parallel_loop3A_177 = arith.addi %parallel_loop3A_126, %parallel_loop3A_176 : vector<16xi32>
        %parallel_loop3A_178 = tpu.vector_load_idx %arg5[%parallel_loop3A_177] : memref<2016xf32, #tpu.memory_space<vmem>>[vector<16xi32>], vector<16xf32>,
        %parallel_loop3A_179 = arith.constant 13 : i32
        %parallel_loop3A_180 = vector.broadcast %parallel_loop3A_179 : i32 to vector<16xi32>
        %parallel_loop3A_181 = arith.addi %parallel_loop3A_126, %parallel_loop3A_180 : vector<16xi32>
        %parallel_loop3A_182 = tpu.vector_load_idx %arg5[%parallel_loop3A_181] : memref<2016xf32, #tpu.memory_space<vmem>>[vector<16xi32>], vector<16xf32>,
        %parallel_loop3A_183 = arith.constant 14 : i32
        %parallel_loop3A_184 = vector.broadcast %parallel_loop3A_183 : i32 to vector<16xi32>
        %parallel_loop3A_185 = arith.addi %parallel_loop3A_126, %parallel_loop3A_184 : vector<16xi32>
        %parallel_loop3A_186 = tpu.vector_load_idx %arg5[%parallel_loop3A_185] : memref<2016xf32, #tpu.memory_space<vmem>>[vector<16xi32>], vector<16xf32>,
        %parallel_loop3A_187 = arith.constant 15 : i32
        %parallel_loop3A_188 = vector.broadcast %parallel_loop3A_187 : i32 to vector<16xi32>
        %parallel_loop3A_189 = arith.addi %parallel_loop3A_126, %parallel_loop3A_188 : vector<16xi32>
        %parallel_loop3A_190 = tpu.vector_load_idx %arg5[%parallel_loop3A_189] : memref<2016xf32, #tpu.memory_space<vmem>>[vector<16xi32>], vector<16xf32>,
        %parallel_loop3A_191 = arith.constant 16 : i32
        %parallel_loop3A_192 = vector.broadcast %parallel_loop3A_191 : i32 to vector<16xi32>
        %parallel_loop3A_193 = arith.addi %parallel_loop3A_126, %parallel_loop3A_192 : vector<16xi32>
        %parallel_loop3A_194 = tpu.vector_load_idx %arg5[%parallel_loop3A_193] : memref<2016xf32, #tpu.memory_space<vmem>>[vector<16xi32>], vector<16xf32>,
        %parallel_loop3A_195 = arith.constant 17 : i32
        %parallel_loop3A_196 = vector.broadcast %parallel_loop3A_195 : i32 to vector<16xi32>
        %parallel_loop3A_197 = arith.addi %parallel_loop3A_126, %parallel_loop3A_196 : vector<16xi32>
        %parallel_loop3A_198 = tpu.vector_load_idx %arg5[%parallel_loop3A_197] : memref<2016xf32, #tpu.memory_space<vmem>>[vector<16xi32>], vector<16xf32>,
        %parallel_loop3A_199 = arith.constant 18 : i32
        %parallel_loop3A_200 = vector.broadcast %parallel_loop3A_199 : i32 to vector<16xi32>
        %parallel_loop3A_201 = arith.addi %parallel_loop3A_126, %parallel_loop3A_200 : vector<16xi32>
        %parallel_loop3A_202 = tpu.vector_load_idx %arg5[%parallel_loop3A_201] : memref<2016xf32, #tpu.memory_space<vmem>>[vector<16xi32>], vector<16xf32>,
        %parallel_loop3A_203 = arith.constant 19 : i32
        %parallel_loop3A_204 = vector.broadcast %parallel_loop3A_203 : i32 to vector<16xi32>
        %parallel_loop3A_205 = arith.addi %parallel_loop3A_126, %parallel_loop3A_204 : vector<16xi32>
        %parallel_loop3A_206 = tpu.vector_load_idx %arg5[%parallel_loop3A_205] : memref<2016xf32, #tpu.memory_space<vmem>>[vector<16xi32>], vector<16xf32>,
        %parallel_loop3A_207 = arith.constant 20 : i32
        %parallel_loop3A_208 = vector.broadcast %parallel_loop3A_207 : i32 to vector<16xi32>
        %parallel_loop3A_209 = arith.addi %parallel_loop3A_126, %parallel_loop3A_208 : vector<16xi32>
        %parallel_loop3A_210 = tpu.vector_load_idx %arg5[%parallel_loop3A_209] : memref<2016xf32, #tpu.memory_space<vmem>>[vector<16xi32>], vector<16xf32>,
        %parallel_loop3A_211 = arith.constant 21 : i32
        %parallel_loop3A_212 = vector.broadcast %parallel_loop3A_211 : i32 to vector<16xi32>
        %parallel_loop3A_213 = arith.addi %parallel_loop3A_126, %parallel_loop3A_212 : vector<16xi32>
        %parallel_loop3A_214 = tpu.vector_load_idx %arg5[%parallel_loop3A_213] : memref<2016xf32, #tpu.memory_space<vmem>>[vector<16xi32>], vector<16xf32>,
        %parallel_loop3A_215 = arith.constant 22 : i32
        %parallel_loop3A_216 = vector.broadcast %parallel_loop3A_215 : i32 to vector<16xi32>
        %parallel_loop3A_217 = arith.addi %parallel_loop3A_126, %parallel_loop3A_216 : vector<16xi32>
        %parallel_loop3A_218 = tpu.vector_load_idx %arg5[%parallel_loop3A_217] : memref<2016xf32, #tpu.memory_space<vmem>>[vector<16xi32>], vector<16xf32>,
        %parallel_loop3A_219 = arith.constant 23 : i32
        %parallel_loop3A_220 = vector.broadcast %parallel_loop3A_219 : i32 to vector<16xi32>
        %parallel_loop3A_221 = arith.addi %parallel_loop3A_126, %parallel_loop3A_220 : vector<16xi32>
        %parallel_loop3A_222 = tpu.vector_load_idx %arg5[%parallel_loop3A_221] : memref<2016xf32, #tpu.memory_space<vmem>>[vector<16xi32>], vector<16xf32>,
        %parallel_loop3A_223 = arith.constant 0 : i32
        %parallel_loop3A_224 = arith.index_cast %parallel_loop3A_223 : i32 to index
        %parallel_loop3A_225 = arith.index_cast %parallel_loop3A_121 : i32 to index
        %parallel_loop3A_226 = tpu.vector_load %arg9[%parallel_loop3A_224, %parallel_loop3A_225] {strides = array<i32>} : memref<24x2048xf32, #tpu.memory_space<vmem>>, vector<16xf32>,
        tpu.vector_store %arg9[%parallel_loop3A_224, %parallel_loop3A_225], %parallel_loop3A_130 {strides = array<i32>} : memref<24x2048xf32, #tpu.memory_space<vmem>>, vector<16xf32>,
        %parallel_loop3A_227 = arith.constant 1 : i32
        %parallel_loop3A_228 = arith.index_cast %parallel_loop3A_227 : i32 to index
        %parallel_loop3A_229 = arith.index_cast %parallel_loop3A_121 : i32 to index
        %parallel_loop3A_230 = tpu.vector_load %arg9[%parallel_loop3A_228, %parallel_loop3A_229] {strides = array<i32>} : memref<24x2048xf32, #tpu.memory_space<vmem>>, vector<16xf32>,
        tpu.vector_store %arg9[%parallel_loop3A_228, %parallel_loop3A_229], %parallel_loop3A_134 {strides = array<i32>} : memref<24x2048xf32, #tpu.memory_space<vmem>>, vector<16xf32>,
        %parallel_loop3A_231 = arith.constant 2 : i32
        %parallel_loop3A_232 = arith.index_cast %parallel_loop3A_231 : i32 to index
        %parallel_loop3A_233 = arith.index_cast %parallel_loop3A_121 : i32 to index
        %parallel_loop3A_234 = tpu.vector_load %arg9[%parallel_loop3A_232, %parallel_loop3A_233] {strides = array<i32>} : memref<24x2048xf32, #tpu.memory_space<vmem>>, vector<16xf32>,
        tpu.vector_store %arg9[%parallel_loop3A_232, %parallel_loop3A_233], %parallel_loop3A_138 {strides = array<i32>} : memref<24x2048xf32, #tpu.memory_space<vmem>>, vector<16xf32>,
        %parallel_loop3A_235 = arith.constant 3 : i32
        %parallel_loop3A_236 = arith.index_cast %parallel_loop3A_235 : i32 to index
        %parallel_loop3A_237 = arith.index_cast %parallel_loop3A_121 : i32 to index
        %parallel_loop3A_238 = tpu.vector_load %arg9[%parallel_loop3A_236, %parallel_loop3A_237] {strides = array<i32>} : memref<24x2048xf32, #tpu.memory_space<vmem>>, vector<16xf32>,
        tpu.vector_store %arg9[%parallel_loop3A_236, %parallel_loop3A_237], %parallel_loop3A_142 {strides = array<i32>} : memref<24x2048xf32, #tpu.memory_space<vmem>>, vector<16xf32>,
        %parallel_loop3A_239 = arith.constant 4 : i32
        %parallel_loop3A_240 = arith.index_cast %parallel_loop3A_239 : i32 to index
        %parallel_loop3A_241 = arith.index_cast %parallel_loop3A_121 : i32 to index
        %parallel_loop3A_242 = tpu.vector_load %arg9[%parallel_loop3A_240, %parallel_loop3A_241] {strides = array<i32>} : memref<24x2048xf32, #tpu.memory_space<vmem>>, vector<16xf32>,
        tpu.vector_store %arg9[%parallel_loop3A_240, %parallel_loop3A_241], %parallel_loop3A_146 {strides = array<i32>} : memref<24x2048xf32, #tpu.memory_space<vmem>>, vector<16xf32>,
        %parallel_loop3A_243 = arith.constant 5 : i32
        %parallel_loop3A_244 = arith.index_cast %parallel_loop3A_243 : i32 to index
        %parallel_loop3A_245 = arith.index_cast %parallel_loop3A_121 : i32 to index
        %parallel_loop3A_246 = tpu.vector_load %arg9[%parallel_loop3A_244, %parallel_loop3A_245] {strides = array<i32>} : memref<24x2048xf32, #tpu.memory_space<vmem>>, vector<16xf32>,
        tpu.vector_store %arg9[%parallel_loop3A_244, %parallel_loop3A_245], %parallel_loop3A_150 {strides = array<i32>} : memref<24x2048xf32, #tpu.memory_space<vmem>>, vector<16xf32>,
        %parallel_loop3A_247 = arith.constant 6 : i32
        %parallel_loop3A_248 = arith.index_cast %parallel_loop3A_247 : i32 to index
        %parallel_loop3A_249 = arith.index_cast %parallel_loop3A_121 : i32 to index
        %parallel_loop3A_250 = tpu.vector_load %arg9[%parallel_loop3A_248, %parallel_loop3A_249] {strides = array<i32>} : memref<24x2048xf32, #tpu.memory_space<vmem>>, vector<16xf32>,
        tpu.vector_store %arg9[%parallel_loop3A_248, %parallel_loop3A_249], %parallel_loop3A_154 {strides = array<i32>} : memref<24x2048xf32, #tpu.memory_space<vmem>>, vector<16xf32>,
        %parallel_loop3A_251 = arith.constant 7 : i32
        %parallel_loop3A_252 = arith.index_cast %parallel_loop3A_251 : i32 to index
        %parallel_loop3A_253 = arith.index_cast %parallel_loop3A_121 : i32 to index
        %parallel_loop3A_254 = tpu.vector_load %arg9[%parallel_loop3A_252, %parallel_loop3A_253] {strides = array<i32>} : memref<24x2048xf32, #tpu.memory_space<vmem>>, vector<16xf32>,
        tpu.vector_store %arg9[%parallel_loop3A_252, %parallel_loop3A_253], %parallel_loop3A_158 {strides = array<i32>} : memref<24x2048xf32, #tpu.memory_space<vmem>>, vector<16xf32>,
        %parallel_loop3A_255 = arith.constant 8 : i32
        %parallel_loop3A_256 = arith.index_cast %parallel_loop3A_255 : i32 to index
        %parallel_loop3A_257 = arith.index_cast %parallel_loop3A_121 : i32 to index
        %parallel_loop3A_258 = tpu.vector_load %arg9[%parallel_loop3A_256, %parallel_loop3A_257] {strides = array<i32>} : memref<24x2048xf32, #tpu.memory_space<vmem>>, vector<16xf32>,
        tpu.vector_store %arg9[%parallel_loop3A_256, %parallel_loop3A_257], %parallel_loop3A_162 {strides = array<i32>} : memref<24x2048xf32, #tpu.memory_space<vmem>>, vector<16xf32>,
        %parallel_loop3A_259 = arith.constant 9 : i32
        %parallel_loop3A_260 = arith.index_cast %parallel_loop3A_259 : i32 to index
        %parallel_loop3A_261 = arith.index_cast %parallel_loop3A_121 : i32 to index
        %parallel_loop3A_262 = tpu.vector_load %arg9[%parallel_loop3A_260, %parallel_loop3A_261] {strides = array<i32>} : memref<24x2048xf32, #tpu.memory_space<vmem>>, vector<16xf32>,
        tpu.vector_store %arg9[%parallel_loop3A_260, %parallel_loop3A_261], %parallel_loop3A_166 {strides = array<i32>} : memref<24x2048xf32, #tpu.memory_space<vmem>>, vector<16xf32>,
        %parallel_loop3A_263 = arith.constant 10 : i32
        %parallel_loop3A_264 = arith.index_cast %parallel_loop3A_263 : i32 to index
        %parallel_loop3A_265 = arith.index_cast %parallel_loop3A_121 : i32 to index
        %parallel_loop3A_266 = tpu.vector_load %arg9[%parallel_loop3A_264, %parallel_loop3A_265] {strides = array<i32>} : memref<24x2048xf32, #tpu.memory_space<vmem>>, vector<16xf32>,
        tpu.vector_store %arg9[%parallel_loop3A_264, %parallel_loop3A_265], %parallel_loop3A_170 {strides = array<i32>} : memref<24x2048xf32, #tpu.memory_space<vmem>>, vector<16xf32>,
        %parallel_loop3A_267 = arith.constant 11 : i32
        %parallel_loop3A_268 = arith.index_cast %parallel_loop3A_267 : i32 to index
        %parallel_loop3A_269 = arith.index_cast %parallel_loop3A_121 : i32 to index
        %parallel_loop3A_270 = tpu.vector_load %arg9[%parallel_loop3A_268, %parallel_loop3A_269] {strides = array<i32>} : memref<24x2048xf32, #tpu.memory_space<vmem>>, vector<16xf32>,
        tpu.vector_store %arg9[%parallel_loop3A_268, %parallel_loop3A_269], %parallel_loop3A_174 {strides = array<i32>} : memref<24x2048xf32, #tpu.memory_space<vmem>>, vector<16xf32>,
        %parallel_loop3A_271 = arith.constant 12 : i32
        %parallel_loop3A_272 = arith.index_cast %parallel_loop3A_271 : i32 to index
        %parallel_loop3A_273 = arith.index_cast %parallel_loop3A_121 : i32 to index
        %parallel_loop3A_274 = tpu.vector_load %arg9[%parallel_loop3A_272, %parallel_loop3A_273] {strides = array<i32>} : memref<24x2048xf32, #tpu.memory_space<vmem>>, vector<16xf32>,
        tpu.vector_store %arg9[%parallel_loop3A_272, %parallel_loop3A_273], %parallel_loop3A_178 {strides = array<i32>} : memref<24x2048xf32, #tpu.memory_space<vmem>>, vector<16xf32>,
        %parallel_loop3A_275 = arith.constant 13 : i32
        %parallel_loop3A_276 = arith.index_cast %parallel_loop3A_275 : i32 to index
        %parallel_loop3A_277 = arith.index_cast %parallel_loop3A_121 : i32 to index
        %parallel_loop3A_278 = tpu.vector_load %arg9[%parallel_loop3A_276, %parallel_loop3A_277] {strides = array<i32>} : memref<24x2048xf32, #tpu.memory_space<vmem>>, vector<16xf32>,
        tpu.vector_store %arg9[%parallel_loop3A_276, %parallel_loop3A_277], %parallel_loop3A_182 {strides = array<i32>} : memref<24x2048xf32, #tpu.memory_space<vmem>>, vector<16xf32>,
        %parallel_loop3A_279 = arith.constant 14 : i32
        %parallel_loop3A_280 = arith.index_cast %parallel_loop3A_279 : i32 to index
        %parallel_loop3A_281 = arith.index_cast %parallel_loop3A_121 : i32 to index
        %parallel_loop3A_282 = tpu.vector_load %arg9[%parallel_loop3A_280, %parallel_loop3A_281] {strides = array<i32>} : memref<24x2048xf32, #tpu.memory_space<vmem>>, vector<16xf32>,
        tpu.vector_store %arg9[%parallel_loop3A_280, %parallel_loop3A_281], %parallel_loop3A_186 {strides = array<i32>} : memref<24x2048xf32, #tpu.memory_space<vmem>>, vector<16xf32>,
        %parallel_loop3A_283 = arith.constant 15 : i32
        %parallel_loop3A_284 = arith.index_cast %parallel_loop3A_283 : i32 to index
        %parallel_loop3A_285 = arith.index_cast %parallel_loop3A_121 : i32 to index
        %parallel_loop3A_286 = tpu.vector_load %arg9[%parallel_loop3A_284, %parallel_loop3A_285] {strides = array<i32>} : memref<24x2048xf32, #tpu.memory_space<vmem>>, vector<16xf32>,
        tpu.vector_store %arg9[%parallel_loop3A_284, %parallel_loop3A_285], %parallel_loop3A_190 {strides = array<i32>} : memref<24x2048xf32, #tpu.memory_space<vmem>>, vector<16xf32>,
        %parallel_loop3A_287 = arith.constant 16 : i32
        %parallel_loop3A_288 = arith.index_cast %parallel_loop3A_287 : i32 to index
        %parallel_loop3A_289 = arith.index_cast %parallel_loop3A_121 : i32 to index
        %parallel_loop3A_290 = tpu.vector_load %arg9[%parallel_loop3A_288, %parallel_loop3A_289] {strides = array<i32>} : memref<24x2048xf32, #tpu.memory_space<vmem>>, vector<16xf32>,
        tpu.vector_store %arg9[%parallel_loop3A_288, %parallel_loop3A_289], %parallel_loop3A_194 {strides = array<i32>} : memref<24x2048xf32, #tpu.memory_space<vmem>>, vector<16xf32>,
        %parallel_loop3A_291 = arith.constant 17 : i32
        %parallel_loop3A_292 = arith.index_cast %parallel_loop3A_291 : i32 to index
        %parallel_loop3A_293 = arith.index_cast %parallel_loop3A_121 : i32 to index
        %parallel_loop3A_294 = tpu.vector_load %arg9[%parallel_loop3A_292, %parallel_loop3A_293] {strides = array<i32>} : memref<24x2048xf32, #tpu.memory_space<vmem>>, vector<16xf32>,
        tpu.vector_store %arg9[%parallel_loop3A_292, %parallel_loop3A_293], %parallel_loop3A_198 {strides = array<i32>} : memref<24x2048xf32, #tpu.memory_space<vmem>>, vector<16xf32>,
        %parallel_loop3A_295 = arith.constant 18 : i32
        %parallel_loop3A_296 = arith.index_cast %parallel_loop3A_295 : i32 to index
        %parallel_loop3A_297 = arith.index_cast %parallel_loop3A_121 : i32 to index
        %parallel_loop3A_298 = tpu.vector_load %arg9[%parallel_loop3A_296, %parallel_loop3A_297] {strides = array<i32>} : memref<24x2048xf32, #tpu.memory_space<vmem>>, vector<16xf32>,
        tpu.vector_store %arg9[%parallel_loop3A_296, %parallel_loop3A_297], %parallel_loop3A_202 {strides = array<i32>} : memref<24x2048xf32, #tpu.memory_space<vmem>>, vector<16xf32>,
        %parallel_loop3A_299 = arith.constant 19 : i32
        %parallel_loop3A_300 = arith.index_cast %parallel_loop3A_299 : i32 to index
        %parallel_loop3A_301 = arith.index_cast %parallel_loop3A_121 : i32 to index
        %parallel_loop3A_302 = tpu.vector_load %arg9[%parallel_loop3A_300, %parallel_loop3A_301] {strides = array<i32>} : memref<24x2048xf32, #tpu.memory_space<vmem>>, vector<16xf32>,
        tpu.vector_store %arg9[%parallel_loop3A_300, %parallel_loop3A_301], %parallel_loop3A_206 {strides = array<i32>} : memref<24x2048xf32, #tpu.memory_space<vmem>>, vector<16xf32>,
        %parallel_loop3A_303 = arith.constant 20 : i32
        %parallel_loop3A_304 = arith.index_cast %parallel_loop3A_303 : i32 to index
        %parallel_loop3A_305 = arith.index_cast %parallel_loop3A_121 : i32 to index
        %parallel_loop3A_306 = tpu.vector_load %arg9[%parallel_loop3A_304, %parallel_loop3A_305] {strides = array<i32>} : memref<24x2048xf32, #tpu.memory_space<vmem>>, vector<16xf32>,
        tpu.vector_store %arg9[%parallel_loop3A_304, %parallel_loop3A_305], %parallel_loop3A_210 {strides = array<i32>} : memref<24x2048xf32, #tpu.memory_space<vmem>>, vector<16xf32>,
        %parallel_loop3A_307 = arith.constant 21 : i32
        %parallel_loop3A_308 = arith.index_cast %parallel_loop3A_307 : i32 to index
        %parallel_loop3A_309 = arith.index_cast %parallel_loop3A_121 : i32 to index
        %parallel_loop3A_310 = tpu.vector_load %arg9[%parallel_loop3A_308, %parallel_loop3A_309] {strides = array<i32>} : memref<24x2048xf32, #tpu.memory_space<vmem>>, vector<16xf32>,
        tpu.vector_store %arg9[%parallel_loop3A_308, %parallel_loop3A_309], %parallel_loop3A_214 {strides = array<i32>} : memref<24x2048xf32, #tpu.memory_space<vmem>>, vector<16xf32>,
        %parallel_loop3A_311 = arith.constant 22 : i32
        %parallel_loop3A_312 = arith.index_cast %parallel_loop3A_311 : i32 to index
        %parallel_loop3A_313 = arith.index_cast %parallel_loop3A_121 : i32 to index
        %parallel_loop3A_314 = tpu.vector_load %arg9[%parallel_loop3A_312, %parallel_loop3A_313] {strides = array<i32>} : memref<24x2048xf32, #tpu.memory_space<vmem>>, vector<16xf32>,
        tpu.vector_store %arg9[%parallel_loop3A_312, %parallel_loop3A_313], %parallel_loop3A_218 {strides = array<i32>} : memref<24x2048xf32, #tpu.memory_space<vmem>>, vector<16xf32>,
        %parallel_loop3A_315 = arith.constant 23 : i32
        %parallel_loop3A_316 = arith.index_cast %parallel_loop3A_315 : i32 to index
        %parallel_loop3A_317 = arith.index_cast %parallel_loop3A_121 : i32 to index
        %parallel_loop3A_318 = tpu.vector_load %arg9[%parallel_loop3A_316, %parallel_loop3A_317] {strides = array<i32>} : memref<24x2048xf32, #tpu.memory_space<vmem>>, vector<16xf32>,
        tpu.vector_store %arg9[%parallel_loop3A_316, %parallel_loop3A_317], %parallel_loop3A_222 {strides = array<i32>} : memref<24x2048xf32, #tpu.memory_space<vmem>>, vector<16xf32>,
      } {sc.loop_unroll_factor = 8 : i64, sc.parallel_access}
      %mul3A_105 = arith.constant 2048 : i32
      %mul3A_106 = arith.muli %add3A_91, %mul3A_105 : i32
      %add3A_107 = arith.addi %mul3A_2, %mul3A_106 : i32
      %dma_start3A_108 = arith.constant 0 : i32
      %dma_start3A_109 = tpu.memref_slice %arg4[%dma_start3A_108, %add3A_107] : memref<24x1048576xf32, #tpu.memory_space<hbm>> -> memref<24x2048xf32, #tpu.memory_space<hbm>>
      %dma_start3A_110 = arith.constant 0 : i32
      %dma_start3A_111 = tpu.memref_slice %arg4[%dma_start3A_110, %add3A_107] : memref<24x1048576xf32, #tpu.memory_space<hbm>> -> memref<24x2048xf32, #tpu.memory_space<hbm>>
      tpu.enqueue_dma source(%arg9 : memref<24x2048xf32, #tpu.memory_space<vmem>>) target(%dma_start3A_111 : memref<24x2048xf32, #tpu.memory_space<hbm>>) target_semaphore(%arg13 : memref<!tpu.dma_semaphore, #tpu.memory_space<semaphore_mem>>)
      %add3A_112 = arith.constant 2 : i32
      %add3A_113 = arith.addi %add3A_91, %add3A_112 : i32
      %lt3A_114 = arith.constant 16 : i32
      %lt3A_115 = arith.cmpi slt, %add3A_113, %lt3A_114 : i32
      %convert_element_type3A_116 = arith.extui %lt3A_115 : i1 to i32
      %cond3A_117 = arith.constant 0 : i32
      %cond3A_118 = arith.cmpi ne, %convert_element_type3A_116, %cond3A_117 : i32
      scf.if %cond3A_118 {
        %add3A_119 = arith.constant 2 : i32
        %add3A_120 = arith.addi %add3A_91, %add3A_119 : i32
        %mul3A_121 = arith.constant 2048 : i32
        %mul3A_122 = arith.muli %add3A_120, %mul3A_121 : i32
        %add3A_123 = arith.addi %mul3A_2, %mul3A_122 : i32
        %dma_start3A_124 = tpu.memref_slice %arg2[%add3A_123] : memref<1048576xi32, #tpu.memory_space<hbm>> -> memref<2048xi32, #tpu.memory_space<hbm>>
        %dma_start3A_125 = tpu.memref_slice %arg2[%add3A_123] : memref<1048576xi32, #tpu.memory_space<hbm>> -> memref<2048xi32, #tpu.memory_space<hbm>>
        tpu.enqueue_dma source(%dma_start3A_125 : memref<2048xi32, #tpu.memory_space<hbm>>) target(%arg7 : memref<2048xi32, #tpu.memory_space<vmem>>) target_semaphore(%arg11 : memref<!tpu.dma_semaphore, #tpu.memory_space<semaphore_mem>>)
      } else {
      }
    }
    %scan3A_46 = arith.constant 7 : i32
    %dma_wait3A_47 = arith.constant 0 : i32
    %dma_wait3A_48 = arith.constant 0 : i32
    %dma_wait3A_49 = tpu.memref_slice %arg4[%dma_wait3A_47, %dma_wait3A_48] : memref<24x1048576xf32, #tpu.memory_space<hbm>> -> memref<24x2048xf32, #tpu.memory_space<hbm>>
    %dma_wait3A_50 = arith.constant 0 : i32
    %dma_wait3A_51 = arith.constant 0 : i32
    %dma_wait3A_52 = tpu.memref_slice %arg4[%dma_wait3A_50, %dma_wait3A_51] : memref<24x1048576xf32, #tpu.memory_space<hbm>> -> memref<24x2048xf32, #tpu.memory_space<hbm>>
    tpu.wait_dma2 semaphore(%arg12 : memref<!tpu.dma_semaphore, #tpu.memory_space<semaphore_mem>>) src(%arg8 : memref<24x2048xf32, #tpu.memory_space<vmem>>) dst(%dma_wait3A_52 : memref<24x2048xf32, #tpu.memory_space<hbm>>)
    %dma_wait3A_53 = arith.constant 0 : i32
    %dma_wait3A_54 = arith.constant 0 : i32
    %dma_wait3A_55 = tpu.memref_slice %arg4[%dma_wait3A_53, %dma_wait3A_54] : memref<24x1048576xf32, #tpu.memory_space<hbm>> -> memref<24x2048xf32, #tpu.memory_space<hbm>>
    %dma_wait3A_56 = arith.constant 0 : i32
    %dma_wait3A_57 = arith.constant 0 : i32
    %dma_wait3A_58 = tpu.memref_slice %arg4[%dma_wait3A_56, %dma_wait3A_57] : memref<24x1048576xf32, #tpu.memory_space<hbm>> -> memref<24x2048xf32, #tpu.memory_space<hbm>>
    tpu.wait_dma2 semaphore(%arg13 : memref<!tpu.dma_semaphore, #tpu.memory_space<semaphore_mem>>) src(%arg9 : memref<24x2048xf32, #tpu.memory_space<vmem>>) dst(%dma_wait3A_58 : memref<24x2048xf32, #tpu.memory_space<hbm>>)
    return
  }
}

</mosaic_0001>

<sc_bundles>
// kernel: kernel.3.cloned.1.call-start
scs
__scs_entry_jumppad:
0x0: {  	(pc) =	sbr.rel $0x88, $3  }
0x1: {  	(tag) =	ssettag $0x0;
	lr =	simm.s32 $0x1  }
0x2: {  	[smem:$0x3F9D] =	sst lr;
	_ =	strace $0xD0000000  }
0x3: {  	_ = 	snop  }
0x4: {  	_ = 	snop  }
0x5: {  	_ = 	snop  }
0x6: {  	_ = 	snop  }
0x7: {  	_ = 	snop  }
__scs_overlays_trampoline_lowered:
0x8: {  	[smem:$0x3FAC] =	sst s0  }
0x9: {  	[smem:$0x3FAD] =	sst s1  }
0xa: {  	[smem:$0x3FAE] =	sst s2  }
0xb: {  	[smem:$0x3FAF] =	sst s3  }
0xc: {  	[smem:$0x3FB0] =	sst s4  }
0xd: {  	[smem:$0x3FB1] =	sst s5  }
0xe: {  	[smem:$0x3FB2] =	sst s6  }
0xf: {  	[smem:$0x3FB3] =	sst s7  }
0x10: {  	[smem:$0x3FB4] =	sst s8  }
0x11: {  	[smem:$0x3FB5] =	sst s9;
	s0 =	simm.s32 @!p0 $0x0  }
0x12: {  	s1 =	sld [smem:$0x3F9B];
	s0 =	simm.s32 @p0 $0x1  }
0x13: {  	[smem:$0x3FB6] =	sst s0;
	s0 =	simm.s32 @!p1 $0x0  }
0x14: {  	s2 =	sld [smem:$0x3F9A];
	s0 =	simm.s32 @p1 $0x1  }
0x15: {  	[smem:$0x3FB7] =	sst s0;
	s0 =	simm.s32 @!p2 $0x0  }
0x16: {  	s3 =	sld [smem:$0x3FDB];
	s0 =	simm.s32 @p2 $0x1  }
0x17: {  	s4 =	simm.s32 $0x1BF5;
	[smem:$0x3FB9] =	sst s0  }
0x18: {  	s0 =	sld [smem:$0x3F9C];
	_ =	swait.ge [sflag:s4], $0x0  }
0x19: {  	s7 =	sld [smem:$0x3F9D]  }
0x1a: {  	s8 =	sadd.s32 $0xFFFFE003, lr  }
0x1b: {  	s9 =	sadd.s32 $0xFFFFFEF7, lr;
	s5 =	simm.s32 $0xFFFFFFFF;
	p2 =	slt.u32 s8, $0xFFFFF086  }
0x1c: {  	p1 =	slt.u32 s9, $0xF7A;
	s5 =	simm.s32 @!p2 $0x0  }
0x1d: {  	s5 =	simm.s32 @p1 $0x1;
	p0 =	seq.s32 s7, s2  }
0x1e: {  	s7 =	smul.u32 @!p0 $0xF7A, s2;
	p2 =	seq.s32 @!p0 s5, $0x0  }
0x1f: {  	s9 =	smul.u32 $0xF7A, s1;
	s8 =	simm.s32 @!p0 $0x1BF5;
	p2 =	por !p2, p0  }
0x20: {  	[sflag:s8] =	ssyncset.s32 @!p0 $0xFFFFF086;
	s6 =	sadd.s32 @!p0 s3, s7;
	s7 =	simm.s32 @!p0 $0x108  }
0x21: {  	s3 =	sadd.s32 s3, s9;
	s6 =	sadd.s32 @!p0 $0x88, s6;
	s7 =	simm.s32 @p2 $0x1082  }
0x22: {  	[simem:s7], [sflag:s8] =	dma.local @!p0 [hbm:s6], $0xF7A  }
0x23: {  	s9 =	sor.u32 $0xD0000000, s2;
	s6 =	simm.s32 $0x108;
	_ =	swait.ge @!p0 [sflag:s8], $0x0  }
0x24: {  	s3 =	sadd.s32 $0x88, s3;
	s6 =	simm.s32 @!p1 $0x1082;
	[sflag:s4] =	ssyncset.s32 $0xFFFFF086  }
0x25: {  	[simem:s6], [sflag:s4] =	dma.local [hbm:s3], $0xF7A  }
0x26: {  	[smem:$0x3F9D] =	sst s1;
	(tag) =	ssettag s2;
	_ =	strace s9  }
0x27: {  	s1 =	sld [smem:$0x3FAD]  }
0x28: {  	s2 =	sld [smem:$0x3FAE]  }
0x29: {  	s4 =	sld [smem:$0x3FB0]  }
0x2a: {  	p0 =	seq.s32 s5, $0x0;
	s5 =	sld [smem:$0x3FB1]  }
0x2b: {  	s6 =	sld [smem:$0x3FB2]  }
0x2c: {  	s7 =	sld [smem:$0x3FB3]  }
0x2d: {  	s3 =	simm.s32 $0x108;
	s8 =	sld [smem:$0x3FB4]  }
0x2e: {  	s3 =	simm.s32 @!p0 $0x1082;
	s9 =	sld [smem:$0x3FB5]  }
0x2f: {  	lr =	sadd.s32 s0, s3;
	s0 =	sld [smem:$0x3FAC]  }
0x30: {  	s3 =	sld [smem:$0x3FAF]  }
0x31: {  	[smem:$0x3FB8] =	sst s10  }
0x32: {  	s10 =	sld [smem:$0x3FB6];
	_ =	sdelay $0x3  }
0x33: {  	p0 =	seq.s32 s10, $0x1;
	s10 =	sld [smem:$0x3FB8];
	_ =	sdelay $0x3  }
0x34: {  	[smem:$0x3FB8] =	sst s10  }
0x35: {  	s10 =	sld [smem:$0x3FB7];
	_ =	sdelay $0x3  }
0x36: {  	p1 =	seq.s32 s10, $0x1;
	s10 =	sld [smem:$0x3FB8];
	_ =	sdelay $0x3  }
0x37: {  	[smem:$0x3FB8] =	sst s10  }
0x38: {  	s10 =	sld [smem:$0x3FB9]  }
0x39: {  	_ = 	snop;
	(pc) =	sbr.ind lr, $3  }
0x3a: {  	_ = 	snop  }
0x3b: {  	_ = 	snop  }
0x3c: {  	p2 =	seq.s32 s10, $0x1;
	s10 =	sld [smem:$0x3FB8]  }
0x3d: {  	_ =	shalt  }
0x3e: {  	_ =	shalt  }
0x3f: {  	_ =	shalt  }
0x40: {  	_ =	shalt  }
0x41: {  	_ =	shalt  }
0x42: {  	_ =	shalt  }
0x43: {  	_ =	shalt  }
0x44: {  	_ =	shalt  }
0x45: {  	_ =	shalt  }
0x46: {  	_ =	shalt  }
0x47: {  	_ =	shalt  }
0x48: {  	_ =	shalt  }
0x49: {  	_ =	shalt  }
0x4a: {  	_ =	shalt  }
0x4b: {  	_ =	shalt  }
0x4c: {  	_ =	shalt  }
0x4d: {  	_ =	shalt  }
0x4e: {  	_ =	shalt  }
0x4f: {  	_ =	shalt  }
0x50: {  	_ =	shalt  }
0x51: {  	_ =	shalt  }
0x52: {  	_ =	shalt  }
0x53: {  	_ =	shalt  }
0x54: {  	_ =	shalt  }
0x55: {  	_ =	shalt  }
0x56: {  	_ =	shalt  }
0x57: {  	_ =	shalt  }
0x58: {  	_ =	shalt  }
0x59: {  	_ =	shalt  }
0x5a: {  	_ =	shalt  }
0x5b: {  	_ =	shalt  }
0x5c: {  	_ =	shalt  }
0x5d: {  	_ =	shalt  }
0x5e: {  	_ =	shalt  }
0x5f: {  	_ =	shalt  }
0x60: {  	_ =	shalt  }
0x61: {  	_ =	shalt  }
0x62: {  	_ =	shalt  }
0x63: {  	_ =	shalt  }
0x64: {  	_ =	shalt  }
0x65: {  	_ =	shalt  }
0x66: {  	_ =	shalt  }
0x67: {  	_ =	shalt  }
0x68: {  	_ =	shalt  }
0x69: {  	_ =	shalt  }
0x6a: {  	_ =	shalt  }
0x6b: {  	_ =	shalt  }
0x6c: {  	_ =	shalt  }
0x6d: {  	_ =	shalt  }
0x6e: {  	_ =	shalt  }
0x6f: {  	_ =	shalt  }
0x70: {  	_ =	shalt  }
0x71: {  	_ =	shalt  }
0x72: {  	_ =	shalt  }
0x73: {  	_ =	shalt  }
0x74: {  	_ =	shalt  }
0x75: {  	_ =	shalt  }
0x76: {  	_ =	shalt  }
0x77: {  	_ =	shalt  }
0x78: {  	_ =	shalt  }
0x79: {  	_ =	shalt  }
0x7a: {  	_ =	shalt  }
0x7b: {  	_ =	shalt  }
0x7c: {  	_ =	shalt  }
0x7d: {  	_ =	shalt  }
0x7e: {  	_ =	shalt  }
0x7f: {  	_ =	shalt  }
0x80: {  	_ =	shalt  }
0x81: {  	_ =	shalt  }
0x82: {  	_ =	shalt  }
0x83: {  	_ =	shalt  }
0x84: {  	_ =	shalt  }
0x85: {  	_ =	shalt  }
0x86: {  	_ =	shalt  }
0x87: {  	_ =	shalt  }
.Lfunc_end0:
.L_simem_size_0:
called_computation_lowered:
.L_overlay_start_0:
0x88: {  	s2 =	sld [smem:$0x3FD9]  }
0x89: {  	s3 =	sld [smem:$0x3FFE];
	_ =	sdelay $0x1  }
0x8a: {  	s1 =	srdreg.scid  }
0x8b: {  	s0 =	sand.u32 $0x1, s1  }
0x8c: {  	s15 =	sshll.u32 s0, $0xA;
	s2 =	sadd.s32 s3, s2  }
0x8d: {  	s2 =	sadd.s32 s2, s15  }
0x8e: {  	[smem:$0x3FC4] =	sst s2  }
0x8f: {  	_ = 	snop  }
0x90: {  	s2 =	sld [smem:$0x3FD0];
	_ =	sdelay $0x2  }
0x91: {  	s4 =	simm.s32 $0xA;
	s5 =	simm.s32 $0x10;
	s16 =	sld [smem:$0x3FC9]  }
0x92: {  	[smem:s5], [sflag:s4] =	dma.local [hbm:s2], $0x1  }
0x93: {  	_ =	swait.eq [sflag:s4], $0x1  }
0x94: {  	[sflag:s4] =	ssyncset.done $0x0  }
0x95: {  	s17 =	sld [smem:$0x10];
	[sflag:s4] =	ssyncadd.s32 $0xFFFFFFFF  }
0x96: {  	s18 =	sld [smem:$0x12];
	(tm) =	ssettm $0x1  }
0x97: {  	s19 =	sld [smem:$0x3FFB];
	_ =	sdelay $0x3  }
0x98: {  	_ =	strace s19  }
0x99: {  	s5 =	sld [smem:$0x3FFC];
	_ =	sdelay $0x3  }
0x9a: {  	_ =	strace s5  }
0x9b: {  	s5 =	sld [smem:$0x3FFD];
	_ =	sdelay $0x3  }
0x9c: {  	_ =	strace s5  }
0x9d: {  	_ =	strace $0x8FFFFFFF  }
0x9e: {  	s20 =	sld [smem:$0x3FDB];
	_ =	sdelay $0x1  }
0x9f: {  	s6 =	simm.s32 $_scs_section_size  }
0xa0: {  	s7 =	simm.s32 $_size__tile_overlayer_lowered;
	s8 =	simm.s32 $_tile_overlayer_lowered  }
0xa1: {  	s23 =	simm.s32 $0x1BFF;
	s22 =	sshll.u32 s8, $0x1;
	s5 =	sadd.s32 s6, s20  }
0xa2: {  	s9 =	simm.s32 $0x0;
	s21 =	sshll.u32 s7, $0x1;
	s7 =	sadd.s32 s22, s5  }
0xa3: {  	[timem:s9], [sflag:s23] =	dma.local [hbm:s7], s21  }
0xa4: {  	_ =	swait.ge [sflag:s23], s21  }
0xa5: {  	s6 =	ssub.s32 $0x0, s21;
	[sflag:s23] =	ssyncset.done $0x0  }
0xa6: {  	[sflag:s23] =	ssyncadd.s32 s6;
	_ =	sdelay $0x1  }
0xa7: {  	s24 =	simm.s32 $0x1B8B  }
0xa8: {  	_ =	swait.ge [sflag:s24], $0x1  }
0xa9: {  	[sflag:s24] =	ssyncset.done $0x0  }
0xaa: {  	s25 =	simm.s32 $0x1B8E;
	[sflag:s24] =	ssyncadd.s32 $0xFFFFFFFF  }
0xab: {  	s26 =	simm.s32 $execute0_lowered;
	[smem:$0x3FD2] =	sst s25  }
0xac: {  	s6 =	sshll.u32 s26, $0x1;
	_ =	strace $0x80000046;
	[dreg:$0x1] =	wrdreg $0xFFFFFFFF  }
0xad: {  	s28 =	simm.s32 $_size_execute0_lowered;
	s5 =	sadd.s32 s5, s6;
	[dreg:$0x0] =	wrdreg $0x0  }
0xae: {  	s6 =	sshll.u32 s28, $0x1;
	[dreg:$0x2] =	wrdreg s5  }
0xaf: {  	[dreg:$0x3] =	wrdreg s6  }
0xb0: {  	[dreg:$0x4] =	wrdreg $0xC0  }
0xb1: {  	_ =	task [dreg:s9], $0x5FFFF  }
0xb2: {  	[dreg:$0x1] =	wrdreg $0xFFFFFFFF  }
0xb3: {  	[dreg:$0x0] =	wrdreg $0x60  }
0xb4: {  	[dreg:$0x2] =	wrdreg s16  }
0xb5: {  	[dreg:$0x3] =	wrdreg s18  }
0xb6: {  	[dreg:$0x4] =	wrdreg s17  }
0xb7: {  	[dreg:$0x5] =	wrdreg $0x9  }
0xb8: {  	_ =	task.clear_ibuf [dreg:s9], $0x6FFFF;
	_ =	strace $0x90000046  }
0xb9: {  	s29 =	simm.s32 $0x9;
	_ =	strace $0x80000048  }
0xba: {  	_ =	swait.ge [sflag:s29], $0x1  }
0xbb: {  	[sflag:s29] =	ssyncadd.s32 $0xFFFFFFFF  }
0xbc: {  	_ =	strace $0x90000048  }
0xbd: {  	_ =	sfence  }
0xbe: {  	s30 =	sld [smem:$0x0];
	_ =	sdelay $0x2  }
0xbf: {  	s31 =	sshll.u32 s1, $0xD;
	s1 =	sshrl.u32 s1, $0x2  }
0xc0: {  	s3 =	sand.u32 $0x4000, s31;
	s1 =	sadd.s32 s1, s30  }
0xc1: {  	s0 =	sor.u32 s3, s0;
	s1 =	sshll.u32 s1, $0x11  }
0xc2: {  	s0 =	sor.u32 s1, s0  }
0xc3: {  	s0 =	sadd.s32 $0x8F2B, s0  }
0xc4: {  	[sflag:s0] =	ssyncadd.remote.s32 $0x1  }
0xc5: {  	_ =	sfence.sel $0xFFFF  }
0xc6: {  	[dreg:$0x0] =	wrdreg $0xFFFFFFFF;
	(pc) =	sbr.abs _section_cstart, $3  }
0xc7: {  	[dreg:$0x1] =	wrdreg $0xFFFFFFFF  }
0xc8: {  	_ =	task.clear_ibuf [dreg:s9], $0x2FFFF;
	_ =	strace $0x9FFFFFFF  }
0xc9: {  	(tm) =	ssettm $0x7FFFFFFF  }
tec
execute0_lowered:
.L_overlay_start_1:
0x0: {  	(tag) =	ssettag $0x1  }
0x1: {  	s1 =	rddreg [dreg:$0x0]  }
0x2: {  	s3 =	rddreg [dreg:$0x1]  }
0x3: {  	s0 =	rddreg [dreg:$0x2]  }
0x4: {  	s4 =	srdreg.scid;
	s2 =	stileid.u32;
	s14 =	simm.s32 $0x5  }
0x5: {  	s15 =	simm.s32 $0x800;
	s16 =	simm.s32 $0x1000;
	s17 =	simm.s32 $0x1  }
0x6: {  	s18 =	simm.s32 $0x4000;
	s19 =	simm.s32 $0x800000;
	s20 =	simm.s32 $0x1800  }
0x7: {  	s21 =	simm.s32 $0x2;
	s22 =	simm.s32 $0xD800;
	s23 =	simm.s32 $0x3  }
0x8: {  	s24 =	simm.s32 $0x4;
	s25 =	simm.s32 $0x0;
	s5 =	sand.u32 $0x1, s4  }
0x9: {  	s4 =	simm.s32 $0x0;
	s6 =	sshll.u32 s2, $0x10;
	s7 =	sshll.u32 s5, $0xF  }
0xa: {  	[smem:$0x7FF] =	sst s4;
	s5 =	ssub.s32 $0x2, s5;
	s12 =	sor.u32 s7, s6  }
0xb: {  	_ =	strace $0x80000047;
	s31 =	sshrl.u32 s5, $0x1;
	s6 =	sshrl.u32 s12, $0x7  }
.Ltmp0:
0xc: {  	s8 =	sshrl.u32 s12, $0x3;
	s13 =	ssub.s32 s5, s31;
	(pc) =	sbr.rel .LBB2_1-.Ltmp0, $4  }
0xd: {  	s7 =	sadd.s32 s0, s12;
	s11 =	sor.u32 $0x1000, s12;
	s12 =	sor.u32 $0x1800, s12  }
0xe: {  	s9 =	sor.u32 $0x10, s6;
	s5 =	sadd.s32 s1, s8;
	s13 =	smax.u32 s13, $0x1  }
0xf: {  	s6 =	sshll.u32 s9, $0x4;
	s9 =	sshll.u32 s9, $0x7;
	s8 =	sadd.s32 $0x200, s5  }
0x10: {  	s10 =	sadd.s32 $0x300, s5;
	s6 =	sadd.s32 s1, s6;
	s9 =	sadd.s32 s0, s9  }
.LBB2_12:
0x11: {  	s25 =	sadd.s32 $0x1, s25  }
0x12: {  	_ =	swait.ge [sflag:s23], $0xC000;
	p0 =	sne.s32 s25, s13  }
.Ltmp1:
0x13: {  	[sflag:s23] =	ssyncset.done $0x0;
	(pc) =	sbr.rel @!p0 .LBB2_13-.Ltmp1, $4  }
0x14: {  	[sflag:s23] =	ssyncadd.s32 $0xFFFF4000  }
0x15: {  	_ =	swait.ge [sflag:s24], $0xC000  }
0x16: {  	[sflag:s24] =	ssyncset.done $0x0  }
0x17: {  	[sflag:s24] =	ssyncadd.s32 $0xFFFF4000  }
.LBB2_1:
0x18: {  	[tilespmem:s4], [sflag:$0x5] =	stream.linear.gather [hbm4b:s3+s4], $0x800, $0x38;
	[tilespmem:$0x19800] =	vst v63  }
0x19: {  	_ =	swait.ge [sflag:s14], $0x800  }
0x1a: {  	[sflag:s14] =	ssyncset.done $0x0  }
0x1b: {  	[sflag:s14] =	ssyncadd.s32 $0xFFFFF800  }
0x1c: {  	[tilespmem:s15], [sflag:$0x1] =	stream.linear.gather [hbm4b:s5+s4], $0x800, $0x38;
	[tilespmem:$0x19800] =	vst v63  }
0x1d: {  	_ = 	snop  }
0x1e: {  	[tilespmem:s16], [sflag:$0x2] =	stream.linear.gather [hbm4b:s6+s4], $0x800, $0x38;
	[tilespmem:$0x19800] =	vst v63  }
0x1f: {  	_ =	swait.ge [sflag:s17], $0x800  }
0x20: {  	[sflag:s17] =	ssyncset.done $0x0  }
0x21: {  	s26 =	simm.s32 $0x0;
	[sflag:s17] =	ssyncadd.s32 $0xFFFFF800  }
.LBB2_2:
0x22: {  	s0 =	sshll.u32 s26, $0x4  }
0x23: {  	s29 =	sand.u32 $0x3FFFFFF0, s0  }
0x24: {  	v0 =	vld [tilespmem:s29+$0x800]  }
0x25: {  	v20 =	vld [tilespmem:s29+$0x810];
	_ =	sdelay $0x3  }
0x26: {  	v0 =	vmul.u32 $0x18, v0  }
0x27: {  	v20 =	vmul.u32 $0x18, v20;
	_ =	sdelay $0x1  }
0x28: {  	v1 =	vor.u32 $0x1, v0  }
0x29: {  	v2 =	vor.u32 $0x2, v0  }
0x2a: {  	v55 =	vld [tilespmem:s29+$0x820];
	v3 =	vor.u32 $0x3, v0  }
0x2b: {  	v4 =	vor.u32 $0x4, v0;
	v5 =	vld.idx.msk [tilespmem:v0+s4+$0x0], $0xffff  }
0x2c: {  	v6 =	vor.u32 $0x5, v0;
	v29 =	vld.idx.msk [tilespmem:v20+s4+$0x0], $0xffff  }
0x2d: {  	v7 =	vor.u32 $0x6, v0;
	v1 =	vld.idx.msk [tilespmem:v1+s4+$0x0], $0xffff  }
0x2e: {  	v8 =	vor.u32 $0x7, v0;
	v2 =	vld.idx.msk [tilespmem:v2+s4+$0x0], $0xffff  }
0x2f: {  	v9 =	vadd.s32 $0x8, v0;
	v3 =	vld.idx.msk [tilespmem:v3+s4+$0x0], $0xffff  }
0x30: {  	v10 =	vadd.s32 $0x9, v0;
	v4 =	vld.idx.msk [tilespmem:v4+s4+$0x0], $0xffff  }
0x31: {  	v11 =	vadd.s32 $0xA, v0;
	v6 =	vld.idx.msk [tilespmem:v6+s4+$0x0], $0xffff  }
0x32: {  	v12 =	vadd.s32 $0xB, v0;
	v7 =	vld.idx.msk [tilespmem:v7+s4+$0x0], $0xffff  }
0x33: {  	v13 =	vadd.s32 $0xC, v0;
	v8 =	vld.idx.msk [tilespmem:v8+s4+$0x0], $0xffff  }
0x34: {  	v14 =	vadd.s32 $0xD, v0;
	v9 =	vld.idx.msk [tilespmem:v9+s4+$0x0], $0xffff  }
0x35: {  	v15 =	vadd.s32 $0xE, v0;
	v10 =	vld.idx.msk [tilespmem:v10+s4+$0x0], $0xffff  }
0x36: {  	v16 =	vadd.s32 $0xF, v0;
	v11 =	vld.idx.msk [tilespmem:v11+s4+$0x0], $0xffff  }
0x37: {  	v17 =	vadd.s32 $0x10, v0;
	v12 =	vld.idx.msk [tilespmem:v12+s4+$0x0], $0xffff  }
0x38: {  	v18 =	vadd.s32 $0x11, v0;
	v13 =	vld.idx.msk [tilespmem:v13+s4+$0x0], $0xffff  }
0x39: {  	v19 =	vadd.s32 $0x12, v0;
	v14 =	vld.idx.msk [tilespmem:v14+s4+$0x0], $0xffff  }
0x3a: {  	v21 =	vadd.s32 $0x13, v0;
	v15 =	vld.idx.msk [tilespmem:v15+s4+$0x0], $0xffff  }
0x3b: {  	v22 =	vadd.s32 $0x14, v0;
	v16 =	vld.idx.msk [tilespmem:v16+s4+$0x0], $0xffff  }
0x3c: {  	v23 =	vadd.s32 $0x15, v0;
	v17 =	vld.idx.msk [tilespmem:v17+s4+$0x0], $0xffff  }
0x3d: {  	v24 =	vadd.s32 $0x16, v0;
	v18 =	vld.idx.msk [tilespmem:v18+s4+$0x0], $0xffff  }
0x3e: {  	v25 =	vor.u32 $0x1, v20;
	v19 =	vld.idx.msk [tilespmem:v19+s4+$0x0], $0xffff  }
0x3f: {  	v26 =	vor.u32 $0x2, v20;
	v21 =	vld.idx.msk [tilespmem:v21+s4+$0x0], $0xffff  }
0x40: {  	v27 =	vor.u32 $0x3, v20;
	v22 =	vld.idx.msk [tilespmem:v22+s4+$0x0], $0xffff  }
0x41: {  	v28 =	vor.u32 $0x4, v20;
	v23 =	vld.idx.msk [tilespmem:v23+s4+$0x0], $0xffff  }
0x42: {  	v0 =	vadd.s32 $0x17, v0;
	v24 =	vld.idx.msk [tilespmem:v24+s4+$0x0], $0xffff  }
0x43: {  	v30 =	vor.u32 $0x5, v20;
	v25 =	vld.idx.msk [tilespmem:v25+s4+$0x0], $0xffff  }
0x44: {  	v31 =	vor.u32 $0x6, v20;
	v26 =	vld.idx.msk [tilespmem:v26+s4+$0x0], $0xffff  }
0x45: {  	s30 =	sshll.u32 s26, $0x7;
	v32 =	vor.u32 $0x7, v20;
	v27 =	vld.idx.msk [tilespmem:v27+s4+$0x0], $0xffff  }
0x46: {  	s28 =	sand.u32 $0x3FFFFF80, s30;
	v33 =	vadd.s32 $0x8, v20;
	v28 =	vld.idx.msk [tilespmem:v28+s4+$0x0], $0xffff  }
0x47: {  	v34 =	vadd.s32 $0x9, v20;
	v0 =	vld.idx.msk [tilespmem:v0+s4+$0x0], $0xffff;
	[tilespmem:s28+$0x1800] =	vst v5  }
0x48: {  	v35 =	vadd.s32 $0xA, v20;
	v30 =	vld.idx.msk [tilespmem:v30+s4+$0x0], $0xffff;
	[tilespmem:s28+$0x1880] =	vst v1  }
0x49: {  	v47 =	vadd.s32 $0xB, v20;
	v5 =	vld.idx.msk [tilespmem:v31+s4+$0x0], $0xffff;
	[tilespmem:s28+$0x1900] =	vst v2  }
0x4a: {  	v48 =	vadd.s32 $0xC, v20;
	v1 =	vld.idx.msk [tilespmem:v32+s4+$0x0], $0xffff;
	[tilespmem:s28+$0x1980] =	vst v3  }
0x4b: {  	v49 =	vadd.s32 $0xD, v20;
	v2 =	vld.idx.msk [tilespmem:v33+s4+$0x0], $0xffff;
	[tilespmem:s28+$0x1A00] =	vst v4  }
0x4c: {  	v50 =	vadd.s32 $0xE, v20;
	v3 =	vld.idx.msk [tilespmem:v34+s4+$0x0], $0xffff;
	[tilespmem:s28+$0x1A80] =	vst v6  }
0x4d: {  	v51 =	vadd.s32 $0xF, v20;
	v4 =	vld.idx.msk [tilespmem:v35+s4+$0x0], $0xffff;
	[tilespmem:s28+$0x1B00] =	vst v7  }
0x4e: {  	v52 =	vadd.s32 $0x10, v20;
	v6 =	vld.idx.msk [tilespmem:v47+s4+$0x0], $0xffff;
	[tilespmem:s28+$0x1B80] =	vst v8  }
0x4f: {  	v53 =	vadd.s32 $0x11, v20;
	v7 =	vld.idx.msk [tilespmem:v48+s4+$0x0], $0xffff;
	[tilespmem:s28+$0x5800] =	vst v9  }
0x50: {  	v54 =	vadd.s32 $0x12, v20;
	v8 =	vld.idx.msk [tilespmem:v49+s4+$0x0], $0xffff;
	[tilespmem:s28+$0x5880] =	vst v10  }
0x51: {  	v56 =	vadd.s32 $0x13, v20;
	v10 =	vld.idx.msk [tilespmem:v50+s4+$0x0], $0xffff;
	[tilespmem:s28+$0x5900] =	vst v11  }
0x52: {  	v57 =	vadd.s32 $0x14, v20;
	v11 =	vld.idx.msk [tilespmem:v51+s4+$0x0], $0xffff;
	[tilespmem:s28+$0x5980] =	vst v12  }
0x53: {  	v58 =	vadd.s32 $0x15, v20;
	v12 =	vld.idx.msk [tilespmem:v52+s4+$0x0], $0xffff;
	[tilespmem:s28+$0x5A00] =	vst v13  }
0x54: {  	v59 =	vadd.s32 $0x16, v20;
	v13 =	vld.idx.msk [tilespmem:v53+s4+$0x0], $0xffff;
	[tilespmem:s28+$0x5A80] =	vst v14  }
0x55: {  	v61 =	vmul.u32 $0x18, v55;
	v60 =	vadd.s32 $0x17, v20;
	v9 =	vld.idx.msk [tilespmem:v54+s4+$0x0], $0xffff;
	[tilespmem:s28+$0x5B00] =	vst v15  }
0x56: {  	v15 =	vld.idx.msk [tilespmem:v56+s4+$0x0], $0xffff;
	[tilespmem:s28+$0x5B80] =	vst v16  }
0x57: {  	v62 =	vor.u32 $0x1, v61;
	v16 =	vld.idx.msk [tilespmem:v57+s4+$0x0], $0xffff;
	[tilespmem:s28+$0x9800] =	vst v17  }
0x58: {  	v63 =	vor.u32 $0x2, v61;
	v17 =	vld.idx.msk [tilespmem:v58+s4+$0x0], $0xffff;
	[tilespmem:s28+$0x9880] =	vst v18  }
0x59: {  	v36 =	vor.u32 $0x3, v61;
	v18 =	vld.idx.msk [tilespmem:v59+s4+$0x0], $0xffff;
	[tilespmem:s28+$0x9900] =	vst v19  }
0x5a: {  	v38 =	vor.u32 $0x5, v61;
	v14 =	vld.idx.msk [tilespmem:v60+s4+$0x0], $0xffff;
	[tilespmem:s28+$0x9980] =	vst v21  }
0x5b: {  	v39 =	vor.u32 $0x6, v61;
	v21 =	vld.idx.msk [tilespmem:v61+s4+$0x0], $0xffff;
	[tilespmem:s28+$0x9A00] =	vst v22  }
0x5c: {  	v40 =	vor.u32 $0x7, v61;
	v22 =	vld.idx.msk [tilespmem:v62+s4+$0x0], $0xffff;
	[tilespmem:s28+$0x9A80] =	vst v23  }
0x5d: {  	v41 =	vadd.s32 $0x8, v61;
	v23 =	vld.idx.msk [tilespmem:v63+s4+$0x0], $0xffff;
	[tilespmem:s28+$0x9B00] =	vst v24  }
0x5e: {  	v42 =	vadd.s32 $0x9, v61;
	v24 =	vld.idx.msk [tilespmem:v36+s4+$0x0], $0xffff;
	[tilespmem:s28+$0x1810] =	vst v29  }
0x5f: {  	v43 =	vadd.s32 $0xA, v61;
	v29 =	vld.idx.msk [tilespmem:v38+s4+$0x0], $0xffff;
	[tilespmem:s28+$0x1890] =	vst v25  }
0x60: {  	v25 =	vld.idx.msk [tilespmem:v39+s4+$0x0], $0xffff;
	[tilespmem:s28+$0x1910] =	vst v26  }
0x61: {  	v37 =	vor.u32 $0x4, v61;
	v26 =	vld.idx.msk [tilespmem:v40+s4+$0x0], $0xffff;
	[tilespmem:s28+$0x1990] =	vst v27  }
0x62: {  	v44 =	vadd.s32 $0xB, v61;
	v27 =	vld.idx.msk [tilespmem:v41+s4+$0x0], $0xffff;
	[tilespmem:s28+$0x1A10] =	vst v28  }
0x63: {  	v45 =	vadd.s32 $0xC, v61;
	v19 =	vld.idx.msk [tilespmem:v42+s4+$0x0], $0xffff;
	[tilespmem:s28+$0x1A90] =	vst v30  }
0x64: {  	v46 =	vadd.s32 $0xD, v61;
	v28 =	vld.idx.msk [tilespmem:v43+s4+$0x0], $0xffff;
	[tilespmem:s28+$0x9B80] =	vst v0  }
0x65: {  	v47 =	vadd.s32 $0xE, v61;
	v52 =	vld [tilespmem:s29+$0x830];
	[tilespmem:s28+$0x1B10] =	vst v5  }
0x66: {  	v48 =	vadd.s32 $0xF, v61;
	v0 =	vld.idx.msk [tilespmem:v37+s4+$0x0], $0xffff;
	[tilespmem:s28+$0x1B90] =	vst v1  }
0x67: {  	v49 =	vadd.s32 $0x10, v61;
	v5 =	vld.idx.msk [tilespmem:v44+s4+$0x0], $0xffff;
	[tilespmem:s28+$0x5810] =	vst v2  }
0x68: {  	v50 =	vadd.s32 $0x11, v61;
	v1 =	vld.idx.msk [tilespmem:v45+s4+$0x0], $0xffff;
	[tilespmem:s28+$0x5890] =	vst v3  }
0x69: {  	v51 =	vadd.s32 $0x12, v61;
	v2 =	vld.idx.msk [tilespmem:v46+s4+$0x0], $0xffff;
	[tilespmem:s28+$0x5910] =	vst v4  }
0x6a: {  	v53 =	vadd.s32 $0x13, v61;
	v4 =	vld.idx.msk [tilespmem:v47+s4+$0x0], $0xffff;
	[tilespmem:s28+$0x5990] =	vst v6  }
0x6b: {  	v54 =	vadd.s32 $0x14, v61;
	v6 =	vld.idx.msk [tilespmem:v48+s4+$0x0], $0xffff;
	[tilespmem:s28+$0x5A10] =	vst v7  }
0x6c: {  	v55 =	vadd.s32 $0x15, v61;
	v7 =	vld.idx.msk [tilespmem:v49+s4+$0x0], $0xffff;
	[tilespmem:s28+$0x5A90] =	vst v8  }
0x6d: {  	v56 =	vadd.s32 $0x16, v61;
	v8 =	vld.idx.msk [tilespmem:v50+s4+$0x0], $0xffff;
	[tilespmem:s28+$0x5B10] =	vst v10  }
0x6e: {  	v57 =	vadd.s32 $0x17, v61;
	v3 =	vld.idx.msk [tilespmem:v51+s4+$0x0], $0xffff;
	[tilespmem:s28+$0x5B90] =	vst v11  }
0x6f: {  	v58 =	vmul.u32 $0x18, v52;
	v59 =	vld.idx.msk [tilespmem:v53+s4+$0x0], $0xffff;
	[tilespmem:s28+$0x9810] =	vst v12  }
0x70: {  	v12 =	vld.idx.msk [tilespmem:v54+s4+$0x0], $0xffff;
	[tilespmem:s28+$0x9890] =	vst v13  }
0x71: {  	v13 =	vld.idx.msk [tilespmem:v55+s4+$0x0], $0xffff;
	[tilespmem:s28+$0x9910] =	vst v9;
	v60 =	vor.u32 $0x1, v58  }
0x72: {  	v9 =	vld.idx.msk [tilespmem:v56+s4+$0x0], $0xffff;
	[tilespmem:s28+$0x9990] =	vst v15;
	v61 =	vor.u32 $0x2, v58  }
0x73: {  	v10 =	vld.idx.msk [tilespmem:v57+s4+$0x0], $0xffff;
	[tilespmem:s28+$0x9A10] =	vst v16;
	v62 =	vor.u32 $0x3, v58  }
0x74: {  	[tilespmem:s28+$0x9A90] =	vst v17;
	v50 =	vld [tilespmem:s29+$0x840];
	v63 =	vor.u32 $0x4, v58  }
0x75: {  	[tilespmem:s28+$0x9B10] =	vst v18;
	v36 =	vor.u32 $0x5, v58;
	v16 =	vld.idx.msk [tilespmem:v58+s4+$0x0], $0xffff  }
0x76: {  	[tilespmem:s28+$0x9B90] =	vst v14;
	v37 =	vor.u32 $0x6, v58;
	v17 =	vld.idx.msk [tilespmem:v60+s4+$0x0], $0xffff  }
0x77: {  	[tilespmem:s28+$0x1820] =	vst v21;
	v38 =	vor.u32 $0x7, v58;
	v18 =	vld.idx.msk [tilespmem:v61+s4+$0x0], $0xffff  }
0x78: {  	[tilespmem:s28+$0x18A0] =	vst v22;
	v39 =	vadd.s32 $0x8, v58;
	v14 =	vld.idx.msk [tilespmem:v62+s4+$0x0], $0xffff  }
0x79: {  	[tilespmem:s28+$0x1920] =	vst v23;
	v40 =	vadd.s32 $0x9, v58;
	v15 =	vld.idx.msk [tilespmem:v63+s4+$0x0], $0xffff  }
0x7a: {  	[tilespmem:s28+$0x19A0] =	vst v24;
	v41 =	vadd.s32 $0xA, v58;
	v22 =	vld.idx.msk [tilespmem:v36+s4+$0x0], $0xffff  }
0x7b: {  	[tilespmem:s28+$0x1AA0] =	vst v29;
	v42 =	vadd.s32 $0xB, v58;
	v23 =	vld.idx.msk [tilespmem:v37+s4+$0x0], $0xffff  }
0x7c: {  	[tilespmem:s28+$0x1B20] =	vst v25;
	v43 =	vadd.s32 $0xC, v58;
	v24 =	vld.idx.msk [tilespmem:v38+s4+$0x0], $0xffff  }
0x7d: {  	v44 =	vadd.s32 $0xD, v58;
	[tilespmem:s28+$0x1A20] =	vst v0;
	v0 =	vld.idx.msk [tilespmem:v39+s4+$0x0], $0xffff  }
0x7e: {  	[tilespmem:s28+$0x1BA0] =	vst v26;
	v45 =	vadd.s32 $0xE, v58;
	v21 =	vld.idx.msk [tilespmem:v40+s4+$0x0], $0xffff  }
0x7f: {  	[tilespmem:s28+$0x5820] =	vst v27;
	v46 =	vadd.s32 $0xF, v58;
	v25 =	vld.idx.msk [tilespmem:v41+s4+$0x0], $0xffff  }
0x80: {  	[tilespmem:s28+$0x58A0] =	vst v19;
	v47 =	vadd.s32 $0x10, v58;
	v26 =	vld.idx.msk [tilespmem:v42+s4+$0x0], $0xffff  }
0x81: {  	[tilespmem:s28+$0x5920] =	vst v28;
	v48 =	vadd.s32 $0x11, v58;
	v27 =	vld.idx.msk [tilespmem:v43+s4+$0x0], $0xffff  }
0x82: {  	v49 =	vadd.s32 $0x12, v58;
	[tilespmem:s28+$0x59A0] =	vst v5;
	v19 =	vld.idx.msk [tilespmem:v44+s4+$0x0], $0xffff  }
0x83: {  	v51 =	vadd.s32 $0x13, v58;
	[tilespmem:s28+$0x5A20] =	vst v1;
	v5 =	vld.idx.msk [tilespmem:v45+s4+$0x0], $0xffff  }
0x84: {  	v52 =	vadd.s32 $0x14, v58;
	[tilespmem:s28+$0x5AA0] =	vst v2;
	v1 =	vld.idx.msk [tilespmem:v46+s4+$0x0], $0xffff  }
0x85: {  	v54 =	vadd.s32 $0x15, v58;
	[tilespmem:s28+$0x5B20] =	vst v4;
	v53 =	vld.idx.msk [tilespmem:v47+s4+$0x0], $0xffff  }
0x86: {  	v55 =	vadd.s32 $0x16, v58;
	[tilespmem:s28+$0x5BA0] =	vst v6;
	v4 =	vld.idx.msk [tilespmem:v48+s4+$0x0], $0xffff  }
0x87: {  	v20 =	vadd.s32 $0x17, v58;
	[tilespmem:s28+$0x9820] =	vst v7;
	v6 =	vld.idx.msk [tilespmem:v49+s4+$0x0], $0xffff  }
0x88: {  	v56 =	vmul.u32 $0x18, v50;
	[tilespmem:s28+$0x98A0] =	vst v8;
	v7 =	vld.idx.msk [tilespmem:v51+s4+$0x0], $0xffff  }
0x89: {  	[tilespmem:s28+$0x9920] =	vst v3;
	v8 =	vld.idx.msk [tilespmem:v52+s4+$0x0], $0xffff  }
0x8a: {  	[tilespmem:s28+$0x99A0] =	vst v59;
	v57 =	vor.u32 $0x1, v56;
	v3 =	vld.idx.msk [tilespmem:v54+s4+$0x0], $0xffff  }
0x8b: {  	[tilespmem:s28+$0x9A20] =	vst v12;
	v58 =	vor.u32 $0x2, v56;
	v11 =	vld.idx.msk [tilespmem:v55+s4+$0x0], $0xffff  }
0x8c: {  	[tilespmem:s28+$0x9AA0] =	vst v13;
	v59 =	vor.u32 $0x3, v56;
	v12 =	vld.idx.msk [tilespmem:v20+s4+$0x0], $0xffff  }
0x8d: {  	[tilespmem:s28+$0x9B20] =	vst v9;
	v60 =	vor.u32 $0x4, v56;
	v48 =	vld [tilespmem:s29+$0x850]  }
0x8e: {  	[tilespmem:s28+$0x9BA0] =	vst v10;
	v61 =	vor.u32 $0x5, v56;
	v13 =	vld.idx.msk [tilespmem:v56+s4+$0x0], $0xffff  }
0x8f: {  	v62 =	vor.u32 $0x6, v56;
	[tilespmem:s28+$0x1830] =	vst v16;
	v9 =	vld.idx.msk [tilespmem:v57+s4+$0x0], $0xffff  }
0x90: {  	v63 =	vor.u32 $0x7, v56;
	v10 =	vld.idx.msk [tilespmem:v58+s4+$0x0], $0xffff;
	[tilespmem:s28+$0x18B0] =	vst v17  }
0x91: {  	v36 =	vadd.s32 $0x8, v56;
	v16 =	vld.idx.msk [tilespmem:v59+s4+$0x0], $0xffff;
	[tilespmem:s28+$0x1930] =	vst v18  }
0x92: {  	v38 =	vadd.s32 $0x9, v56;
	v37 =	vld.idx.msk [tilespmem:v60+s4+$0x0], $0xffff;
	[tilespmem:s28+$0x19B0] =	vst v14  }
0x93: {  	v39 =	vadd.s32 $0xA, v56;
	v18 =	vld.idx.msk [tilespmem:v61+s4+$0x0], $0xffff;
	[tilespmem:s28+$0x1A30] =	vst v15  }
0x94: {  	v40 =	vadd.s32 $0xB, v56;
	v14 =	vld.idx.msk [tilespmem:v62+s4+$0x0], $0xffff;
	[tilespmem:s28+$0x1AB0] =	vst v22  }
0x95: {  	v41 =	vadd.s32 $0xC, v56;
	v15 =	vld.idx.msk [tilespmem:v63+s4+$0x0], $0xffff;
	[tilespmem:s28+$0x1B30] =	vst v23  }
0x96: {  	v42 =	vadd.s32 $0xD, v56;
	v22 =	vld.idx.msk [tilespmem:v36+s4+$0x0], $0xffff;
	[tilespmem:s28+$0x1BB0] =	vst v24  }
0x97: {  	v43 =	vadd.s32 $0xE, v56;
	v20 =	vld.idx.msk [tilespmem:v38+s4+$0x0], $0xffff;
	[tilespmem:s28+$0x5830] =	vst v0  }
0x98: {  	v44 =	vadd.s32 $0xF, v56;
	v23 =	vld.idx.msk [tilespmem:v39+s4+$0x0], $0xffff;
	[tilespmem:s28+$0x58B0] =	vst v21  }
0x99: {  	v45 =	vadd.s32 $0x10, v56;
	v0 =	vld.idx.msk [tilespmem:v40+s4+$0x0], $0xffff;
	[tilespmem:s28+$0x5930] =	vst v25  }
0x9a: {  	v46 =	vadd.s32 $0x11, v56;
	v21 =	vld.idx.msk [tilespmem:v41+s4+$0x0], $0xffff;
	[tilespmem:s28+$0x59B0] =	vst v26  }
0x9b: {  	v47 =	vadd.s32 $0x12, v56;
	v25 =	vld.idx.msk [tilespmem:v42+s4+$0x0], $0xffff;
	[tilespmem:s28+$0x5A30] =	vst v27  }
0x9c: {  	v49 =	vadd.s32 $0x13, v56;
	v24 =	vld.idx.msk [tilespmem:v43+s4+$0x0], $0xffff;
	[tilespmem:s28+$0x5AB0] =	vst v19  }
0x9d: {  	v19 =	vld.idx.msk [tilespmem:v44+s4+$0x0], $0xffff;
	[tilespmem:s28+$0x5B30] =	vst v5  }
0x9e: {  	v50 =	vadd.s32 $0x14, v56;
	v5 =	vld.idx.msk [tilespmem:v45+s4+$0x0], $0xffff;
	[tilespmem:s28+$0x5BB0] =	vst v1  }
0x9f: {  	v51 =	vadd.s32 $0x15, v56;
	v1 =	vld.idx.msk [tilespmem:v46+s4+$0x0], $0xffff;
	[tilespmem:s28+$0x9830] =	vst v53  }
0xa0: {  	v52 =	vadd.s32 $0x16, v56;
	v2 =	vld.idx.msk [tilespmem:v47+s4+$0x0], $0xffff;
	[tilespmem:s28+$0x98B0] =	vst v4  }
0xa1: {  	v53 =	vadd.s32 $0x17, v56;
	v55 =	vld.idx.msk [tilespmem:v49+s4+$0x0], $0xffff;
	[tilespmem:s28+$0x9930] =	vst v6  }
0xa2: {  	v54 =	vmul.u32 $0x18, v48;
	[tilespmem:s28+$0x99B0] =	vst v7;
	v49 =	vld [tilespmem:s29+$0x860]  }
0xa3: {  	v6 =	vld.idx.msk [tilespmem:v50+s4+$0x0], $0xffff;
	[tilespmem:s28+$0x9A30] =	vst v8  }
0xa4: {  	v7 =	vld.idx.msk [tilespmem:v51+s4+$0x0], $0xffff;
	[tilespmem:s28+$0x9AB0] =	vst v3;
	v56 =	vor.u32 $0x1, v54  }
0xa5: {  	v8 =	vld.idx.msk [tilespmem:v52+s4+$0x0], $0xffff;
	[tilespmem:s28+$0x9B30] =	vst v11;
	v57 =	vor.u32 $0x2, v54  }
0xa6: {  	[tilespmem:s28+$0x9BB0] =	vst v12;
	v58 =	vor.u32 $0x3, v54;
	v3 =	vld.idx.msk [tilespmem:v53+s4+$0x0], $0xffff  }
0xa7: {  	v59 =	vor.u32 $0x4, v54;
	[tilespmem:s28+$0x1840] =	vst v13;
	v28 =	vmul.u32 $0x18, v49;
	v49 =	vld [tilespmem:s29+$0x870]  }
0xa8: {  	v60 =	vor.u32 $0x5, v54;
	[tilespmem:s28+$0x18C0] =	vst v9;
	v11 =	vld.idx.msk [tilespmem:v54+s4+$0x0], $0xffff  }
0xa9: {  	v61 =	vor.u32 $0x6, v54;
	[tilespmem:s28+$0x1940] =	vst v10;
	v12 =	vld.idx.msk [tilespmem:v56+s4+$0x0], $0xffff  }
0xaa: {  	v62 =	vor.u32 $0x7, v54;
	[tilespmem:s28+$0x19C0] =	vst v16;
	v13 =	vld.idx.msk [tilespmem:v57+s4+$0x0], $0xffff  }
0xab: {  	v63 =	vadd.s32 $0x8, v54;
	[tilespmem:s28+$0x1A40] =	vst v37;
	v9 =	vld.idx.msk [tilespmem:v58+s4+$0x0], $0xffff  }
0xac: {  	v34 =	vadd.s32 $0x9, v54;
	[tilespmem:s28+$0x1AC0] =	vst v18;
	v33 =	vld.idx.msk [tilespmem:v59+s4+$0x0], $0xffff  }
0xad: {  	v36 =	vadd.s32 $0xA, v54;
	[tilespmem:s28+$0x1B40] =	vst v14;
	v35 =	vld.idx.msk [tilespmem:v60+s4+$0x0], $0xffff  }
0xae: {  	v38 =	vadd.s32 $0xB, v54;
	[tilespmem:s28+$0x1BC0] =	vst v15;
	v37 =	vld.idx.msk [tilespmem:v61+s4+$0x0], $0xffff  }
0xaf: {  	v40 =	vadd.s32 $0xC, v54;
	[tilespmem:s28+$0x5840] =	vst v22;
	v39 =	vld.idx.msk [tilespmem:v62+s4+$0x0], $0xffff  }
0xb0: {  	v42 =	vadd.s32 $0xD, v54;
	[tilespmem:s28+$0x58C0] =	vst v20;
	v41 =	vld.idx.msk [tilespmem:v63+s4+$0x0], $0xffff  }
0xb1: {  	v44 =	vadd.s32 $0xE, v54;
	[tilespmem:s28+$0x5940] =	vst v23;
	v43 =	vld.idx.msk [tilespmem:v34+s4+$0x0], $0xffff  }
0xb2: {  	v45 =	vadd.s32 $0xF, v54;
	[tilespmem:s28+$0x59C0] =	vst v0;
	v22 =	vld.idx.msk [tilespmem:v36+s4+$0x0], $0xffff  }
0xb3: {  	v46 =	vadd.s32 $0x10, v54;
	[tilespmem:s28+$0x5A40] =	vst v21;
	v20 =	vld.idx.msk [tilespmem:v38+s4+$0x0], $0xffff  }
0xb4: {  	v47 =	vadd.s32 $0x11, v54;
	[tilespmem:s28+$0x5AC0] =	vst v25;
	v23 =	vld.idx.msk [tilespmem:v40+s4+$0x0], $0xffff  }
0xb5: {  	v48 =	vadd.s32 $0x12, v54;
	[tilespmem:s28+$0x5B40] =	vst v24;
	v0 =	vld.idx.msk [tilespmem:v42+s4+$0x0], $0xffff  }
0xb6: {  	v50 =	vadd.s32 $0x13, v54;
	[tilespmem:s28+$0x5BC0] =	vst v19;
	v25 =	vld.idx.msk [tilespmem:v44+s4+$0x0], $0xffff  }
0xb7: {  	v51 =	vadd.s32 $0x14, v54;
	[tilespmem:s28+$0x9840] =	vst v5;
	v24 =	vld.idx.msk [tilespmem:v45+s4+$0x0], $0xffff  }
0xb8: {  	v52 =	vadd.s32 $0x15, v54;
	[tilespmem:s28+$0x98C0] =	vst v1;
	v19 =	vld.idx.msk [tilespmem:v46+s4+$0x0], $0xffff  }
0xb9: {  	v53 =	vadd.s32 $0x16, v54;
	[tilespmem:s28+$0x9940] =	vst v2;
	v5 =	vld.idx.msk [tilespmem:v47+s4+$0x0], $0xffff  }
0xba: {  	[tilespmem:s28+$0x99C0] =	vst v55;
	v54 =	vadd.s32 $0x17, v54;
	v1 =	vld.idx.msk [tilespmem:v48+s4+$0x0], $0xffff  }
0xbb: {  	[tilespmem:s28+$0x9A40] =	vst v6;
	v2 =	vld.idx.msk [tilespmem:v50+s4+$0x0], $0xffff  }
0xbc: {  	[tilespmem:s28+$0x9AC0] =	vst v7;
	v4 =	vld.idx.msk [tilespmem:v51+s4+$0x0], $0xffff;
	v55 =	vor.u32 $0x1, v28  }
0xbd: {  	[tilespmem:s28+$0x9B40] =	vst v8;
	v6 =	vld.idx.msk [tilespmem:v52+s4+$0x0], $0xffff;
	v56 =	vor.u32 $0x2, v28  }
0xbe: {  	v57 =	vor.u32 $0x3, v28;
	v7 =	vld.idx.msk [tilespmem:v53+s4+$0x0], $0xffff;
	[tilespmem:s28+$0x9BC0] =	vst v3  }
0xbf: {  	v58 =	vor.u32 $0x4, v28;
	v8 =	vld.idx.msk [tilespmem:v54+s4+$0x0], $0xffff;
	[tilespmem:s28+$0x1850] =	vst v11  }
0xc0: {  	v59 =	vor.u32 $0x5, v28;
	v3 =	vld.idx.msk [tilespmem:v28+s4+$0x0], $0xffff;
	[tilespmem:s28+$0x18D0] =	vst v12  }
0xc1: {  	v60 =	vor.u32 $0x6, v28;
	v11 =	vld.idx.msk [tilespmem:v55+s4+$0x0], $0xffff;
	[tilespmem:s28+$0x1950] =	vst v13  }
0xc2: {  	v61 =	vor.u32 $0x7, v28;
	v12 =	vld.idx.msk [tilespmem:v56+s4+$0x0], $0xffff;
	[tilespmem:s28+$0x19D0] =	vst v9  }
0xc3: {  	v62 =	vadd.s32 $0x8, v28;
	v13 =	vld.idx.msk [tilespmem:v57+s4+$0x0], $0xffff;
	[tilespmem:s28+$0x1A50] =	vst v33  }
0xc4: {  	v63 =	vadd.s32 $0x9, v28;
	v9 =	vld.idx.msk [tilespmem:v58+s4+$0x0], $0xffff;
	[tilespmem:s28+$0x1AD0] =	vst v35  }
0xc5: {  	v34 =	vadd.s32 $0xA, v28;
	v33 =	vld.idx.msk [tilespmem:v59+s4+$0x0], $0xffff;
	[tilespmem:s28+$0x1B50] =	vst v37  }
0xc6: {  	v36 =	vadd.s32 $0xB, v28;
	v35 =	vld.idx.msk [tilespmem:v60+s4+$0x0], $0xffff;
	[tilespmem:s28+$0x1BD0] =	vst v39  }
0xc7: {  	v38 =	vadd.s32 $0xC, v28;
	v37 =	vld.idx.msk [tilespmem:v61+s4+$0x0], $0xffff;
	[tilespmem:s28+$0x5850] =	vst v41  }
0xc8: {  	v40 =	vadd.s32 $0xD, v28;
	v39 =	vld.idx.msk [tilespmem:v62+s4+$0x0], $0xffff;
	[tilespmem:s28+$0x58D0] =	vst v43  }
0xc9: {  	v45 =	vadd.s32 $0xF, v28;
	v41 =	vld.idx.msk [tilespmem:v63+s4+$0x0], $0xffff;
	[tilespmem:s28+$0x5950] =	vst v22  }
0xca: {  	v46 =	vadd.s32 $0x10, v28;
	v42 =	vld.idx.msk [tilespmem:v34+s4+$0x0], $0xffff;
	[tilespmem:s28+$0x59D0] =	vst v20  }
0xcb: {  	v47 =	vadd.s32 $0x11, v28;
	v44 =	vld.idx.msk [tilespmem:v36+s4+$0x0], $0xffff;
	[tilespmem:s28+$0x5A50] =	vst v23  }
0xcc: {  	v48 =	vadd.s32 $0x12, v28;
	v20 =	vld.idx.msk [tilespmem:v38+s4+$0x0], $0xffff;
	[tilespmem:s28+$0x5AD0] =	vst v0  }
0xcd: {  	v50 =	vadd.s32 $0x13, v28;
	v23 =	vld.idx.msk [tilespmem:v40+s4+$0x0], $0xffff;
	[tilespmem:s28+$0x5B50] =	vst v25  }
0xce: {  	v52 =	vadd.s32 $0x14, v28;
	[tilespmem:s28+$0x5BD0] =	vst v24;
	v51 =	vld.idx.msk [tilespmem:v45+s4+$0x0], $0xffff  }
0xcf: {  	v53 =	vadd.s32 $0x15, v28;
	[tilespmem:s28+$0x9850] =	vst v19;
	v19 =	vld.idx.msk [tilespmem:v46+s4+$0x0], $0xffff  }
0xd0: {  	v54 =	vadd.s32 $0x16, v28;
	[tilespmem:s28+$0x98D0] =	vst v5;
	v5 =	vld.idx.msk [tilespmem:v47+s4+$0x0], $0xffff  }
0xd1: {  	v43 =	vadd.s32 $0xE, v28;
	[tilespmem:s28+$0x9950] =	vst v1;
	v0 =	vld.idx.msk [tilespmem:v48+s4+$0x0], $0xffff  }
0xd2: {  	v55 =	vadd.s32 $0x17, v28;
	v28 =	vmul.u32 $0x18, v49;
	[tilespmem:s28+$0x99D0] =	vst v2;
	v2 =	vld.idx.msk [tilespmem:v50+s4+$0x0], $0xffff  }
0xd3: {  	[tilespmem:s28+$0x9A50] =	vst v4;
	v4 =	vld.idx.msk [tilespmem:v52+s4+$0x0], $0xffff  }
0xd4: {  	[tilespmem:s28+$0x9AD0] =	vst v6;
	v56 =	vor.u32 $0x1, v28;
	v6 =	vld.idx.msk [tilespmem:v53+s4+$0x0], $0xffff  }
0xd5: {  	v57 =	vor.u32 $0x2, v28;
	[tilespmem:s28+$0x9B50] =	vst v7;
	v7 =	vld.idx.msk [tilespmem:v54+s4+$0x0], $0xffff  }
0xd6: {  	v58 =	vor.u32 $0x3, v28;
	[tilespmem:s28+$0x9BD0] =	vst v8;
	v21 =	vld.idx.msk [tilespmem:v43+s4+$0x0], $0xffff  }
0xd7: {  	v59 =	vor.u32 $0x4, v28;
	v1 =	vld.idx.msk [tilespmem:v55+s4+$0x0], $0xffff;
	[tilespmem:s28+$0x1860] =	vst v3  }
0xd8: {  	v60 =	vor.u32 $0x5, v28;
	[tilespmem:s28+$0x18E0] =	vst v11;
	v3 =	vld.idx.msk [tilespmem:v28+s4+$0x0], $0xffff  }
0xd9: {  	v61 =	vor.u32 $0x6, v28;
	[tilespmem:s28+$0x1960] =	vst v12;
	v11 =	vld.idx.msk [tilespmem:v56+s4+$0x0], $0xffff  }
0xda: {  	v62 =	vor.u32 $0x7, v28;
	[tilespmem:s28+$0x19E0] =	vst v13;
	v12 =	vld.idx.msk [tilespmem:v57+s4+$0x0], $0xffff  }
0xdb: {  	v63 =	vadd.s32 $0x8, v28;
	[tilespmem:s28+$0x1A60] =	vst v9;
	v13 =	vld.idx.msk [tilespmem:v58+s4+$0x0], $0xffff  }
0xdc: {  	v32 =	vadd.s32 $0x9, v28;
	[tilespmem:s28+$0x1AE0] =	vst v33;
	v8 =	vld.idx.msk [tilespmem:v59+s4+$0x0], $0xffff  }
0xdd: {  	v34 =	vadd.s32 $0xA, v28;
	[tilespmem:s28+$0x1B60] =	vst v35;
	v33 =	vld.idx.msk [tilespmem:v60+s4+$0x0], $0xffff  }
0xde: {  	v36 =	vadd.s32 $0xB, v28;
	[tilespmem:s28+$0x1BE0] =	vst v37;
	v35 =	vld.idx.msk [tilespmem:v61+s4+$0x0], $0xffff  }
0xdf: {  	v38 =	vadd.s32 $0xC, v28;
	[tilespmem:s28+$0x5860] =	vst v39;
	v37 =	vld.idx.msk [tilespmem:v62+s4+$0x0], $0xffff  }
0xe0: {  	v40 =	vadd.s32 $0xD, v28;
	[tilespmem:s28+$0x58E0] =	vst v41;
	v39 =	vld.idx.msk [tilespmem:v63+s4+$0x0], $0xffff  }
0xe1: {  	v45 =	vadd.s32 $0x10, v28;
	[tilespmem:s28+$0x5960] =	vst v42;
	v9 =	vld.idx.msk [tilespmem:v32+s4+$0x0], $0xffff  }
0xe2: {  	v47 =	vadd.s32 $0x11, v28;
	[tilespmem:s28+$0x59E0] =	vst v44;
	v42 =	vld.idx.msk [tilespmem:v34+s4+$0x0], $0xffff  }
0xe3: {  	v49 =	vadd.s32 $0x12, v28;
	[tilespmem:s28+$0x5A60] =	vst v20;
	v44 =	vld.idx.msk [tilespmem:v36+s4+$0x0], $0xffff  }
0xe4: {  	v50 =	vadd.s32 $0x13, v28;
	[tilespmem:s28+$0x5AE0] =	vst v23;
	v46 =	vld.idx.msk [tilespmem:v38+s4+$0x0], $0xffff  }
0xe5: {  	v52 =	vadd.s32 $0x14, v28;
	[tilespmem:s28+$0x5BE0] =	vst v51;
	v48 =	vld.idx.msk [tilespmem:v40+s4+$0x0], $0xffff  }
0xe6: {  	v54 =	vadd.s32 $0x15, v28;
	[tilespmem:s28+$0x9860] =	vst v19;
	v53 =	vld.idx.msk [tilespmem:v45+s4+$0x0], $0xffff  }
0xe7: {  	v41 =	vadd.s32 $0xE, v28;
	[tilespmem:s28+$0x98E0] =	vst v5;
	v55 =	vld.idx.msk [tilespmem:v47+s4+$0x0], $0xffff  }
0xe8: {  	v43 =	vadd.s32 $0xF, v28;
	[tilespmem:s28+$0x9960] =	vst v0;
	v57 =	vld.idx.msk [tilespmem:v49+s4+$0x0], $0xffff  }
0xe9: {  	[tilespmem:s28+$0x99E0] =	vst v2;
	v56 =	vadd.s32 $0x16, v28;
	v59 =	vld.idx.msk [tilespmem:v50+s4+$0x0], $0xffff  }
0xea: {  	[tilespmem:s28+$0x9A60] =	vst v4;
	v58 =	vadd.s32 $0x17, v28;
	v60 =	vld.idx.msk [tilespmem:v52+s4+$0x0], $0xffff  }
0xeb: {  	[tilespmem:s28+$0x9AE0] =	vst v6;
	v61 =	vld.idx.msk [tilespmem:v54+s4+$0x0], $0xffff  }
0xec: {  	[tilespmem:s28+$0x9B60] =	vst v7;
	v14 =	vld.idx.msk [tilespmem:v41+s4+$0x0], $0xffff  }
0xed: {  	[tilespmem:s28+$0x5B60] =	vst v21;
	v51 =	vld.idx.msk [tilespmem:v43+s4+$0x0], $0xffff  }
0xee: {  	[tilespmem:s28+$0x9BE0] =	vst v1;
	v62 =	vld.idx.msk [tilespmem:v56+s4+$0x0], $0xffff  }
0xef: {  	v63 =	vld.idx.msk [tilespmem:v58+s4+$0x0], $0xffff;
	[tilespmem:s28+$0x1870] =	vst v3  }
0xf0: {  	[tilespmem:s28+$0x18F0] =	vst v11  }
0xf1: {  	[tilespmem:s28+$0x1970] =	vst v12  }
0xf2: {  	[tilespmem:s28+$0x19F0] =	vst v13  }
0xf3: {  	[tilespmem:s28+$0x1A70] =	vst v8  }
0xf4: {  	[tilespmem:s28+$0x1AF0] =	vst v33  }
0xf5: {  	[tilespmem:s28+$0x1B70] =	vst v35  }
0xf6: {  	[tilespmem:s28+$0x1BF0] =	vst v37  }
0xf7: {  	[tilespmem:s28+$0x5870] =	vst v39  }
0xf8: {  	[tilespmem:s28+$0x58F0] =	vst v9  }
0xf9: {  	[tilespmem:s28+$0x5970] =	vst v42  }
0xfa: {  	[tilespmem:s28+$0x59F0] =	vst v44  }
0xfb: {  	[tilespmem:s28+$0x5A70] =	vst v46  }
0xfc: {  	[tilespmem:s28+$0x5AF0] =	vst v48  }
0xfd: {  	[tilespmem:s28+$0x9870] =	vst v53  }
0xfe: {  	[tilespmem:s28+$0x98F0] =	vst v55  }
0xff: {  	[tilespmem:s28+$0x9970] =	vst v57  }
0x100: {  	[tilespmem:s28+$0x99F0] =	vst v59  }
0x101: {  	p0 =	slt.u32 s26, $0x78;
	[tilespmem:s28+$0x9A70] =	vst v60  }
.Ltmp2:
0x102: {  	[tilespmem:s28+$0x9AF0] =	vst v61;
	(pc) =	sbr.rel @p0 .LBB2_2-.Ltmp2, $4  }
0x103: {  	[tilespmem:s28+$0x5B70] =	vst v14  }
0x104: {  	[tilespmem:s28+$0x5BF0] =	vst v51  }
0x105: {  	s31 =	sadd.s32 $0x8, s26;
	[tilespmem:s28+$0x9B70] =	vst v62  }
0x106: {  	s26 =	smov.u32 s31;
	[tilespmem:s28+$0x9BF0] =	vst v63  }
0x107: {  	[hbm4b:s7+s18] =	stream.strided.scatter [tilespmem:s20], [sflag:$0x3], $0xC000, s19, s18, $0x38;
	[tilespmem:$0x19800] =	vst v63  }
0x108: {  	s26 =	simm.s32 $0x0  }
0x109: {  	[tilespmem:s15], [sflag:$0x1] =	stream.linear.gather [hbm4b:s8+s26], $0x800, $0x38;
	[tilespmem:$0x19800] =	vst v63  }
0x10a: {  	_ =	swait.ge [sflag:s21], $0x800  }
0x10b: {  	[sflag:s21] =	ssyncset.done $0x0  }
0x10c: {  	[sflag:s21] =	ssyncadd.s32 $0xFFFFF800  }
.LBB2_4:
0x10d: {  	s0 =	sshll.u32 s26, $0x4  }
0x10e: {  	s29 =	sand.u32 $0x3FFFFFF0, s0  }
0x10f: {  	v0 =	vld [tilespmem:s29+$0x1000]  }
0x110: {  	v20 =	vld [tilespmem:s29+$0x1010];
	_ =	sdelay $0x3  }
0x111: {  	v0 =	vmul.u32 $0x18, v0  }
0x112: {  	v20 =	vmul.u32 $0x18, v20;
	_ =	sdelay $0x1  }
0x113: {  	v1 =	vor.u32 $0x1, v0  }
0x114: {  	v2 =	vor.u32 $0x2, v0  }
0x115: {  	v55 =	vld [tilespmem:s29+$0x1020];
	v3 =	vor.u32 $0x3, v0  }
0x116: {  	v4 =	vor.u32 $0x4, v0;
	v5 =	vld.idx.msk [tilespmem:v0+s4+$0x0], $0xffff  }
0x117: {  	v6 =	vor.u32 $0x5, v0;
	v29 =	vld.idx.msk [tilespmem:v20+s4+$0x0], $0xffff  }
0x118: {  	v7 =	vor.u32 $0x6, v0;
	v1 =	vld.idx.msk [tilespmem:v1+s4+$0x0], $0xffff  }
0x119: {  	v8 =	vor.u32 $0x7, v0;
	v2 =	vld.idx.msk [tilespmem:v2+s4+$0x0], $0xffff  }
0x11a: {  	v9 =	vadd.s32 $0x8, v0;
	v3 =	vld.idx.msk [tilespmem:v3+s4+$0x0], $0xffff  }
0x11b: {  	v10 =	vadd.s32 $0x9, v0;
	v4 =	vld.idx.msk [tilespmem:v4+s4+$0x0], $0xffff  }
0x11c: {  	v11 =	vadd.s32 $0xA, v0;
	v6 =	vld.idx.msk [tilespmem:v6+s4+$0x0], $0xffff  }
0x11d: {  	v12 =	vadd.s32 $0xB, v0;
	v7 =	vld.idx.msk [tilespmem:v7+s4+$0x0], $0xffff  }
0x11e: {  	v13 =	vadd.s32 $0xC, v0;
	v8 =	vld.idx.msk [tilespmem:v8+s4+$0x0], $0xffff  }
0x11f: {  	v14 =	vadd.s32 $0xD, v0;
	v9 =	vld.idx.msk [tilespmem:v9+s4+$0x0], $0xffff  }
0x120: {  	v15 =	vadd.s32 $0xE, v0;
	v10 =	vld.idx.msk [tilespmem:v10+s4+$0x0], $0xffff  }
0x121: {  	v16 =	vadd.s32 $0xF, v0;
	v11 =	vld.idx.msk [tilespmem:v11+s4+$0x0], $0xffff  }
0x122: {  	v17 =	vadd.s32 $0x10, v0;
	v12 =	vld.idx.msk [tilespmem:v12+s4+$0x0], $0xffff  }
0x123: {  	v18 =	vadd.s32 $0x11, v0;
	v13 =	vld.idx.msk [tilespmem:v13+s4+$0x0], $0xffff  }
0x124: {  	v19 =	vadd.s32 $0x12, v0;
	v14 =	vld.idx.msk [tilespmem:v14+s4+$0x0], $0xffff  }
0x125: {  	v21 =	vadd.s32 $0x13, v0;
	v15 =	vld.idx.msk [tilespmem:v15+s4+$0x0], $0xffff  }
0x126: {  	v22 =	vadd.s32 $0x14, v0;
	v16 =	vld.idx.msk [tilespmem:v16+s4+$0x0], $0xffff  }
0x127: {  	v23 =	vadd.s32 $0x15, v0;
	v17 =	vld.idx.msk [tilespmem:v17+s4+$0x0], $0xffff  }
0x128: {  	v24 =	vadd.s32 $0x16, v0;
	v18 =	vld.idx.msk [tilespmem:v18+s4+$0x0], $0xffff  }
0x129: {  	v25 =	vor.u32 $0x1, v20;
	v19 =	vld.idx.msk [tilespmem:v19+s4+$0x0], $0xffff  }
0x12a: {  	v26 =	vor.u32 $0x2, v20;
	v21 =	vld.idx.msk [tilespmem:v21+s4+$0x0], $0xffff  }
0x12b: {  	v27 =	vor.u32 $0x3, v20;
	v22 =	vld.idx.msk [tilespmem:v22+s4+$0x0], $0xffff  }
0x12c: {  	v28 =	vor.u32 $0x4, v20;
	v23 =	vld.idx.msk [tilespmem:v23+s4+$0x0], $0xffff  }
0x12d: {  	v0 =	vadd.s32 $0x17, v0;
	v24 =	vld.idx.msk [tilespmem:v24+s4+$0x0], $0xffff  }
0x12e: {  	v30 =	vor.u32 $0x5, v20;
	v25 =	vld.idx.msk [tilespmem:v25+s4+$0x0], $0xffff  }
0x12f: {  	v31 =	vor.u32 $0x6, v20;
	v26 =	vld.idx.msk [tilespmem:v26+s4+$0x0], $0xffff  }
0x130: {  	s30 =	sshll.u32 s26, $0x7;
	v32 =	vor.u32 $0x7, v20;
	v27 =	vld.idx.msk [tilespmem:v27+s4+$0x0], $0xffff  }
0x131: {  	s28 =	sand.u32 $0x3FFFFF80, s30;
	v33 =	vadd.s32 $0x8, v20;
	v28 =	vld.idx.msk [tilespmem:v28+s4+$0x0], $0xffff  }
0x132: {  	v34 =	vadd.s32 $0x9, v20;
	v0 =	vld.idx.msk [tilespmem:v0+s4+$0x0], $0xffff;
	[tilespmem:s28+$0xD800] =	vst v5  }
0x133: {  	v35 =	vadd.s32 $0xA, v20;
	v30 =	vld.idx.msk [tilespmem:v30+s4+$0x0], $0xffff;
	[tilespmem:s28+$0xD880] =	vst v1  }
0x134: {  	v47 =	vadd.s32 $0xB, v20;
	v5 =	vld.idx.msk [tilespmem:v31+s4+$0x0], $0xffff;
	[tilespmem:s28+$0xD900] =	vst v2  }
0x135: {  	v48 =	vadd.s32 $0xC, v20;
	v1 =	vld.idx.msk [tilespmem:v32+s4+$0x0], $0xffff;
	[tilespmem:s28+$0xD980] =	vst v3  }
0x136: {  	v49 =	vadd.s32 $0xD, v20;
	v2 =	vld.idx.msk [tilespmem:v33+s4+$0x0], $0xffff;
	[tilespmem:s28+$0xDA00] =	vst v4  }
0x137: {  	v50 =	vadd.s32 $0xE, v20;
	v3 =	vld.idx.msk [tilespmem:v34+s4+$0x0], $0xffff;
	[tilespmem:s28+$0xDA80] =	vst v6  }
0x138: {  	v51 =	vadd.s32 $0xF, v20;
	v4 =	vld.idx.msk [tilespmem:v35+s4+$0x0], $0xffff;
	[tilespmem:s28+$0xDB00] =	vst v7  }
0x139: {  	v52 =	vadd.s32 $0x10, v20;
	v6 =	vld.idx.msk [tilespmem:v47+s4+$0x0], $0xffff;
	[tilespmem:s28+$0xDB80] =	vst v8  }
0x13a: {  	v53 =	vadd.s32 $0x11, v20;
	v7 =	vld.idx.msk [tilespmem:v48+s4+$0x0], $0xffff;
	[tilespmem:s28+$0x11800] =	vst v9  }
0x13b: {  	v54 =	vadd.s32 $0x12, v20;
	v8 =	vld.idx.msk [tilespmem:v49+s4+$0x0], $0xffff;
	[tilespmem:s28+$0x11880] =	vst v10  }
0x13c: {  	v56 =	vadd.s32 $0x13, v20;
	v10 =	vld.idx.msk [tilespmem:v50+s4+$0x0], $0xffff;
	[tilespmem:s28+$0x11900] =	vst v11  }
0x13d: {  	v57 =	vadd.s32 $0x14, v20;
	v11 =	vld.idx.msk [tilespmem:v51+s4+$0x0], $0xffff;
	[tilespmem:s28+$0x11980] =	vst v12  }
0x13e: {  	v58 =	vadd.s32 $0x15, v20;
	v12 =	vld.idx.msk [tilespmem:v52+s4+$0x0], $0xffff;
	[tilespmem:s28+$0x11A00] =	vst v13  }
0x13f: {  	v59 =	vadd.s32 $0x16, v20;
	v13 =	vld.idx.msk [tilespmem:v53+s4+$0x0], $0xffff;
	[tilespmem:s28+$0x11A80] =	vst v14  }
0x140: {  	v61 =	vmul.u32 $0x18, v55;
	v60 =	vadd.s32 $0x17, v20;
	v9 =	vld.idx.msk [tilespmem:v54+s4+$0x0], $0xffff;
	[tilespmem:s28+$0x11B00] =	vst v15  }
0x141: {  	v15 =	vld.idx.msk [tilespmem:v56+s4+$0x0], $0xffff;
	[tilespmem:s28+$0x11B80] =	vst v16  }
0x142: {  	v62 =	vor.u32 $0x1, v61;
	v16 =	vld.idx.msk [tilespmem:v57+s4+$0x0], $0xffff;
	[tilespmem:s28+$0x15800] =	vst v17  }
0x143: {  	v63 =	vor.u32 $0x2, v61;
	v17 =	vld.idx.msk [tilespmem:v58+s4+$0x0], $0xffff;
	[tilespmem:s28+$0x15880] =	vst v18  }
0x144: {  	v36 =	vor.u32 $0x3, v61;
	v18 =	vld.idx.msk [tilespmem:v59+s4+$0x0], $0xffff;
	[tilespmem:s28+$0x15900] =	vst v19  }
0x145: {  	v38 =	vor.u32 $0x5, v61;
	v14 =	vld.idx.msk [tilespmem:v60+s4+$0x0], $0xffff;
	[tilespmem:s28+$0x15980] =	vst v21  }
0x146: {  	v39 =	vor.u32 $0x6, v61;
	v21 =	vld.idx.msk [tilespmem:v61+s4+$0x0], $0xffff;
	[tilespmem:s28+$0x15A00] =	vst v22  }
0x147: {  	v40 =	vor.u32 $0x7, v61;
	v22 =	vld.idx.msk [tilespmem:v62+s4+$0x0], $0xffff;
	[tilespmem:s28+$0x15A80] =	vst v23  }
0x148: {  	v41 =	vadd.s32 $0x8, v61;
	v23 =	vld.idx.msk [tilespmem:v63+s4+$0x0], $0xffff;
	[tilespmem:s28+$0x15B00] =	vst v24  }
0x149: {  	v42 =	vadd.s32 $0x9, v61;
	v24 =	vld.idx.msk [tilespmem:v36+s4+$0x0], $0xffff;
	[tilespmem:s28+$0xD810] =	vst v29  }
0x14a: {  	v43 =	vadd.s32 $0xA, v61;
	v29 =	vld.idx.msk [tilespmem:v38+s4+$0x0], $0xffff;
	[tilespmem:s28+$0xD890] =	vst v25  }
0x14b: {  	v25 =	vld.idx.msk [tilespmem:v39+s4+$0x0], $0xffff;
	[tilespmem:s28+$0xD910] =	vst v26  }
0x14c: {  	v37 =	vor.u32 $0x4, v61;
	v26 =	vld.idx.msk [tilespmem:v40+s4+$0x0], $0xffff;
	[tilespmem:s28+$0xD990] =	vst v27  }
0x14d: {  	v44 =	vadd.s32 $0xB, v61;
	v27 =	vld.idx.msk [tilespmem:v41+s4+$0x0], $0xffff;
	[tilespmem:s28+$0xDA10] =	vst v28  }
0x14e: {  	v45 =	vadd.s32 $0xC, v61;
	v19 =	vld.idx.msk [tilespmem:v42+s4+$0x0], $0xffff;
	[tilespmem:s28+$0xDA90] =	vst v30  }
0x14f: {  	v46 =	vadd.s32 $0xD, v61;
	v28 =	vld.idx.msk [tilespmem:v43+s4+$0x0], $0xffff;
	[tilespmem:s28+$0x15B80] =	vst v0  }
0x150: {  	v47 =	vadd.s32 $0xE, v61;
	v52 =	vld [tilespmem:s29+$0x1030];
	[tilespmem:s28+$0xDB10] =	vst v5  }
0x151: {  	v48 =	vadd.s32 $0xF, v61;
	v0 =	vld.idx.msk [tilespmem:v37+s4+$0x0], $0xffff;
	[tilespmem:s28+$0xDB90] =	vst v1  }
0x152: {  	v49 =	vadd.s32 $0x10, v61;
	v5 =	vld.idx.msk [tilespmem:v44+s4+$0x0], $0xffff;
	[tilespmem:s28+$0x11810] =	vst v2  }
0x153: {  	v50 =	vadd.s32 $0x11, v61;
	v1 =	vld.idx.msk [tilespmem:v45+s4+$0x0], $0xffff;
	[tilespmem:s28+$0x11890] =	vst v3  }
0x154: {  	v51 =	vadd.s32 $0x12, v61;
	v2 =	vld.idx.msk [tilespmem:v46+s4+$0x0], $0xffff;
	[tilespmem:s28+$0x11910] =	vst v4  }
0x155: {  	v53 =	vadd.s32 $0x13, v61;
	v4 =	vld.idx.msk [tilespmem:v47+s4+$0x0], $0xffff;
	[tilespmem:s28+$0x11990] =	vst v6  }
0x156: {  	v54 =	vadd.s32 $0x14, v61;
	v6 =	vld.idx.msk [tilespmem:v48+s4+$0x0], $0xffff;
	[tilespmem:s28+$0x11A10] =	vst v7  }
0x157: {  	v55 =	vadd.s32 $0x15, v61;
	v7 =	vld.idx.msk [tilespmem:v49+s4+$0x0], $0xffff;
	[tilespmem:s28+$0x11A90] =	vst v8  }
0x158: {  	v56 =	vadd.s32 $0x16, v61;
	v8 =	vld.idx.msk [tilespmem:v50+s4+$0x0], $0xffff;
	[tilespmem:s28+$0x11B10] =	vst v10  }
0x159: {  	v57 =	vadd.s32 $0x17, v61;
	v3 =	vld.idx.msk [tilespmem:v51+s4+$0x0], $0xffff;
	[tilespmem:s28+$0x11B90] =	vst v11  }
0x15a: {  	v58 =	vmul.u32 $0x18, v52;
	v59 =	vld.idx.msk [tilespmem:v53+s4+$0x0], $0xffff;
	[tilespmem:s28+$0x15810] =	vst v12  }
0x15b: {  	v12 =	vld.idx.msk [tilespmem:v54+s4+$0x0], $0xffff;
	[tilespmem:s28+$0x15890] =	vst v13  }
0x15c: {  	v13 =	vld.idx.msk [tilespmem:v55+s4+$0x0], $0xffff;
	[tilespmem:s28+$0x15910] =	vst v9;
	v60 =	vor.u32 $0x1, v58  }
0x15d: {  	v9 =	vld.idx.msk [tilespmem:v56+s4+$0x0], $0xffff;
	[tilespmem:s28+$0x15990] =	vst v15;
	v61 =	vor.u32 $0x2, v58  }
0x15e: {  	v10 =	vld.idx.msk [tilespmem:v57+s4+$0x0], $0xffff;
	[tilespmem:s28+$0x15A10] =	vst v16;
	v62 =	vor.u32 $0x3, v58  }
0x15f: {  	[tilespmem:s28+$0x15A90] =	vst v17;
	v50 =	vld [tilespmem:s29+$0x1040];
	v63 =	vor.u32 $0x4, v58  }
0x160: {  	[tilespmem:s28+$0x15B10] =	vst v18;
	v36 =	vor.u32 $0x5, v58;
	v16 =	vld.idx.msk [tilespmem:v58+s4+$0x0], $0xffff  }
0x161: {  	[tilespmem:s28+$0x15B90] =	vst v14;
	v37 =	vor.u32 $0x6, v58;
	v17 =	vld.idx.msk [tilespmem:v60+s4+$0x0], $0xffff  }
0x162: {  	[tilespmem:s28+$0xD820] =	vst v21;
	v38 =	vor.u32 $0x7, v58;
	v18 =	vld.idx.msk [tilespmem:v61+s4+$0x0], $0xffff  }
0x163: {  	[tilespmem:s28+$0xD8A0] =	vst v22;
	v39 =	vadd.s32 $0x8, v58;
	v14 =	vld.idx.msk [tilespmem:v62+s4+$0x0], $0xffff  }
0x164: {  	[tilespmem:s28+$0xD920] =	vst v23;
	v40 =	vadd.s32 $0x9, v58;
	v15 =	vld.idx.msk [tilespmem:v63+s4+$0x0], $0xffff  }
0x165: {  	[tilespmem:s28+$0xD9A0] =	vst v24;
	v41 =	vadd.s32 $0xA, v58;
	v22 =	vld.idx.msk [tilespmem:v36+s4+$0x0], $0xffff  }
0x166: {  	[tilespmem:s28+$0xDAA0] =	vst v29;
	v42 =	vadd.s32 $0xB, v58;
	v23 =	vld.idx.msk [tilespmem:v37+s4+$0x0], $0xffff  }
0x167: {  	[tilespmem:s28+$0xDB20] =	vst v25;
	v43 =	vadd.s32 $0xC, v58;
	v24 =	vld.idx.msk [tilespmem:v38+s4+$0x0], $0xffff  }
0x168: {  	v44 =	vadd.s32 $0xD, v58;
	[tilespmem:s28+$0xDA20] =	vst v0;
	v0 =	vld.idx.msk [tilespmem:v39+s4+$0x0], $0xffff  }
0x169: {  	[tilespmem:s28+$0xDBA0] =	vst v26;
	v45 =	vadd.s32 $0xE, v58;
	v21 =	vld.idx.msk [tilespmem:v40+s4+$0x0], $0xffff  }
0x16a: {  	[tilespmem:s28+$0x11820] =	vst v27;
	v46 =	vadd.s32 $0xF, v58;
	v25 =	vld.idx.msk [tilespmem:v41+s4+$0x0], $0xffff  }
0x16b: {  	[tilespmem:s28+$0x118A0] =	vst v19;
	v47 =	vadd.s32 $0x10, v58;
	v26 =	vld.idx.msk [tilespmem:v42+s4+$0x0], $0xffff  }
0x16c: {  	[tilespmem:s28+$0x11920] =	vst v28;
	v48 =	vadd.s32 $0x11, v58;
	v27 =	vld.idx.msk [tilespmem:v43+s4+$0x0], $0xffff  }
0x16d: {  	v49 =	vadd.s32 $0x12, v58;
	[tilespmem:s28+$0x119A0] =	vst v5;
	v19 =	vld.idx.msk [tilespmem:v44+s4+$0x0], $0xffff  }
0x16e: {  	v51 =	vadd.s32 $0x13, v58;
	[tilespmem:s28+$0x11A20] =	vst v1;
	v5 =	vld.idx.msk [tilespmem:v45+s4+$0x0], $0xffff  }
0x16f: {  	v52 =	vadd.s32 $0x14, v58;
	[tilespmem:s28+$0x11AA0] =	vst v2;
	v1 =	vld.idx.msk [tilespmem:v46+s4+$0x0], $0xffff  }
0x170: {  	v54 =	vadd.s32 $0x15, v58;
	[tilespmem:s28+$0x11B20] =	vst v4;
	v53 =	vld.idx.msk [tilespmem:v47+s4+$0x0], $0xffff  }
0x171: {  	v55 =	vadd.s32 $0x16, v58;
	[tilespmem:s28+$0x11BA0] =	vst v6;
	v4 =	vld.idx.msk [tilespmem:v48+s4+$0x0], $0xffff  }
0x172: {  	v20 =	vadd.s32 $0x17, v58;
	[tilespmem:s28+$0x15820] =	vst v7;
	v6 =	vld.idx.msk [tilespmem:v49+s4+$0x0], $0xffff  }
0x173: {  	v56 =	vmul.u32 $0x18, v50;
	[tilespmem:s28+$0x158A0] =	vst v8;
	v7 =	vld.idx.msk [tilespmem:v51+s4+$0x0], $0xffff  }
0x174: {  	[tilespmem:s28+$0x15920] =	vst v3;
	v8 =	vld.idx.msk [tilespmem:v52+s4+$0x0], $0xffff  }
0x175: {  	[tilespmem:s28+$0x159A0] =	vst v59;
	v57 =	vor.u32 $0x1, v56;
	v3 =	vld.idx.msk [tilespmem:v54+s4+$0x0], $0xffff  }
0x176: {  	[tilespmem:s28+$0x15A20] =	vst v12;
	v58 =	vor.u32 $0x2, v56;
	v11 =	vld.idx.msk [tilespmem:v55+s4+$0x0], $0xffff  }
0x177: {  	[tilespmem:s28+$0x15AA0] =	vst v13;
	v59 =	vor.u32 $0x3, v56;
	v12 =	vld.idx.msk [tilespmem:v20+s4+$0x0], $0xffff  }
0x178: {  	[tilespmem:s28+$0x15B20] =	vst v9;
	v60 =	vor.u32 $0x4, v56;
	v48 =	vld [tilespmem:s29+$0x1050]  }
0x179: {  	[tilespmem:s28+$0x15BA0] =	vst v10;
	v61 =	vor.u32 $0x5, v56;
	v13 =	vld.idx.msk [tilespmem:v56+s4+$0x0], $0xffff  }
0x17a: {  	v62 =	vor.u32 $0x6, v56;
	[tilespmem:s28+$0xD830] =	vst v16;
	v9 =	vld.idx.msk [tilespmem:v57+s4+$0x0], $0xffff  }
0x17b: {  	v63 =	vor.u32 $0x7, v56;
	v10 =	vld.idx.msk [tilespmem:v58+s4+$0x0], $0xffff;
	[tilespmem:s28+$0xD8B0] =	vst v17  }
0x17c: {  	v36 =	vadd.s32 $0x8, v56;
	v16 =	vld.idx.msk [tilespmem:v59+s4+$0x0], $0xffff;
	[tilespmem:s28+$0xD930] =	vst v18  }
0x17d: {  	v38 =	vadd.s32 $0x9, v56;
	v37 =	vld.idx.msk [tilespmem:v60+s4+$0x0], $0xffff;
	[tilespmem:s28+$0xD9B0] =	vst v14  }
0x17e: {  	v39 =	vadd.s32 $0xA, v56;
	v18 =	vld.idx.msk [tilespmem:v61+s4+$0x0], $0xffff;
	[tilespmem:s28+$0xDA30] =	vst v15  }
0x17f: {  	v40 =	vadd.s32 $0xB, v56;
	v14 =	vld.idx.msk [tilespmem:v62+s4+$0x0], $0xffff;
	[tilespmem:s28+$0xDAB0] =	vst v22  }
0x180: {  	v41 =	vadd.s32 $0xC, v56;
	v15 =	vld.idx.msk [tilespmem:v63+s4+$0x0], $0xffff;
	[tilespmem:s28+$0xDB30] =	vst v23  }
0x181: {  	v42 =	vadd.s32 $0xD, v56;
	v22 =	vld.idx.msk [tilespmem:v36+s4+$0x0], $0xffff;
	[tilespmem:s28+$0xDBB0] =	vst v24  }
0x182: {  	v43 =	vadd.s32 $0xE, v56;
	v20 =	vld.idx.msk [tilespmem:v38+s4+$0x0], $0xffff;
	[tilespmem:s28+$0x11830] =	vst v0  }
0x183: {  	v44 =	vadd.s32 $0xF, v56;
	v23 =	vld.idx.msk [tilespmem:v39+s4+$0x0], $0xffff;
	[tilespmem:s28+$0x118B0] =	vst v21  }
0x184: {  	v45 =	vadd.s32 $0x10, v56;
	v0 =	vld.idx.msk [tilespmem:v40+s4+$0x0], $0xffff;
	[tilespmem:s28+$0x11930] =	vst v25  }
0x185: {  	v46 =	vadd.s32 $0x11, v56;
	v21 =	vld.idx.msk [tilespmem:v41+s4+$0x0], $0xffff;
	[tilespmem:s28+$0x119B0] =	vst v26  }
0x186: {  	v47 =	vadd.s32 $0x12, v56;
	v25 =	vld.idx.msk [tilespmem:v42+s4+$0x0], $0xffff;
	[tilespmem:s28+$0x11A30] =	vst v27  }
0x187: {  	v49 =	vadd.s32 $0x13, v56;
	v24 =	vld.idx.msk [tilespmem:v43+s4+$0x0], $0xffff;
	[tilespmem:s28+$0x11AB0] =	vst v19  }
0x188: {  	v19 =	vld.idx.msk [tilespmem:v44+s4+$0x0], $0xffff;
	[tilespmem:s28+$0x11B30] =	vst v5  }
0x189: {  	v50 =	vadd.s32 $0x14, v56;
	v5 =	vld.idx.msk [tilespmem:v45+s4+$0x0], $0xffff;
	[tilespmem:s28+$0x11BB0] =	vst v1  }
0x18a: {  	v51 =	vadd.s32 $0x15, v56;
	v1 =	vld.idx.msk [tilespmem:v46+s4+$0x0], $0xffff;
	[tilespmem:s28+$0x15830] =	vst v53  }
0x18b: {  	v52 =	vadd.s32 $0x16, v56;
	v2 =	vld.idx.msk [tilespmem:v47+s4+$0x0], $0xffff;
	[tilespmem:s28+$0x158B0] =	vst v4  }
0x18c: {  	v53 =	vadd.s32 $0x17, v56;
	v55 =	vld.idx.msk [tilespmem:v49+s4+$0x0], $0xffff;
	[tilespmem:s28+$0x15930] =	vst v6  }
0x18d: {  	v54 =	vmul.u32 $0x18, v48;
	[tilespmem:s28+$0x159B0] =	vst v7;
	v49 =	vld [tilespmem:s29+$0x1060]  }
0x18e: {  	v6 =	vld.idx.msk [tilespmem:v50+s4+$0x0], $0xffff;
	[tilespmem:s28+$0x15A30] =	vst v8  }
0x18f: {  	v7 =	vld.idx.msk [tilespmem:v51+s4+$0x0], $0xffff;
	[tilespmem:s28+$0x15AB0] =	vst v3;
	v56 =	vor.u32 $0x1, v54  }
0x190: {  	v8 =	vld.idx.msk [tilespmem:v52+s4+$0x0], $0xffff;
	[tilespmem:s28+$0x15B30] =	vst v11;
	v57 =	vor.u32 $0x2, v54  }
0x191: {  	[tilespmem:s28+$0x15BB0] =	vst v12;
	v58 =	vor.u32 $0x3, v54;
	v3 =	vld.idx.msk [tilespmem:v53+s4+$0x0], $0xffff  }
0x192: {  	v59 =	vor.u32 $0x4, v54;
	[tilespmem:s28+$0xD840] =	vst v13;
	v28 =	vmul.u32 $0x18, v49;
	v49 =	vld [tilespmem:s29+$0x1070]  }
0x193: {  	v60 =	vor.u32 $0x5, v54;
	[tilespmem:s28+$0xD8C0] =	vst v9;
	v11 =	vld.idx.msk [tilespmem:v54+s4+$0x0], $0xffff  }
0x194: {  	v61 =	vor.u32 $0x6, v54;
	[tilespmem:s28+$0xD940] =	vst v10;
	v12 =	vld.idx.msk [tilespmem:v56+s4+$0x0], $0xffff  }
0x195: {  	v62 =	vor.u32 $0x7, v54;
	[tilespmem:s28+$0xD9C0] =	vst v16;
	v13 =	vld.idx.msk [tilespmem:v57+s4+$0x0], $0xffff  }
0x196: {  	v63 =	vadd.s32 $0x8, v54;
	[tilespmem:s28+$0xDA40] =	vst v37;
	v9 =	vld.idx.msk [tilespmem:v58+s4+$0x0], $0xffff  }
0x197: {  	v34 =	vadd.s32 $0x9, v54;
	[tilespmem:s28+$0xDAC0] =	vst v18;
	v33 =	vld.idx.msk [tilespmem:v59+s4+$0x0], $0xffff  }
0x198: {  	v36 =	vadd.s32 $0xA, v54;
	[tilespmem:s28+$0xDB40] =	vst v14;
	v35 =	vld.idx.msk [tilespmem:v60+s4+$0x0], $0xffff  }
0x199: {  	v38 =	vadd.s32 $0xB, v54;
	[tilespmem:s28+$0xDBC0] =	vst v15;
	v37 =	vld.idx.msk [tilespmem:v61+s4+$0x0], $0xffff  }
0x19a: {  	v40 =	vadd.s32 $0xC, v54;
	[tilespmem:s28+$0x11840] =	vst v22;
	v39 =	vld.idx.msk [tilespmem:v62+s4+$0x0], $0xffff  }
0x19b: {  	v42 =	vadd.s32 $0xD, v54;
	[tilespmem:s28+$0x118C0] =	vst v20;
	v41 =	vld.idx.msk [tilespmem:v63+s4+$0x0], $0xffff  }
0x19c: {  	v44 =	vadd.s32 $0xE, v54;
	[tilespmem:s28+$0x11940] =	vst v23;
	v43 =	vld.idx.msk [tilespmem:v34+s4+$0x0], $0xffff  }
0x19d: {  	v45 =	vadd.s32 $0xF, v54;
	[tilespmem:s28+$0x119C0] =	vst v0;
	v22 =	vld.idx.msk [tilespmem:v36+s4+$0x0], $0xffff  }
0x19e: {  	v46 =	vadd.s32 $0x10, v54;
	[tilespmem:s28+$0x11A40] =	vst v21;
	v20 =	vld.idx.msk [tilespmem:v38+s4+$0x0], $0xffff  }
0x19f: {  	v47 =	vadd.s32 $0x11, v54;
	[tilespmem:s28+$0x11AC0] =	vst v25;
	v23 =	vld.idx.msk [tilespmem:v40+s4+$0x0], $0xffff  }
0x1a0: {  	v48 =	vadd.s32 $0x12, v54;
	[tilespmem:s28+$0x11B40] =	vst v24;
	v0 =	vld.idx.msk [tilespmem:v42+s4+$0x0], $0xffff  }
0x1a1: {  	v50 =	vadd.s32 $0x13, v54;
	[tilespmem:s28+$0x11BC0] =	vst v19;
	v25 =	vld.idx.msk [tilespmem:v44+s4+$0x0], $0xffff  }
0x1a2: {  	v51 =	vadd.s32 $0x14, v54;
	[tilespmem:s28+$0x15840] =	vst v5;
	v24 =	vld.idx.msk [tilespmem:v45+s4+$0x0], $0xffff  }
0x1a3: {  	v52 =	vadd.s32 $0x15, v54;
	[tilespmem:s28+$0x158C0] =	vst v1;
	v19 =	vld.idx.msk [tilespmem:v46+s4+$0x0], $0xffff  }
0x1a4: {  	v53 =	vadd.s32 $0x16, v54;
	[tilespmem:s28+$0x15940] =	vst v2;
	v5 =	vld.idx.msk [tilespmem:v47+s4+$0x0], $0xffff  }
0x1a5: {  	[tilespmem:s28+$0x159C0] =	vst v55;
	v54 =	vadd.s32 $0x17, v54;
	v1 =	vld.idx.msk [tilespmem:v48+s4+$0x0], $0xffff  }
0x1a6: {  	[tilespmem:s28+$0x15A40] =	vst v6;
	v2 =	vld.idx.msk [tilespmem:v50+s4+$0x0], $0xffff  }
0x1a7: {  	[tilespmem:s28+$0x15AC0] =	vst v7;
	v4 =	vld.idx.msk [tilespmem:v51+s4+$0x0], $0xffff;
	v55 =	vor.u32 $0x1, v28  }
0x1a8: {  	[tilespmem:s28+$0x15B40] =	vst v8;
	v6 =	vld.idx.msk [tilespmem:v52+s4+$0x0], $0xffff;
	v56 =	vor.u32 $0x2, v28  }
0x1a9: {  	v57 =	vor.u32 $0x3, v28;
	v7 =	vld.idx.msk [tilespmem:v53+s4+$0x0], $0xffff;
	[tilespmem:s28+$0x15BC0] =	vst v3  }
0x1aa: {  	v58 =	vor.u32 $0x4, v28;
	v8 =	vld.idx.msk [tilespmem:v54+s4+$0x0], $0xffff;
	[tilespmem:s28+$0xD850] =	vst v11  }
0x1ab: {  	v59 =	vor.u32 $0x5, v28;
	v3 =	vld.idx.msk [tilespmem:v28+s4+$0x0], $0xffff;
	[tilespmem:s28+$0xD8D0] =	vst v12  }
0x1ac: {  	v60 =	vor.u32 $0x6, v28;
	v11 =	vld.idx.msk [tilespmem:v55+s4+$0x0], $0xffff;
	[tilespmem:s28+$0xD950] =	vst v13  }
0x1ad: {  	v61 =	vor.u32 $0x7, v28;
	v12 =	vld.idx.msk [tilespmem:v56+s4+$0x0], $0xffff;
	[tilespmem:s28+$0xD9D0] =	vst v9  }
0x1ae: {  	v62 =	vadd.s32 $0x8, v28;
	v13 =	vld.idx.msk [tilespmem:v57+s4+$0x0], $0xffff;
	[tilespmem:s28+$0xDA50] =	vst v33  }
0x1af: {  	v63 =	vadd.s32 $0x9, v28;
	v9 =	vld.idx.msk [tilespmem:v58+s4+$0x0], $0xffff;
	[tilespmem:s28+$0xDAD0] =	vst v35  }
0x1b0: {  	v34 =	vadd.s32 $0xA, v28;
	v33 =	vld.idx.msk [tilespmem:v59+s4+$0x0], $0xffff;
	[tilespmem:s28+$0xDB50] =	vst v37  }
0x1b1: {  	v36 =	vadd.s32 $0xB, v28;
	v35 =	vld.idx.msk [tilespmem:v60+s4+$0x0], $0xffff;
	[tilespmem:s28+$0xDBD0] =	vst v39  }
0x1b2: {  	v38 =	vadd.s32 $0xC, v28;
	v37 =	vld.idx.msk [tilespmem:v61+s4+$0x0], $0xffff;
	[tilespmem:s28+$0x11850] =	vst v41  }
0x1b3: {  	v40 =	vadd.s32 $0xD, v28;
	v39 =	vld.idx.msk [tilespmem:v62+s4+$0x0], $0xffff;
	[tilespmem:s28+$0x118D0] =	vst v43  }
0x1b4: {  	v45 =	vadd.s32 $0xF, v28;
	v41 =	vld.idx.msk [tilespmem:v63+s4+$0x0], $0xffff;
	[tilespmem:s28+$0x11950] =	vst v22  }
0x1b5: {  	v46 =	vadd.s32 $0x10, v28;
	v42 =	vld.idx.msk [tilespmem:v34+s4+$0x0], $0xffff;
	[tilespmem:s28+$0x119D0] =	vst v20  }
0x1b6: {  	v47 =	vadd.s32 $0x11, v28;
	v44 =	vld.idx.msk [tilespmem:v36+s4+$0x0], $0xffff;
	[tilespmem:s28+$0x11A50] =	vst v23  }
0x1b7: {  	v48 =	vadd.s32 $0x12, v28;
	v20 =	vld.idx.msk [tilespmem:v38+s4+$0x0], $0xffff;
	[tilespmem:s28+$0x11AD0] =	vst v0  }
0x1b8: {  	v50 =	vadd.s32 $0x13, v28;
	v23 =	vld.idx.msk [tilespmem:v40+s4+$0x0], $0xffff;
	[tilespmem:s28+$0x11B50] =	vst v25  }
0x1b9: {  	v52 =	vadd.s32 $0x14, v28;
	[tilespmem:s28+$0x11BD0] =	vst v24;
	v51 =	vld.idx.msk [tilespmem:v45+s4+$0x0], $0xffff  }
0x1ba: {  	v53 =	vadd.s32 $0x15, v28;
	[tilespmem:s28+$0x15850] =	vst v19;
	v19 =	vld.idx.msk [tilespmem:v46+s4+$0x0], $0xffff  }
0x1bb: {  	v54 =	vadd.s32 $0x16, v28;
	[tilespmem:s28+$0x158D0] =	vst v5;
	v5 =	vld.idx.msk [tilespmem:v47+s4+$0x0], $0xffff  }
0x1bc: {  	v43 =	vadd.s32 $0xE, v28;
	[tilespmem:s28+$0x15950] =	vst v1;
	v0 =	vld.idx.msk [tilespmem:v48+s4+$0x0], $0xffff  }
0x1bd: {  	v55 =	vadd.s32 $0x17, v28;
	v28 =	vmul.u32 $0x18, v49;
	[tilespmem:s28+$0x159D0] =	vst v2;
	v2 =	vld.idx.msk [tilespmem:v50+s4+$0x0], $0xffff  }
0x1be: {  	[tilespmem:s28+$0x15A50] =	vst v4;
	v4 =	vld.idx.msk [tilespmem:v52+s4+$0x0], $0xffff  }
0x1bf: {  	[tilespmem:s28+$0x15AD0] =	vst v6;
	v56 =	vor.u32 $0x1, v28;
	v6 =	vld.idx.msk [tilespmem:v53+s4+$0x0], $0xffff  }
0x1c0: {  	v57 =	vor.u32 $0x2, v28;
	[tilespmem:s28+$0x15B50] =	vst v7;
	v7 =	vld.idx.msk [tilespmem:v54+s4+$0x0], $0xffff  }
0x1c1: {  	v58 =	vor.u32 $0x3, v28;
	[tilespmem:s28+$0x15BD0] =	vst v8;
	v21 =	vld.idx.msk [tilespmem:v43+s4+$0x0], $0xffff  }
0x1c2: {  	v59 =	vor.u32 $0x4, v28;
	v1 =	vld.idx.msk [tilespmem:v55+s4+$0x0], $0xffff;
	[tilespmem:s28+$0xD860] =	vst v3  }
0x1c3: {  	v60 =	vor.u32 $0x5, v28;
	[tilespmem:s28+$0xD8E0] =	vst v11;
	v3 =	vld.idx.msk [tilespmem:v28+s4+$0x0], $0xffff  }
0x1c4: {  	v61 =	vor.u32 $0x6, v28;
	[tilespmem:s28+$0xD960] =	vst v12;
	v11 =	vld.idx.msk [tilespmem:v56+s4+$0x0], $0xffff  }
0x1c5: {  	v62 =	vor.u32 $0x7, v28;
	[tilespmem:s28+$0xD9E0] =	vst v13;
	v12 =	vld.idx.msk [tilespmem:v57+s4+$0x0], $0xffff  }
0x1c6: {  	v63 =	vadd.s32 $0x8, v28;
	[tilespmem:s28+$0xDA60] =	vst v9;
	v13 =	vld.idx.msk [tilespmem:v58+s4+$0x0], $0xffff  }
0x1c7: {  	v32 =	vadd.s32 $0x9, v28;
	[tilespmem:s28+$0xDAE0] =	vst v33;
	v8 =	vld.idx.msk [tilespmem:v59+s4+$0x0], $0xffff  }
0x1c8: {  	v34 =	vadd.s32 $0xA, v28;
	[tilespmem:s28+$0xDB60] =	vst v35;
	v33 =	vld.idx.msk [tilespmem:v60+s4+$0x0], $0xffff  }
0x1c9: {  	v36 =	vadd.s32 $0xB, v28;
	[tilespmem:s28+$0xDBE0] =	vst v37;
	v35 =	vld.idx.msk [tilespmem:v61+s4+$0x0], $0xffff  }
0x1ca: {  	v38 =	vadd.s32 $0xC, v28;
	[tilespmem:s28+$0x11860] =	vst v39;
	v37 =	vld.idx.msk [tilespmem:v62+s4+$0x0], $0xffff  }
0x1cb: {  	v40 =	vadd.s32 $0xD, v28;
	[tilespmem:s28+$0x118E0] =	vst v41;
	v39 =	vld.idx.msk [tilespmem:v63+s4+$0x0], $0xffff  }
0x1cc: {  	v45 =	vadd.s32 $0x10, v28;
	[tilespmem:s28+$0x11960] =	vst v42;
	v9 =	vld.idx.msk [tilespmem:v32+s4+$0x0], $0xffff  }
0x1cd: {  	v47 =	vadd.s32 $0x11, v28;
	[tilespmem:s28+$0x119E0] =	vst v44;
	v42 =	vld.idx.msk [tilespmem:v34+s4+$0x0], $0xffff  }
0x1ce: {  	v49 =	vadd.s32 $0x12, v28;
	[tilespmem:s28+$0x11A60] =	vst v20;
	v44 =	vld.idx.msk [tilespmem:v36+s4+$0x0], $0xffff  }
0x1cf: {  	v50 =	vadd.s32 $0x13, v28;
	[tilespmem:s28+$0x11AE0] =	vst v23;
	v46 =	vld.idx.msk [tilespmem:v38+s4+$0x0], $0xffff  }
0x1d0: {  	v52 =	vadd.s32 $0x14, v28;
	[tilespmem:s28+$0x11BE0] =	vst v51;
	v48 =	vld.idx.msk [tilespmem:v40+s4+$0x0], $0xffff  }
0x1d1: {  	v54 =	vadd.s32 $0x15, v28;
	[tilespmem:s28+$0x15860] =	vst v19;
	v53 =	vld.idx.msk [tilespmem:v45+s4+$0x0], $0xffff  }
0x1d2: {  	v41 =	vadd.s32 $0xE, v28;
	[tilespmem:s28+$0x158E0] =	vst v5;
	v55 =	vld.idx.msk [tilespmem:v47+s4+$0x0], $0xffff  }
0x1d3: {  	v43 =	vadd.s32 $0xF, v28;
	[tilespmem:s28+$0x15960] =	vst v0;
	v57 =	vld.idx.msk [tilespmem:v49+s4+$0x0], $0xffff  }
0x1d4: {  	[tilespmem:s28+$0x159E0] =	vst v2;
	v56 =	vadd.s32 $0x16, v28;
	v59 =	vld.idx.msk [tilespmem:v50+s4+$0x0], $0xffff  }
0x1d5: {  	[tilespmem:s28+$0x15A60] =	vst v4;
	v58 =	vadd.s32 $0x17, v28;
	v60 =	vld.idx.msk [tilespmem:v52+s4+$0x0], $0xffff  }
0x1d6: {  	[tilespmem:s28+$0x15AE0] =	vst v6;
	v61 =	vld.idx.msk [tilespmem:v54+s4+$0x0], $0xffff  }
0x1d7: {  	[tilespmem:s28+$0x15B60] =	vst v7;
	v14 =	vld.idx.msk [tilespmem:v41+s4+$0x0], $0xffff  }
0x1d8: {  	[tilespmem:s28+$0x11B60] =	vst v21;
	v51 =	vld.idx.msk [tilespmem:v43+s4+$0x0], $0xffff  }
0x1d9: {  	[tilespmem:s28+$0x15BE0] =	vst v1;
	v62 =	vld.idx.msk [tilespmem:v56+s4+$0x0], $0xffff  }
0x1da: {  	v63 =	vld.idx.msk [tilespmem:v58+s4+$0x0], $0xffff;
	[tilespmem:s28+$0xD870] =	vst v3  }
0x1db: {  	[tilespmem:s28+$0xD8F0] =	vst v11  }
0x1dc: {  	[tilespmem:s28+$0xD970] =	vst v12  }
0x1dd: {  	[tilespmem:s28+$0xD9F0] =	vst v13  }
0x1de: {  	[tilespmem:s28+$0xDA70] =	vst v8  }
0x1df: {  	[tilespmem:s28+$0xDAF0] =	vst v33  }
0x1e0: {  	[tilespmem:s28+$0xDB70] =	vst v35  }
0x1e1: {  	[tilespmem:s28+$0xDBF0] =	vst v37  }
0x1e2: {  	[tilespmem:s28+$0x11870] =	vst v39  }
0x1e3: {  	[tilespmem:s28+$0x118F0] =	vst v9  }
0x1e4: {  	[tilespmem:s28+$0x11970] =	vst v42  }
0x1e5: {  	[tilespmem:s28+$0x119F0] =	vst v44  }
0x1e6: {  	[tilespmem:s28+$0x11A70] =	vst v46  }
0x1e7: {  	[tilespmem:s28+$0x11AF0] =	vst v48  }
0x1e8: {  	[tilespmem:s28+$0x15870] =	vst v53  }
0x1e9: {  	[tilespmem:s28+$0x158F0] =	vst v55  }
0x1ea: {  	[tilespmem:s28+$0x15970] =	vst v57  }
0x1eb: {  	[tilespmem:s28+$0x159F0] =	vst v59  }
0x1ec: {  	p0 =	slt.u32 s26, $0x78;
	[tilespmem:s28+$0x15A70] =	vst v60  }
.Ltmp3:
0x1ed: {  	[tilespmem:s28+$0x15AF0] =	vst v61;
	(pc) =	sbr.rel @p0 .LBB2_4-.Ltmp3, $4  }
0x1ee: {  	[tilespmem:s28+$0x11B70] =	vst v14  }
0x1ef: {  	[tilespmem:s28+$0x11BF0] =	vst v51  }
0x1f0: {  	s31 =	sadd.s32 $0x8, s26;
	[tilespmem:s28+$0x15B70] =	vst v62  }
0x1f1: {  	s26 =	smov.u32 s31;
	[tilespmem:s28+$0x15BF0] =	vst v63  }
0x1f2: {  	[hbm4b:s9+s18] =	stream.strided.scatter [tilespmem:s22], [sflag:$0x4], $0xC000, s19, s18, $0x38;
	[tilespmem:$0x19800] =	vst v63  }
0x1f3: {  	s26 =	simm.s32 $0x1  }
0x1f4: {  	[tilespmem:s16], [sflag:$0x2] =	stream.linear.gather [hbm4b:s10+s4], $0x800, $0x38;
	[tilespmem:$0x19800] =	vst v63  }
.LBB2_6:
0x1f5: {  	_ =	swait.ge [sflag:s17], $0x800  }
0x1f6: {  	[sflag:s17] =	ssyncset.done $0x0  }
0x1f7: {  	[sflag:s17] =	ssyncadd.s32 $0xFFFFF800  }
0x1f8: {  	_ =	swait.ge [sflag:s23], $0xC000  }
0x1f9: {  	[sflag:s23] =	ssyncset.done $0x0  }
0x1fa: {  	s28 =	simm.s32 $0x0;
	[sflag:s23] =	ssyncadd.s32 $0xFFFF4000  }
.LBB2_7:
0x1fb: {  	s0 =	sshll.u32 s28, $0x4  }
0x1fc: {  	s30 =	sand.u32 $0x3FFFFFF0, s0  }
0x1fd: {  	v0 =	vld [tilespmem:s30+$0x800]  }
0x1fe: {  	v20 =	vld [tilespmem:s30+$0x810];
	_ =	sdelay $0x3  }
0x1ff: {  	v0 =	vmul.u32 $0x18, v0  }
0x200: {  	v20 =	vmul.u32 $0x18, v20;
	_ =	sdelay $0x1  }
0x201: {  	v1 =	vor.u32 $0x1, v0  }
0x202: {  	v2 =	vor.u32 $0x2, v0  }
0x203: {  	v55 =	vld [tilespmem:s30+$0x820];
	v3 =	vor.u32 $0x3, v0  }
0x204: {  	v4 =	vor.u32 $0x4, v0;
	v5 =	vld.idx.msk [tilespmem:v0+s4+$0x0], $0xffff  }
0x205: {  	v6 =	vor.u32 $0x5, v0;
	v29 =	vld.idx.msk [tilespmem:v20+s4+$0x0], $0xffff  }
0x206: {  	v7 =	vor.u32 $0x6, v0;
	v1 =	vld.idx.msk [tilespmem:v1+s4+$0x0], $0xffff  }
0x207: {  	v8 =	vor.u32 $0x7, v0;
	v2 =	vld.idx.msk [tilespmem:v2+s4+$0x0], $0xffff  }
0x208: {  	v9 =	vadd.s32 $0x8, v0;
	v3 =	vld.idx.msk [tilespmem:v3+s4+$0x0], $0xffff  }
0x209: {  	v10 =	vadd.s32 $0x9, v0;
	v4 =	vld.idx.msk [tilespmem:v4+s4+$0x0], $0xffff  }
0x20a: {  	v11 =	vadd.s32 $0xA, v0;
	v6 =	vld.idx.msk [tilespmem:v6+s4+$0x0], $0xffff  }
0x20b: {  	v12 =	vadd.s32 $0xB, v0;
	v7 =	vld.idx.msk [tilespmem:v7+s4+$0x0], $0xffff  }
0x20c: {  	v13 =	vadd.s32 $0xC, v0;
	v8 =	vld.idx.msk [tilespmem:v8+s4+$0x0], $0xffff  }
0x20d: {  	v14 =	vadd.s32 $0xD, v0;
	v9 =	vld.idx.msk [tilespmem:v9+s4+$0x0], $0xffff  }
0x20e: {  	v15 =	vadd.s32 $0xE, v0;
	v10 =	vld.idx.msk [tilespmem:v10+s4+$0x0], $0xffff  }
0x20f: {  	v16 =	vadd.s32 $0xF, v0;
	v11 =	vld.idx.msk [tilespmem:v11+s4+$0x0], $0xffff  }
0x210: {  	v17 =	vadd.s32 $0x10, v0;
	v12 =	vld.idx.msk [tilespmem:v12+s4+$0x0], $0xffff  }
0x211: {  	v18 =	vadd.s32 $0x11, v0;
	v13 =	vld.idx.msk [tilespmem:v13+s4+$0x0], $0xffff  }
0x212: {  	v19 =	vadd.s32 $0x12, v0;
	v14 =	vld.idx.msk [tilespmem:v14+s4+$0x0], $0xffff  }
0x213: {  	v21 =	vadd.s32 $0x13, v0;
	v15 =	vld.idx.msk [tilespmem:v15+s4+$0x0], $0xffff  }
0x214: {  	v22 =	vadd.s32 $0x14, v0;
	v16 =	vld.idx.msk [tilespmem:v16+s4+$0x0], $0xffff  }
0x215: {  	v23 =	vadd.s32 $0x15, v0;
	v17 =	vld.idx.msk [tilespmem:v17+s4+$0x0], $0xffff  }
0x216: {  	v24 =	vadd.s32 $0x16, v0;
	v18 =	vld.idx.msk [tilespmem:v18+s4+$0x0], $0xffff  }
0x217: {  	v25 =	vor.u32 $0x1, v20;
	v19 =	vld.idx.msk [tilespmem:v19+s4+$0x0], $0xffff  }
0x218: {  	v26 =	vor.u32 $0x2, v20;
	v21 =	vld.idx.msk [tilespmem:v21+s4+$0x0], $0xffff  }
0x219: {  	v27 =	vor.u32 $0x3, v20;
	v22 =	vld.idx.msk [tilespmem:v22+s4+$0x0], $0xffff  }
0x21a: {  	v28 =	vor.u32 $0x4, v20;
	v23 =	vld.idx.msk [tilespmem:v23+s4+$0x0], $0xffff  }
0x21b: {  	v0 =	vadd.s32 $0x17, v0;
	v24 =	vld.idx.msk [tilespmem:v24+s4+$0x0], $0xffff  }
0x21c: {  	v30 =	vor.u32 $0x5, v20;
	v25 =	vld.idx.msk [tilespmem:v25+s4+$0x0], $0xffff  }
0x21d: {  	v31 =	vor.u32 $0x6, v20;
	v26 =	vld.idx.msk [tilespmem:v26+s4+$0x0], $0xffff  }
0x21e: {  	s29 =	sshll.u32 s28, $0x7;
	v32 =	vor.u32 $0x7, v20;
	v27 =	vld.idx.msk [tilespmem:v27+s4+$0x0], $0xffff  }
0x21f: {  	s29 =	sand.u32 $0x3FFFFF80, s29;
	v33 =	vadd.s32 $0x8, v20;
	v28 =	vld.idx.msk [tilespmem:v28+s4+$0x0], $0xffff  }
0x220: {  	v34 =	vadd.s32 $0x9, v20;
	v0 =	vld.idx.msk [tilespmem:v0+s4+$0x0], $0xffff;
	[tilespmem:s29+$0x1800] =	vst v5  }
0x221: {  	v35 =	vadd.s32 $0xA, v20;
	v30 =	vld.idx.msk [tilespmem:v30+s4+$0x0], $0xffff;
	[tilespmem:s29+$0x1880] =	vst v1  }
0x222: {  	v47 =	vadd.s32 $0xB, v20;
	v5 =	vld.idx.msk [tilespmem:v31+s4+$0x0], $0xffff;
	[tilespmem:s29+$0x1900] =	vst v2  }
0x223: {  	v48 =	vadd.s32 $0xC, v20;
	v1 =	vld.idx.msk [tilespmem:v32+s4+$0x0], $0xffff;
	[tilespmem:s29+$0x1980] =	vst v3  }
0x224: {  	v49 =	vadd.s32 $0xD, v20;
	v2 =	vld.idx.msk [tilespmem:v33+s4+$0x0], $0xffff;
	[tilespmem:s29+$0x1A00] =	vst v4  }
0x225: {  	v50 =	vadd.s32 $0xE, v20;
	v3 =	vld.idx.msk [tilespmem:v34+s4+$0x0], $0xffff;
	[tilespmem:s29+$0x1A80] =	vst v6  }
0x226: {  	v51 =	vadd.s32 $0xF, v20;
	v4 =	vld.idx.msk [tilespmem:v35+s4+$0x0], $0xffff;
	[tilespmem:s29+$0x1B00] =	vst v7  }
0x227: {  	v52 =	vadd.s32 $0x10, v20;
	v6 =	vld.idx.msk [tilespmem:v47+s4+$0x0], $0xffff;
	[tilespmem:s29+$0x1B80] =	vst v8  }
0x228: {  	v53 =	vadd.s32 $0x11, v20;
	v7 =	vld.idx.msk [tilespmem:v48+s4+$0x0], $0xffff;
	[tilespmem:s29+$0x5800] =	vst v9  }
0x229: {  	v54 =	vadd.s32 $0x12, v20;
	v8 =	vld.idx.msk [tilespmem:v49+s4+$0x0], $0xffff;
	[tilespmem:s29+$0x5880] =	vst v10  }
0x22a: {  	v56 =	vadd.s32 $0x13, v20;
	v10 =	vld.idx.msk [tilespmem:v50+s4+$0x0], $0xffff;
	[tilespmem:s29+$0x5900] =	vst v11  }
0x22b: {  	v57 =	vadd.s32 $0x14, v20;
	v11 =	vld.idx.msk [tilespmem:v51+s4+$0x0], $0xffff;
	[tilespmem:s29+$0x5980] =	vst v12  }
0x22c: {  	v58 =	vadd.s32 $0x15, v20;
	v12 =	vld.idx.msk [tilespmem:v52+s4+$0x0], $0xffff;
	[tilespmem:s29+$0x5A00] =	vst v13  }
0x22d: {  	v59 =	vadd.s32 $0x16, v20;
	v13 =	vld.idx.msk [tilespmem:v53+s4+$0x0], $0xffff;
	[tilespmem:s29+$0x5A80] =	vst v14  }
0x22e: {  	v61 =	vmul.u32 $0x18, v55;
	v60 =	vadd.s32 $0x17, v20;
	v9 =	vld.idx.msk [tilespmem:v54+s4+$0x0], $0xffff;
	[tilespmem:s29+$0x5B00] =	vst v15  }
0x22f: {  	v15 =	vld.idx.msk [tilespmem:v56+s4+$0x0], $0xffff;
	[tilespmem:s29+$0x5B80] =	vst v16  }
0x230: {  	v62 =	vor.u32 $0x1, v61;
	v16 =	vld.idx.msk [tilespmem:v57+s4+$0x0], $0xffff;
	[tilespmem:s29+$0x9800] =	vst v17  }
0x231: {  	v63 =	vor.u32 $0x2, v61;
	v17 =	vld.idx.msk [tilespmem:v58+s4+$0x0], $0xffff;
	[tilespmem:s29+$0x9880] =	vst v18  }
0x232: {  	v36 =	vor.u32 $0x3, v61;
	v18 =	vld.idx.msk [tilespmem:v59+s4+$0x0], $0xffff;
	[tilespmem:s29+$0x9900] =	vst v19  }
0x233: {  	v38 =	vor.u32 $0x5, v61;
	v14 =	vld.idx.msk [tilespmem:v60+s4+$0x0], $0xffff;
	[tilespmem:s29+$0x9980] =	vst v21  }
0x234: {  	v39 =	vor.u32 $0x6, v61;
	v21 =	vld.idx.msk [tilespmem:v61+s4+$0x0], $0xffff;
	[tilespmem:s29+$0x9A00] =	vst v22  }
0x235: {  	v40 =	vor.u32 $0x7, v61;
	v22 =	vld.idx.msk [tilespmem:v62+s4+$0x0], $0xffff;
	[tilespmem:s29+$0x9A80] =	vst v23  }
0x236: {  	v41 =	vadd.s32 $0x8, v61;
	v23 =	vld.idx.msk [tilespmem:v63+s4+$0x0], $0xffff;
	[tilespmem:s29+$0x9B00] =	vst v24  }
0x237: {  	v42 =	vadd.s32 $0x9, v61;
	v24 =	vld.idx.msk [tilespmem:v36+s4+$0x0], $0xffff;
	[tilespmem:s29+$0x1810] =	vst v29  }
0x238: {  	v43 =	vadd.s32 $0xA, v61;
	v29 =	vld.idx.msk [tilespmem:v38+s4+$0x0], $0xffff;
	[tilespmem:s29+$0x1890] =	vst v25  }
0x239: {  	v25 =	vld.idx.msk [tilespmem:v39+s4+$0x0], $0xffff;
	[tilespmem:s29+$0x1910] =	vst v26  }
0x23a: {  	v37 =	vor.u32 $0x4, v61;
	v26 =	vld.idx.msk [tilespmem:v40+s4+$0x0], $0xffff;
	[tilespmem:s29+$0x1990] =	vst v27  }
0x23b: {  	v44 =	vadd.s32 $0xB, v61;
	v27 =	vld.idx.msk [tilespmem:v41+s4+$0x0], $0xffff;
	[tilespmem:s29+$0x1A10] =	vst v28  }
0x23c: {  	v45 =	vadd.s32 $0xC, v61;
	v19 =	vld.idx.msk [tilespmem:v42+s4+$0x0], $0xffff;
	[tilespmem:s29+$0x1A90] =	vst v30  }
0x23d: {  	v46 =	vadd.s32 $0xD, v61;
	v28 =	vld.idx.msk [tilespmem:v43+s4+$0x0], $0xffff;
	[tilespmem:s29+$0x9B80] =	vst v0  }
0x23e: {  	v47 =	vadd.s32 $0xE, v61;
	v52 =	vld [tilespmem:s30+$0x830];
	[tilespmem:s29+$0x1B10] =	vst v5  }
0x23f: {  	v48 =	vadd.s32 $0xF, v61;
	v0 =	vld.idx.msk [tilespmem:v37+s4+$0x0], $0xffff;
	[tilespmem:s29+$0x1B90] =	vst v1  }
0x240: {  	v49 =	vadd.s32 $0x10, v61;
	v5 =	vld.idx.msk [tilespmem:v44+s4+$0x0], $0xffff;
	[tilespmem:s29+$0x5810] =	vst v2  }
0x241: {  	v50 =	vadd.s32 $0x11, v61;
	v1 =	vld.idx.msk [tilespmem:v45+s4+$0x0], $0xffff;
	[tilespmem:s29+$0x5890] =	vst v3  }
0x242: {  	v51 =	vadd.s32 $0x12, v61;
	v2 =	vld.idx.msk [tilespmem:v46+s4+$0x0], $0xffff;
	[tilespmem:s29+$0x5910] =	vst v4  }
0x243: {  	v53 =	vadd.s32 $0x13, v61;
	v4 =	vld.idx.msk [tilespmem:v47+s4+$0x0], $0xffff;
	[tilespmem:s29+$0x5990] =	vst v6  }
0x244: {  	v54 =	vadd.s32 $0x14, v61;
	v6 =	vld.idx.msk [tilespmem:v48+s4+$0x0], $0xffff;
	[tilespmem:s29+$0x5A10] =	vst v7  }
0x245: {  	v55 =	vadd.s32 $0x15, v61;
	v7 =	vld.idx.msk [tilespmem:v49+s4+$0x0], $0xffff;
	[tilespmem:s29+$0x5A90] =	vst v8  }
0x246: {  	v56 =	vadd.s32 $0x16, v61;
	v8 =	vld.idx.msk [tilespmem:v50+s4+$0x0], $0xffff;
	[tilespmem:s29+$0x5B10] =	vst v10  }
0x247: {  	v57 =	vadd.s32 $0x17, v61;
	v3 =	vld.idx.msk [tilespmem:v51+s4+$0x0], $0xffff;
	[tilespmem:s29+$0x5B90] =	vst v11  }
0x248: {  	v58 =	vmul.u32 $0x18, v52;
	v59 =	vld.idx.msk [tilespmem:v53+s4+$0x0], $0xffff;
	[tilespmem:s29+$0x9810] =	vst v12  }
0x249: {  	v12 =	vld.idx.msk [tilespmem:v54+s4+$0x0], $0xffff;
	[tilespmem:s29+$0x9890] =	vst v13  }
0x24a: {  	v13 =	vld.idx.msk [tilespmem:v55+s4+$0x0], $0xffff;
	[tilespmem:s29+$0x9910] =	vst v9;
	v60 =	vor.u32 $0x1, v58  }
0x24b: {  	v9 =	vld.idx.msk [tilespmem:v56+s4+$0x0], $0xffff;
	[tilespmem:s29+$0x9990] =	vst v15;
	v61 =	vor.u32 $0x2, v58  }
0x24c: {  	v10 =	vld.idx.msk [tilespmem:v57+s4+$0x0], $0xffff;
	[tilespmem:s29+$0x9A10] =	vst v16;
	v62 =	vor.u32 $0x3, v58  }
0x24d: {  	[tilespmem:s29+$0x9A90] =	vst v17;
	v50 =	vld [tilespmem:s30+$0x840];
	v63 =	vor.u32 $0x4, v58  }
0x24e: {  	[tilespmem:s29+$0x9B10] =	vst v18;
	v36 =	vor.u32 $0x5, v58;
	v16 =	vld.idx.msk [tilespmem:v58+s4+$0x0], $0xffff  }
0x24f: {  	[tilespmem:s29+$0x9B90] =	vst v14;
	v37 =	vor.u32 $0x6, v58;
	v17 =	vld.idx.msk [tilespmem:v60+s4+$0x0], $0xffff  }
0x250: {  	[tilespmem:s29+$0x1820] =	vst v21;
	v38 =	vor.u32 $0x7, v58;
	v18 =	vld.idx.msk [tilespmem:v61+s4+$0x0], $0xffff  }
0x251: {  	[tilespmem:s29+$0x18A0] =	vst v22;
	v39 =	vadd.s32 $0x8, v58;
	v14 =	vld.idx.msk [tilespmem:v62+s4+$0x0], $0xffff  }
0x252: {  	[tilespmem:s29+$0x1920] =	vst v23;
	v40 =	vadd.s32 $0x9, v58;
	v15 =	vld.idx.msk [tilespmem:v63+s4+$0x0], $0xffff  }
0x253: {  	[tilespmem:s29+$0x19A0] =	vst v24;
	v41 =	vadd.s32 $0xA, v58;
	v22 =	vld.idx.msk [tilespmem:v36+s4+$0x0], $0xffff  }
0x254: {  	[tilespmem:s29+$0x1AA0] =	vst v29;
	v42 =	vadd.s32 $0xB, v58;
	v23 =	vld.idx.msk [tilespmem:v37+s4+$0x0], $0xffff  }
0x255: {  	[tilespmem:s29+$0x1B20] =	vst v25;
	v43 =	vadd.s32 $0xC, v58;
	v24 =	vld.idx.msk [tilespmem:v38+s4+$0x0], $0xffff  }
0x256: {  	v44 =	vadd.s32 $0xD, v58;
	[tilespmem:s29+$0x1A20] =	vst v0;
	v0 =	vld.idx.msk [tilespmem:v39+s4+$0x0], $0xffff  }
0x257: {  	[tilespmem:s29+$0x1BA0] =	vst v26;
	v45 =	vadd.s32 $0xE, v58;
	v21 =	vld.idx.msk [tilespmem:v40+s4+$0x0], $0xffff  }
0x258: {  	[tilespmem:s29+$0x5820] =	vst v27;
	v46 =	vadd.s32 $0xF, v58;
	v25 =	vld.idx.msk [tilespmem:v41+s4+$0x0], $0xffff  }
0x259: {  	[tilespmem:s29+$0x58A0] =	vst v19;
	v47 =	vadd.s32 $0x10, v58;
	v26 =	vld.idx.msk [tilespmem:v42+s4+$0x0], $0xffff  }
0x25a: {  	[tilespmem:s29+$0x5920] =	vst v28;
	v48 =	vadd.s32 $0x11, v58;
	v27 =	vld.idx.msk [tilespmem:v43+s4+$0x0], $0xffff  }
0x25b: {  	v49 =	vadd.s32 $0x12, v58;
	[tilespmem:s29+$0x59A0] =	vst v5;
	v19 =	vld.idx.msk [tilespmem:v44+s4+$0x0], $0xffff  }
0x25c: {  	v51 =	vadd.s32 $0x13, v58;
	[tilespmem:s29+$0x5A20] =	vst v1;
	v5 =	vld.idx.msk [tilespmem:v45+s4+$0x0], $0xffff  }
0x25d: {  	v52 =	vadd.s32 $0x14, v58;
	[tilespmem:s29+$0x5AA0] =	vst v2;
	v1 =	vld.idx.msk [tilespmem:v46+s4+$0x0], $0xffff  }
0x25e: {  	v54 =	vadd.s32 $0x15, v58;
	[tilespmem:s29+$0x5B20] =	vst v4;
	v53 =	vld.idx.msk [tilespmem:v47+s4+$0x0], $0xffff  }
0x25f: {  	v55 =	vadd.s32 $0x16, v58;
	[tilespmem:s29+$0x5BA0] =	vst v6;
	v4 =	vld.idx.msk [tilespmem:v48+s4+$0x0], $0xffff  }
0x260: {  	v20 =	vadd.s32 $0x17, v58;
	[tilespmem:s29+$0x9820] =	vst v7;
	v6 =	vld.idx.msk [tilespmem:v49+s4+$0x0], $0xffff  }
0x261: {  	v56 =	vmul.u32 $0x18, v50;
	[tilespmem:s29+$0x98A0] =	vst v8;
	v7 =	vld.idx.msk [tilespmem:v51+s4+$0x0], $0xffff  }
0x262: {  	[tilespmem:s29+$0x9920] =	vst v3;
	v8 =	vld.idx.msk [tilespmem:v52+s4+$0x0], $0xffff  }
0x263: {  	[tilespmem:s29+$0x99A0] =	vst v59;
	v57 =	vor.u32 $0x1, v56;
	v3 =	vld.idx.msk [tilespmem:v54+s4+$0x0], $0xffff  }
0x264: {  	[tilespmem:s29+$0x9A20] =	vst v12;
	v58 =	vor.u32 $0x2, v56;
	v11 =	vld.idx.msk [tilespmem:v55+s4+$0x0], $0xffff  }
0x265: {  	[tilespmem:s29+$0x9AA0] =	vst v13;
	v59 =	vor.u32 $0x3, v56;
	v12 =	vld.idx.msk [tilespmem:v20+s4+$0x0], $0xffff  }
0x266: {  	[tilespmem:s29+$0x9B20] =	vst v9;
	v60 =	vor.u32 $0x4, v56;
	v48 =	vld [tilespmem:s30+$0x850]  }
0x267: {  	[tilespmem:s29+$0x9BA0] =	vst v10;
	v61 =	vor.u32 $0x5, v56;
	v13 =	vld.idx.msk [tilespmem:v56+s4+$0x0], $0xffff  }
0x268: {  	v62 =	vor.u32 $0x6, v56;
	[tilespmem:s29+$0x1830] =	vst v16;
	v9 =	vld.idx.msk [tilespmem:v57+s4+$0x0], $0xffff  }
0x269: {  	v63 =	vor.u32 $0x7, v56;
	v10 =	vld.idx.msk [tilespmem:v58+s4+$0x0], $0xffff;
	[tilespmem:s29+$0x18B0] =	vst v17  }
0x26a: {  	v36 =	vadd.s32 $0x8, v56;
	v16 =	vld.idx.msk [tilespmem:v59+s4+$0x0], $0xffff;
	[tilespmem:s29+$0x1930] =	vst v18  }
0x26b: {  	v38 =	vadd.s32 $0x9, v56;
	v37 =	vld.idx.msk [tilespmem:v60+s4+$0x0], $0xffff;
	[tilespmem:s29+$0x19B0] =	vst v14  }
0x26c: {  	v39 =	vadd.s32 $0xA, v56;
	v18 =	vld.idx.msk [tilespmem:v61+s4+$0x0], $0xffff;
	[tilespmem:s29+$0x1A30] =	vst v15  }
0x26d: {  	v40 =	vadd.s32 $0xB, v56;
	v14 =	vld.idx.msk [tilespmem:v62+s4+$0x0], $0xffff;
	[tilespmem:s29+$0x1AB0] =	vst v22  }
0x26e: {  	v41 =	vadd.s32 $0xC, v56;
	v15 =	vld.idx.msk [tilespmem:v63+s4+$0x0], $0xffff;
	[tilespmem:s29+$0x1B30] =	vst v23  }
0x26f: {  	v42 =	vadd.s32 $0xD, v56;
	v22 =	vld.idx.msk [tilespmem:v36+s4+$0x0], $0xffff;
	[tilespmem:s29+$0x1BB0] =	vst v24  }
0x270: {  	v43 =	vadd.s32 $0xE, v56;
	v20 =	vld.idx.msk [tilespmem:v38+s4+$0x0], $0xffff;
	[tilespmem:s29+$0x5830] =	vst v0  }
0x271: {  	v44 =	vadd.s32 $0xF, v56;
	v23 =	vld.idx.msk [tilespmem:v39+s4+$0x0], $0xffff;
	[tilespmem:s29+$0x58B0] =	vst v21  }
0x272: {  	v45 =	vadd.s32 $0x10, v56;
	v0 =	vld.idx.msk [tilespmem:v40+s4+$0x0], $0xffff;
	[tilespmem:s29+$0x5930] =	vst v25  }
0x273: {  	v46 =	vadd.s32 $0x11, v56;
	v21 =	vld.idx.msk [tilespmem:v41+s4+$0x0], $0xffff;
	[tilespmem:s29+$0x59B0] =	vst v26  }
0x274: {  	v47 =	vadd.s32 $0x12, v56;
	v25 =	vld.idx.msk [tilespmem:v42+s4+$0x0], $0xffff;
	[tilespmem:s29+$0x5A30] =	vst v27  }
0x275: {  	v49 =	vadd.s32 $0x13, v56;
	v24 =	vld.idx.msk [tilespmem:v43+s4+$0x0], $0xffff;
	[tilespmem:s29+$0x5AB0] =	vst v19  }
0x276: {  	v19 =	vld.idx.msk [tilespmem:v44+s4+$0x0], $0xffff;
	[tilespmem:s29+$0x5B30] =	vst v5  }
0x277: {  	v50 =	vadd.s32 $0x14, v56;
	v5 =	vld.idx.msk [tilespmem:v45+s4+$0x0], $0xffff;
	[tilespmem:s29+$0x5BB0] =	vst v1  }
0x278: {  	v51 =	vadd.s32 $0x15, v56;
	v1 =	vld.idx.msk [tilespmem:v46+s4+$0x0], $0xffff;
	[tilespmem:s29+$0x9830] =	vst v53  }
0x279: {  	v52 =	vadd.s32 $0x16, v56;
	v2 =	vld.idx.msk [tilespmem:v47+s4+$0x0], $0xffff;
	[tilespmem:s29+$0x98B0] =	vst v4  }
0x27a: {  	v53 =	vadd.s32 $0x17, v56;
	v55 =	vld.idx.msk [tilespmem:v49+s4+$0x0], $0xffff;
	[tilespmem:s29+$0x9930] =	vst v6  }
0x27b: {  	v54 =	vmul.u32 $0x18, v48;
	[tilespmem:s29+$0x99B0] =	vst v7;
	v49 =	vld [tilespmem:s30+$0x860]  }
0x27c: {  	v6 =	vld.idx.msk [tilespmem:v50+s4+$0x0], $0xffff;
	[tilespmem:s29+$0x9A30] =	vst v8  }
0x27d: {  	v7 =	vld.idx.msk [tilespmem:v51+s4+$0x0], $0xffff;
	[tilespmem:s29+$0x9AB0] =	vst v3;
	v56 =	vor.u32 $0x1, v54  }
0x27e: {  	v8 =	vld.idx.msk [tilespmem:v52+s4+$0x0], $0xffff;
	[tilespmem:s29+$0x9B30] =	vst v11;
	v57 =	vor.u32 $0x2, v54  }
0x27f: {  	[tilespmem:s29+$0x9BB0] =	vst v12;
	v58 =	vor.u32 $0x3, v54;
	v3 =	vld.idx.msk [tilespmem:v53+s4+$0x0], $0xffff  }
0x280: {  	v59 =	vor.u32 $0x4, v54;
	[tilespmem:s29+$0x1840] =	vst v13;
	v28 =	vmul.u32 $0x18, v49;
	v49 =	vld [tilespmem:s30+$0x870]  }
0x281: {  	v60 =	vor.u32 $0x5, v54;
	[tilespmem:s29+$0x18C0] =	vst v9;
	v11 =	vld.idx.msk [tilespmem:v54+s4+$0x0], $0xffff  }
0x282: {  	v61 =	vor.u32 $0x6, v54;
	[tilespmem:s29+$0x1940] =	vst v10;
	v12 =	vld.idx.msk [tilespmem:v56+s4+$0x0], $0xffff  }
0x283: {  	v62 =	vor.u32 $0x7, v54;
	[tilespmem:s29+$0x19C0] =	vst v16;
	v13 =	vld.idx.msk [tilespmem:v57+s4+$0x0], $0xffff  }
0x284: {  	v63 =	vadd.s32 $0x8, v54;
	[tilespmem:s29+$0x1A40] =	vst v37;
	v9 =	vld.idx.msk [tilespmem:v58+s4+$0x0], $0xffff  }
0x285: {  	v34 =	vadd.s32 $0x9, v54;
	[tilespmem:s29+$0x1AC0] =	vst v18;
	v33 =	vld.idx.msk [tilespmem:v59+s4+$0x0], $0xffff  }
0x286: {  	v36 =	vadd.s32 $0xA, v54;
	[tilespmem:s29+$0x1B40] =	vst v14;
	v35 =	vld.idx.msk [tilespmem:v60+s4+$0x0], $0xffff  }
0x287: {  	v38 =	vadd.s32 $0xB, v54;
	[tilespmem:s29+$0x1BC0] =	vst v15;
	v37 =	vld.idx.msk [tilespmem:v61+s4+$0x0], $0xffff  }
0x288: {  	v40 =	vadd.s32 $0xC, v54;
	[tilespmem:s29+$0x5840] =	vst v22;
	v39 =	vld.idx.msk [tilespmem:v62+s4+$0x0], $0xffff  }
0x289: {  	v42 =	vadd.s32 $0xD, v54;
	[tilespmem:s29+$0x58C0] =	vst v20;
	v41 =	vld.idx.msk [tilespmem:v63+s4+$0x0], $0xffff  }
0x28a: {  	v44 =	vadd.s32 $0xE, v54;
	[tilespmem:s29+$0x5940] =	vst v23;
	v43 =	vld.idx.msk [tilespmem:v34+s4+$0x0], $0xffff  }
0x28b: {  	v45 =	vadd.s32 $0xF, v54;
	[tilespmem:s29+$0x59C0] =	vst v0;
	v22 =	vld.idx.msk [tilespmem:v36+s4+$0x0], $0xffff  }
0x28c: {  	v46 =	vadd.s32 $0x10, v54;
	[tilespmem:s29+$0x5A40] =	vst v21;
	v20 =	vld.idx.msk [tilespmem:v38+s4+$0x0], $0xffff  }
0x28d: {  	v47 =	vadd.s32 $0x11, v54;
	[tilespmem:s29+$0x5AC0] =	vst v25;
	v23 =	vld.idx.msk [tilespmem:v40+s4+$0x0], $0xffff  }
0x28e: {  	v48 =	vadd.s32 $0x12, v54;
	[tilespmem:s29+$0x5B40] =	vst v24;
	v0 =	vld.idx.msk [tilespmem:v42+s4+$0x0], $0xffff  }
0x28f: {  	v50 =	vadd.s32 $0x13, v54;
	[tilespmem:s29+$0x5BC0] =	vst v19;
	v25 =	vld.idx.msk [tilespmem:v44+s4+$0x0], $0xffff  }
0x290: {  	v51 =	vadd.s32 $0x14, v54;
	[tilespmem:s29+$0x9840] =	vst v5;
	v24 =	vld.idx.msk [tilespmem:v45+s4+$0x0], $0xffff  }
0x291: {  	v52 =	vadd.s32 $0x15, v54;
	[tilespmem:s29+$0x98C0] =	vst v1;
	v19 =	vld.idx.msk [tilespmem:v46+s4+$0x0], $0xffff  }
0x292: {  	v53 =	vadd.s32 $0x16, v54;
	[tilespmem:s29+$0x9940] =	vst v2;
	v5 =	vld.idx.msk [tilespmem:v47+s4+$0x0], $0xffff  }
0x293: {  	[tilespmem:s29+$0x99C0] =	vst v55;
	v54 =	vadd.s32 $0x17, v54;
	v1 =	vld.idx.msk [tilespmem:v48+s4+$0x0], $0xffff  }
0x294: {  	[tilespmem:s29+$0x9A40] =	vst v6;
	v2 =	vld.idx.msk [tilespmem:v50+s4+$0x0], $0xffff  }
0x295: {  	[tilespmem:s29+$0x9AC0] =	vst v7;
	v4 =	vld.idx.msk [tilespmem:v51+s4+$0x0], $0xffff;
	v55 =	vor.u32 $0x1, v28  }
0x296: {  	[tilespmem:s29+$0x9B40] =	vst v8;
	v6 =	vld.idx.msk [tilespmem:v52+s4+$0x0], $0xffff;
	v56 =	vor.u32 $0x2, v28  }
0x297: {  	v57 =	vor.u32 $0x3, v28;
	v7 =	vld.idx.msk [tilespmem:v53+s4+$0x0], $0xffff;
	[tilespmem:s29+$0x9BC0] =	vst v3  }
0x298: {  	v58 =	vor.u32 $0x4, v28;
	v8 =	vld.idx.msk [tilespmem:v54+s4+$0x0], $0xffff;
	[tilespmem:s29+$0x1850] =	vst v11  }
0x299: {  	v59 =	vor.u32 $0x5, v28;
	v3 =	vld.idx.msk [tilespmem:v28+s4+$0x0], $0xffff;
	[tilespmem:s29+$0x18D0] =	vst v12  }
0x29a: {  	v60 =	vor.u32 $0x6, v28;
	v11 =	vld.idx.msk [tilespmem:v55+s4+$0x0], $0xffff;
	[tilespmem:s29+$0x1950] =	vst v13  }
0x29b: {  	v61 =	vor.u32 $0x7, v28;
	v12 =	vld.idx.msk [tilespmem:v56+s4+$0x0], $0xffff;
	[tilespmem:s29+$0x19D0] =	vst v9  }
0x29c: {  	v62 =	vadd.s32 $0x8, v28;
	v13 =	vld.idx.msk [tilespmem:v57+s4+$0x0], $0xffff;
	[tilespmem:s29+$0x1A50] =	vst v33  }
0x29d: {  	v63 =	vadd.s32 $0x9, v28;
	v9 =	vld.idx.msk [tilespmem:v58+s4+$0x0], $0xffff;
	[tilespmem:s29+$0x1AD0] =	vst v35  }
0x29e: {  	v34 =	vadd.s32 $0xA, v28;
	v33 =	vld.idx.msk [tilespmem:v59+s4+$0x0], $0xffff;
	[tilespmem:s29+$0x1B50] =	vst v37  }
0x29f: {  	v36 =	vadd.s32 $0xB, v28;
	v35 =	vld.idx.msk [tilespmem:v60+s4+$0x0], $0xffff;
	[tilespmem:s29+$0x1BD0] =	vst v39  }
0x2a0: {  	v38 =	vadd.s32 $0xC, v28;
	v37 =	vld.idx.msk [tilespmem:v61+s4+$0x0], $0xffff;
	[tilespmem:s29+$0x5850] =	vst v41  }
0x2a1: {  	v40 =	vadd.s32 $0xD, v28;
	v39 =	vld.idx.msk [tilespmem:v62+s4+$0x0], $0xffff;
	[tilespmem:s29+$0x58D0] =	vst v43  }
0x2a2: {  	v45 =	vadd.s32 $0xF, v28;
	v41 =	vld.idx.msk [tilespmem:v63+s4+$0x0], $0xffff;
	[tilespmem:s29+$0x5950] =	vst v22  }
0x2a3: {  	v46 =	vadd.s32 $0x10, v28;
	v42 =	vld.idx.msk [tilespmem:v34+s4+$0x0], $0xffff;
	[tilespmem:s29+$0x59D0] =	vst v20  }
0x2a4: {  	v47 =	vadd.s32 $0x11, v28;
	v44 =	vld.idx.msk [tilespmem:v36+s4+$0x0], $0xffff;
	[tilespmem:s29+$0x5A50] =	vst v23  }
0x2a5: {  	v48 =	vadd.s32 $0x12, v28;
	v20 =	vld.idx.msk [tilespmem:v38+s4+$0x0], $0xffff;
	[tilespmem:s29+$0x5AD0] =	vst v0  }
0x2a6: {  	v50 =	vadd.s32 $0x13, v28;
	v23 =	vld.idx.msk [tilespmem:v40+s4+$0x0], $0xffff;
	[tilespmem:s29+$0x5B50] =	vst v25  }
0x2a7: {  	v52 =	vadd.s32 $0x14, v28;
	[tilespmem:s29+$0x5BD0] =	vst v24;
	v51 =	vld.idx.msk [tilespmem:v45+s4+$0x0], $0xffff  }
0x2a8: {  	v53 =	vadd.s32 $0x15, v28;
	[tilespmem:s29+$0x9850] =	vst v19;
	v19 =	vld.idx.msk [tilespmem:v46+s4+$0x0], $0xffff  }
0x2a9: {  	v54 =	vadd.s32 $0x16, v28;
	[tilespmem:s29+$0x98D0] =	vst v5;
	v5 =	vld.idx.msk [tilespmem:v47+s4+$0x0], $0xffff  }
0x2aa: {  	v43 =	vadd.s32 $0xE, v28;
	[tilespmem:s29+$0x9950] =	vst v1;
	v0 =	vld.idx.msk [tilespmem:v48+s4+$0x0], $0xffff  }
0x2ab: {  	v55 =	vadd.s32 $0x17, v28;
	v28 =	vmul.u32 $0x18, v49;
	[tilespmem:s29+$0x99D0] =	vst v2;
	v2 =	vld.idx.msk [tilespmem:v50+s4+$0x0], $0xffff  }
0x2ac: {  	[tilespmem:s29+$0x9A50] =	vst v4;
	v4 =	vld.idx.msk [tilespmem:v52+s4+$0x0], $0xffff  }
0x2ad: {  	[tilespmem:s29+$0x9AD0] =	vst v6;
	v56 =	vor.u32 $0x1, v28;
	v6 =	vld.idx.msk [tilespmem:v53+s4+$0x0], $0xffff  }
0x2ae: {  	v57 =	vor.u32 $0x2, v28;
	[tilespmem:s29+$0x9B50] =	vst v7;
	v7 =	vld.idx.msk [tilespmem:v54+s4+$0x0], $0xffff  }
0x2af: {  	v58 =	vor.u32 $0x3, v28;
	[tilespmem:s29+$0x9BD0] =	vst v8;
	v21 =	vld.idx.msk [tilespmem:v43+s4+$0x0], $0xffff  }
0x2b0: {  	v59 =	vor.u32 $0x4, v28;
	v1 =	vld.idx.msk [tilespmem:v55+s4+$0x0], $0xffff;
	[tilespmem:s29+$0x1860] =	vst v3  }
0x2b1: {  	v60 =	vor.u32 $0x5, v28;
	[tilespmem:s29+$0x18E0] =	vst v11;
	v3 =	vld.idx.msk [tilespmem:v28+s4+$0x0], $0xffff  }
0x2b2: {  	v61 =	vor.u32 $0x6, v28;
	[tilespmem:s29+$0x1960] =	vst v12;
	v11 =	vld.idx.msk [tilespmem:v56+s4+$0x0], $0xffff  }
0x2b3: {  	v62 =	vor.u32 $0x7, v28;
	[tilespmem:s29+$0x19E0] =	vst v13;
	v12 =	vld.idx.msk [tilespmem:v57+s4+$0x0], $0xffff  }
0x2b4: {  	v63 =	vadd.s32 $0x8, v28;
	[tilespmem:s29+$0x1A60] =	vst v9;
	v13 =	vld.idx.msk [tilespmem:v58+s4+$0x0], $0xffff  }
0x2b5: {  	v32 =	vadd.s32 $0x9, v28;
	[tilespmem:s29+$0x1AE0] =	vst v33;
	v8 =	vld.idx.msk [tilespmem:v59+s4+$0x0], $0xffff  }
0x2b6: {  	v34 =	vadd.s32 $0xA, v28;
	[tilespmem:s29+$0x1B60] =	vst v35;
	v33 =	vld.idx.msk [tilespmem:v60+s4+$0x0], $0xffff  }
0x2b7: {  	v36 =	vadd.s32 $0xB, v28;
	[tilespmem:s29+$0x1BE0] =	vst v37;
	v35 =	vld.idx.msk [tilespmem:v61+s4+$0x0], $0xffff  }
0x2b8: {  	v38 =	vadd.s32 $0xC, v28;
	[tilespmem:s29+$0x5860] =	vst v39;
	v37 =	vld.idx.msk [tilespmem:v62+s4+$0x0], $0xffff  }
0x2b9: {  	v40 =	vadd.s32 $0xD, v28;
	[tilespmem:s29+$0x58E0] =	vst v41;
	v39 =	vld.idx.msk [tilespmem:v63+s4+$0x0], $0xffff  }
0x2ba: {  	v45 =	vadd.s32 $0x10, v28;
	[tilespmem:s29+$0x5960] =	vst v42;
	v9 =	vld.idx.msk [tilespmem:v32+s4+$0x0], $0xffff  }
0x2bb: {  	v47 =	vadd.s32 $0x11, v28;
	[tilespmem:s29+$0x59E0] =	vst v44;
	v42 =	vld.idx.msk [tilespmem:v34+s4+$0x0], $0xffff  }
0x2bc: {  	v49 =	vadd.s32 $0x12, v28;
	[tilespmem:s29+$0x5A60] =	vst v20;
	v44 =	vld.idx.msk [tilespmem:v36+s4+$0x0], $0xffff  }
0x2bd: {  	v50 =	vadd.s32 $0x13, v28;
	[tilespmem:s29+$0x5AE0] =	vst v23;
	v46 =	vld.idx.msk [tilespmem:v38+s4+$0x0], $0xffff  }
0x2be: {  	v52 =	vadd.s32 $0x14, v28;
	[tilespmem:s29+$0x5BE0] =	vst v51;
	v48 =	vld.idx.msk [tilespmem:v40+s4+$0x0], $0xffff  }
0x2bf: {  	v54 =	vadd.s32 $0x15, v28;
	[tilespmem:s29+$0x9860] =	vst v19;
	v53 =	vld.idx.msk [tilespmem:v45+s4+$0x0], $0xffff  }
0x2c0: {  	v41 =	vadd.s32 $0xE, v28;
	[tilespmem:s29+$0x98E0] =	vst v5;
	v55 =	vld.idx.msk [tilespmem:v47+s4+$0x0], $0xffff  }
0x2c1: {  	v43 =	vadd.s32 $0xF, v28;
	[tilespmem:s29+$0x9960] =	vst v0;
	v57 =	vld.idx.msk [tilespmem:v49+s4+$0x0], $0xffff  }
0x2c2: {  	[tilespmem:s29+$0x99E0] =	vst v2;
	v56 =	vadd.s32 $0x16, v28;
	v59 =	vld.idx.msk [tilespmem:v50+s4+$0x0], $0xffff  }
0x2c3: {  	[tilespmem:s29+$0x9A60] =	vst v4;
	v58 =	vadd.s32 $0x17, v28;
	v60 =	vld.idx.msk [tilespmem:v52+s4+$0x0], $0xffff  }
0x2c4: {  	[tilespmem:s29+$0x9AE0] =	vst v6;
	v61 =	vld.idx.msk [tilespmem:v54+s4+$0x0], $0xffff  }
0x2c5: {  	[tilespmem:s29+$0x9B60] =	vst v7;
	v14 =	vld.idx.msk [tilespmem:v41+s4+$0x0], $0xffff  }
0x2c6: {  	[tilespmem:s29+$0x5B60] =	vst v21;
	v51 =	vld.idx.msk [tilespmem:v43+s4+$0x0], $0xffff  }
0x2c7: {  	[tilespmem:s29+$0x9BE0] =	vst v1;
	v62 =	vld.idx.msk [tilespmem:v56+s4+$0x0], $0xffff  }
0x2c8: {  	v63 =	vld.idx.msk [tilespmem:v58+s4+$0x0], $0xffff;
	[tilespmem:s29+$0x1870] =	vst v3  }
0x2c9: {  	[tilespmem:s29+$0x18F0] =	vst v11  }
0x2ca: {  	[tilespmem:s29+$0x1970] =	vst v12  }
0x2cb: {  	[tilespmem:s29+$0x19F0] =	vst v13  }
0x2cc: {  	[tilespmem:s29+$0x1A70] =	vst v8  }
0x2cd: {  	[tilespmem:s29+$0x1AF0] =	vst v33  }
0x2ce: {  	[tilespmem:s29+$0x1B70] =	vst v35  }
0x2cf: {  	[tilespmem:s29+$0x1BF0] =	vst v37  }
0x2d0: {  	[tilespmem:s29+$0x5870] =	vst v39  }
0x2d1: {  	[tilespmem:s29+$0x58F0] =	vst v9  }
0x2d2: {  	[tilespmem:s29+$0x5970] =	vst v42  }
0x2d3: {  	[tilespmem:s29+$0x59F0] =	vst v44  }
0x2d4: {  	[tilespmem:s29+$0x5A70] =	vst v46  }
0x2d5: {  	[tilespmem:s29+$0x5AF0] =	vst v48  }
0x2d6: {  	[tilespmem:s29+$0x9870] =	vst v53  }
0x2d7: {  	[tilespmem:s29+$0x98F0] =	vst v55  }
0x2d8: {  	[tilespmem:s29+$0x9970] =	vst v57  }
0x2d9: {  	[tilespmem:s29+$0x99F0] =	vst v59  }
0x2da: {  	p0 =	slt.u32 s28, $0x78;
	[tilespmem:s29+$0x9A70] =	vst v60  }
.Ltmp4:
0x2db: {  	[tilespmem:s29+$0x9AF0] =	vst v61;
	(pc) =	sbr.rel @p0 .LBB2_7-.Ltmp4, $4  }
0x2dc: {  	[tilespmem:s29+$0x5B70] =	vst v14  }
0x2dd: {  	[tilespmem:s29+$0x5BF0] =	vst v51  }
0x2de: {  	s31 =	sadd.s32 $0x8, s28;
	[tilespmem:s29+$0x9B70] =	vst v62  }
0x2df: {  	s28 =	smov.u32 s31;
	[tilespmem:s29+$0x9BF0] =	vst v63  }
0x2e0: {  	s28 =	sshll.u32 s26, $0xC;
	p0 =	seq.s32 s26, $0x7  }
0x2e1: {  	s29 =	sadd.s32 s28, s7;
	s0 =	sadd.s32 @!p0 s28, s11  }
0x2e2: {  	[hbm4b:s29+s18] =	stream.strided.scatter [tilespmem:s20], [sflag:$0x3], $0xC000, s19, s18, $0x38;
	[tilespmem:$0x19800] =	vst v63  }
0x2e3: {  	s0 =	sshrl.u32 @!p0 s0, $0x3  }
0x2e4: {  	s30 =	simm.s32 @!p0 $0x0;
	s31 =	simm.s32 @!p0 $0x800;
	s0 =	sadd.s32 @!p0 s1, s0  }
0x2e5: {  	[tilespmem:s31], [sflag:$0x1] =	stream.linear.gather @!p0 [hbm4b:s0+s30], $0x800, $0x38;
	[tilespmem:$0x19800] =	vst v63  }
0x2e6: {  	_ =	swait.ge [sflag:s21], $0x800  }
0x2e7: {  	[sflag:s21] =	ssyncset.done $0x0  }
0x2e8: {  	[sflag:s21] =	ssyncadd.s32 $0xFFFFF800  }
0x2e9: {  	_ =	swait.ge [sflag:s24], $0xC000  }
0x2ea: {  	[sflag:s24] =	ssyncset.done $0x0  }
0x2eb: {  	s30 =	simm.s32 $0x0;
	[sflag:s24] =	ssyncadd.s32 $0xFFFF4000  }
.LBB2_9:
0x2ec: {  	s0 =	sshll.u32 s30, $0x4  }
0x2ed: {  	s0 =	sand.u32 $0x3FFFFFF0, s0  }
0x2ee: {  	v0 =	vld [tilespmem:s0+$0x1000]  }
0x2ef: {  	v20 =	vld [tilespmem:s0+$0x1010];
	_ =	sdelay $0x3  }
0x2f0: {  	v0 =	vmul.u32 $0x18, v0  }
0x2f1: {  	v20 =	vmul.u32 $0x18, v20;
	_ =	sdelay $0x1  }
0x2f2: {  	v1 =	vor.u32 $0x1, v0  }
0x2f3: {  	v2 =	vor.u32 $0x2, v0  }
0x2f4: {  	v55 =	vld [tilespmem:s0+$0x1020];
	v3 =	vor.u32 $0x3, v0  }
0x2f5: {  	v4 =	vor.u32 $0x4, v0;
	v5 =	vld.idx.msk [tilespmem:v0+s4+$0x0], $0xffff  }
0x2f6: {  	v6 =	vor.u32 $0x5, v0;
	v29 =	vld.idx.msk [tilespmem:v20+s4+$0x0], $0xffff  }
0x2f7: {  	v7 =	vor.u32 $0x6, v0;
	v1 =	vld.idx.msk [tilespmem:v1+s4+$0x0], $0xffff  }
0x2f8: {  	v8 =	vor.u32 $0x7, v0;
	v2 =	vld.idx.msk [tilespmem:v2+s4+$0x0], $0xffff  }
0x2f9: {  	v9 =	vadd.s32 $0x8, v0;
	v3 =	vld.idx.msk [tilespmem:v3+s4+$0x0], $0xffff  }
0x2fa: {  	v10 =	vadd.s32 $0x9, v0;
	v4 =	vld.idx.msk [tilespmem:v4+s4+$0x0], $0xffff  }
0x2fb: {  	v11 =	vadd.s32 $0xA, v0;
	v6 =	vld.idx.msk [tilespmem:v6+s4+$0x0], $0xffff  }
0x2fc: {  	v12 =	vadd.s32 $0xB, v0;
	v7 =	vld.idx.msk [tilespmem:v7+s4+$0x0], $0xffff  }
0x2fd: {  	v13 =	vadd.s32 $0xC, v0;
	v8 =	vld.idx.msk [tilespmem:v8+s4+$0x0], $0xffff  }
0x2fe: {  	v14 =	vadd.s32 $0xD, v0;
	v9 =	vld.idx.msk [tilespmem:v9+s4+$0x0], $0xffff  }
0x2ff: {  	v15 =	vadd.s32 $0xE, v0;
	v10 =	vld.idx.msk [tilespmem:v10+s4+$0x0], $0xffff  }
0x300: {  	v16 =	vadd.s32 $0xF, v0;
	v11 =	vld.idx.msk [tilespmem:v11+s4+$0x0], $0xffff  }
0x301: {  	v17 =	vadd.s32 $0x10, v0;
	v12 =	vld.idx.msk [tilespmem:v12+s4+$0x0], $0xffff  }
0x302: {  	v18 =	vadd.s32 $0x11, v0;
	v13 =	vld.idx.msk [tilespmem:v13+s4+$0x0], $0xffff  }
0x303: {  	v19 =	vadd.s32 $0x12, v0;
	v14 =	vld.idx.msk [tilespmem:v14+s4+$0x0], $0xffff  }
0x304: {  	v21 =	vadd.s32 $0x13, v0;
	v15 =	vld.idx.msk [tilespmem:v15+s4+$0x0], $0xffff  }
0x305: {  	v22 =	vadd.s32 $0x14, v0;
	v16 =	vld.idx.msk [tilespmem:v16+s4+$0x0], $0xffff  }
0x306: {  	v23 =	vadd.s32 $0x15, v0;
	v17 =	vld.idx.msk [tilespmem:v17+s4+$0x0], $0xffff  }
0x307: {  	v24 =	vadd.s32 $0x16, v0;
	v18 =	vld.idx.msk [tilespmem:v18+s4+$0x0], $0xffff  }
0x308: {  	v25 =	vor.u32 $0x1, v20;
	v19 =	vld.idx.msk [tilespmem:v19+s4+$0x0], $0xffff  }
0x309: {  	v26 =	vor.u32 $0x2, v20;
	v21 =	vld.idx.msk [tilespmem:v21+s4+$0x0], $0xffff  }
0x30a: {  	v27 =	vor.u32 $0x3, v20;
	v22 =	vld.idx.msk [tilespmem:v22+s4+$0x0], $0xffff  }
0x30b: {  	v28 =	vor.u32 $0x4, v20;
	v23 =	vld.idx.msk [tilespmem:v23+s4+$0x0], $0xffff  }
0x30c: {  	v0 =	vadd.s32 $0x17, v0;
	v24 =	vld.idx.msk [tilespmem:v24+s4+$0x0], $0xffff  }
0x30d: {  	v30 =	vor.u32 $0x5, v20;
	v25 =	vld.idx.msk [tilespmem:v25+s4+$0x0], $0xffff  }
0x30e: {  	v31 =	vor.u32 $0x6, v20;
	v26 =	vld.idx.msk [tilespmem:v26+s4+$0x0], $0xffff  }
0x30f: {  	s31 =	sshll.u32 s30, $0x7;
	v32 =	vor.u32 $0x7, v20;
	v27 =	vld.idx.msk [tilespmem:v27+s4+$0x0], $0xffff  }
0x310: {  	s31 =	sand.u32 $0x3FFFFF80, s31;
	v33 =	vadd.s32 $0x8, v20;
	v28 =	vld.idx.msk [tilespmem:v28+s4+$0x0], $0xffff  }
0x311: {  	v34 =	vadd.s32 $0x9, v20;
	v0 =	vld.idx.msk [tilespmem:v0+s4+$0x0], $0xffff;
	[tilespmem:s31+$0xD800] =	vst v5  }
0x312: {  	v35 =	vadd.s32 $0xA, v20;
	v30 =	vld.idx.msk [tilespmem:v30+s4+$0x0], $0xffff;
	[tilespmem:s31+$0xD880] =	vst v1  }
0x313: {  	v47 =	vadd.s32 $0xB, v20;
	v5 =	vld.idx.msk [tilespmem:v31+s4+$0x0], $0xffff;
	[tilespmem:s31+$0xD900] =	vst v2  }
0x314: {  	v48 =	vadd.s32 $0xC, v20;
	v1 =	vld.idx.msk [tilespmem:v32+s4+$0x0], $0xffff;
	[tilespmem:s31+$0xD980] =	vst v3  }
0x315: {  	v49 =	vadd.s32 $0xD, v20;
	v2 =	vld.idx.msk [tilespmem:v33+s4+$0x0], $0xffff;
	[tilespmem:s31+$0xDA00] =	vst v4  }
0x316: {  	v50 =	vadd.s32 $0xE, v20;
	v3 =	vld.idx.msk [tilespmem:v34+s4+$0x0], $0xffff;
	[tilespmem:s31+$0xDA80] =	vst v6  }
0x317: {  	v51 =	vadd.s32 $0xF, v20;
	v4 =	vld.idx.msk [tilespmem:v35+s4+$0x0], $0xffff;
	[tilespmem:s31+$0xDB00] =	vst v7  }
0x318: {  	v52 =	vadd.s32 $0x10, v20;
	v6 =	vld.idx.msk [tilespmem:v47+s4+$0x0], $0xffff;
	[tilespmem:s31+$0xDB80] =	vst v8  }
0x319: {  	v53 =	vadd.s32 $0x11, v20;
	v7 =	vld.idx.msk [tilespmem:v48+s4+$0x0], $0xffff;
	[tilespmem:s31+$0x11800] =	vst v9  }
0x31a: {  	v54 =	vadd.s32 $0x12, v20;
	v8 =	vld.idx.msk [tilespmem:v49+s4+$0x0], $0xffff;
	[tilespmem:s31+$0x11880] =	vst v10  }
0x31b: {  	v56 =	vadd.s32 $0x13, v20;
	v10 =	vld.idx.msk [tilespmem:v50+s4+$0x0], $0xffff;
	[tilespmem:s31+$0x11900] =	vst v11  }
0x31c: {  	v57 =	vadd.s32 $0x14, v20;
	v11 =	vld.idx.msk [tilespmem:v51+s4+$0x0], $0xffff;
	[tilespmem:s31+$0x11980] =	vst v12  }
0x31d: {  	v58 =	vadd.s32 $0x15, v20;
	v12 =	vld.idx.msk [tilespmem:v52+s4+$0x0], $0xffff;
	[tilespmem:s31+$0x11A00] =	vst v13  }
0x31e: {  	v59 =	vadd.s32 $0x16, v20;
	v13 =	vld.idx.msk [tilespmem:v53+s4+$0x0], $0xffff;
	[tilespmem:s31+$0x11A80] =	vst v14  }
0x31f: {  	v61 =	vmul.u32 $0x18, v55;
	v60 =	vadd.s32 $0x17, v20;
	v9 =	vld.idx.msk [tilespmem:v54+s4+$0x0], $0xffff;
	[tilespmem:s31+$0x11B00] =	vst v15  }
0x320: {  	v15 =	vld.idx.msk [tilespmem:v56+s4+$0x0], $0xffff;
	[tilespmem:s31+$0x11B80] =	vst v16  }
0x321: {  	v62 =	vor.u32 $0x1, v61;
	v16 =	vld.idx.msk [tilespmem:v57+s4+$0x0], $0xffff;
	[tilespmem:s31+$0x15800] =	vst v17  }
0x322: {  	v63 =	vor.u32 $0x2, v61;
	v17 =	vld.idx.msk [tilespmem:v58+s4+$0x0], $0xffff;
	[tilespmem:s31+$0x15880] =	vst v18  }
0x323: {  	v36 =	vor.u32 $0x3, v61;
	v18 =	vld.idx.msk [tilespmem:v59+s4+$0x0], $0xffff;
	[tilespmem:s31+$0x15900] =	vst v19  }
0x324: {  	v38 =	vor.u32 $0x5, v61;
	v14 =	vld.idx.msk [tilespmem:v60+s4+$0x0], $0xffff;
	[tilespmem:s31+$0x15980] =	vst v21  }
0x325: {  	v39 =	vor.u32 $0x6, v61;
	v21 =	vld.idx.msk [tilespmem:v61+s4+$0x0], $0xffff;
	[tilespmem:s31+$0x15A00] =	vst v22  }
0x326: {  	v40 =	vor.u32 $0x7, v61;
	v22 =	vld.idx.msk [tilespmem:v62+s4+$0x0], $0xffff;
	[tilespmem:s31+$0x15A80] =	vst v23  }
0x327: {  	v41 =	vadd.s32 $0x8, v61;
	v23 =	vld.idx.msk [tilespmem:v63+s4+$0x0], $0xffff;
	[tilespmem:s31+$0x15B00] =	vst v24  }
0x328: {  	v42 =	vadd.s32 $0x9, v61;
	v24 =	vld.idx.msk [tilespmem:v36+s4+$0x0], $0xffff;
	[tilespmem:s31+$0xD810] =	vst v29  }
0x329: {  	v43 =	vadd.s32 $0xA, v61;
	v29 =	vld.idx.msk [tilespmem:v38+s4+$0x0], $0xffff;
	[tilespmem:s31+$0xD890] =	vst v25  }
0x32a: {  	v25 =	vld.idx.msk [tilespmem:v39+s4+$0x0], $0xffff;
	[tilespmem:s31+$0xD910] =	vst v26  }
0x32b: {  	v37 =	vor.u32 $0x4, v61;
	v26 =	vld.idx.msk [tilespmem:v40+s4+$0x0], $0xffff;
	[tilespmem:s31+$0xD990] =	vst v27  }
0x32c: {  	v44 =	vadd.s32 $0xB, v61;
	v27 =	vld.idx.msk [tilespmem:v41+s4+$0x0], $0xffff;
	[tilespmem:s31+$0xDA10] =	vst v28  }
0x32d: {  	v45 =	vadd.s32 $0xC, v61;
	v19 =	vld.idx.msk [tilespmem:v42+s4+$0x0], $0xffff;
	[tilespmem:s31+$0xDA90] =	vst v30  }
0x32e: {  	v46 =	vadd.s32 $0xD, v61;
	v28 =	vld.idx.msk [tilespmem:v43+s4+$0x0], $0xffff;
	[tilespmem:s31+$0x15B80] =	vst v0  }
0x32f: {  	v47 =	vadd.s32 $0xE, v61;
	v52 =	vld [tilespmem:s0+$0x1030];
	[tilespmem:s31+$0xDB10] =	vst v5  }
0x330: {  	v48 =	vadd.s32 $0xF, v61;
	v0 =	vld.idx.msk [tilespmem:v37+s4+$0x0], $0xffff;
	[tilespmem:s31+$0xDB90] =	vst v1  }
0x331: {  	v49 =	vadd.s32 $0x10, v61;
	v5 =	vld.idx.msk [tilespmem:v44+s4+$0x0], $0xffff;
	[tilespmem:s31+$0x11810] =	vst v2  }
0x332: {  	v50 =	vadd.s32 $0x11, v61;
	v1 =	vld.idx.msk [tilespmem:v45+s4+$0x0], $0xffff;
	[tilespmem:s31+$0x11890] =	vst v3  }
0x333: {  	v51 =	vadd.s32 $0x12, v61;
	v2 =	vld.idx.msk [tilespmem:v46+s4+$0x0], $0xffff;
	[tilespmem:s31+$0x11910] =	vst v4  }
0x334: {  	v53 =	vadd.s32 $0x13, v61;
	v4 =	vld.idx.msk [tilespmem:v47+s4+$0x0], $0xffff;
	[tilespmem:s31+$0x11990] =	vst v6  }
0x335: {  	v54 =	vadd.s32 $0x14, v61;
	v6 =	vld.idx.msk [tilespmem:v48+s4+$0x0], $0xffff;
	[tilespmem:s31+$0x11A10] =	vst v7  }
0x336: {  	v55 =	vadd.s32 $0x15, v61;
	v7 =	vld.idx.msk [tilespmem:v49+s4+$0x0], $0xffff;
	[tilespmem:s31+$0x11A90] =	vst v8  }
0x337: {  	v56 =	vadd.s32 $0x16, v61;
	v8 =	vld.idx.msk [tilespmem:v50+s4+$0x0], $0xffff;
	[tilespmem:s31+$0x11B10] =	vst v10  }
0x338: {  	v57 =	vadd.s32 $0x17, v61;
	v3 =	vld.idx.msk [tilespmem:v51+s4+$0x0], $0xffff;
	[tilespmem:s31+$0x11B90] =	vst v11  }
0x339: {  	v58 =	vmul.u32 $0x18, v52;
	v59 =	vld.idx.msk [tilespmem:v53+s4+$0x0], $0xffff;
	[tilespmem:s31+$0x15810] =	vst v12  }
0x33a: {  	v12 =	vld.idx.msk [tilespmem:v54+s4+$0x0], $0xffff;
	[tilespmem:s31+$0x15890] =	vst v13  }
0x33b: {  	v13 =	vld.idx.msk [tilespmem:v55+s4+$0x0], $0xffff;
	[tilespmem:s31+$0x15910] =	vst v9;
	v60 =	vor.u32 $0x1, v58  }
0x33c: {  	v9 =	vld.idx.msk [tilespmem:v56+s4+$0x0], $0xffff;
	[tilespmem:s31+$0x15990] =	vst v15;
	v61 =	vor.u32 $0x2, v58  }
0x33d: {  	v10 =	vld.idx.msk [tilespmem:v57+s4+$0x0], $0xffff;
	[tilespmem:s31+$0x15A10] =	vst v16;
	v62 =	vor.u32 $0x3, v58  }
0x33e: {  	[tilespmem:s31+$0x15A90] =	vst v17;
	v50 =	vld [tilespmem:s0+$0x1040];
	v63 =	vor.u32 $0x4, v58  }
0x33f: {  	[tilespmem:s31+$0x15B10] =	vst v18;
	v36 =	vor.u32 $0x5, v58;
	v16 =	vld.idx.msk [tilespmem:v58+s4+$0x0], $0xffff  }
0x340: {  	[tilespmem:s31+$0x15B90] =	vst v14;
	v37 =	vor.u32 $0x6, v58;
	v17 =	vld.idx.msk [tilespmem:v60+s4+$0x0], $0xffff  }
0x341: {  	[tilespmem:s31+$0xD820] =	vst v21;
	v38 =	vor.u32 $0x7, v58;
	v18 =	vld.idx.msk [tilespmem:v61+s4+$0x0], $0xffff  }
0x342: {  	[tilespmem:s31+$0xD8A0] =	vst v22;
	v39 =	vadd.s32 $0x8, v58;
	v14 =	vld.idx.msk [tilespmem:v62+s4+$0x0], $0xffff  }
0x343: {  	[tilespmem:s31+$0xD920] =	vst v23;
	v40 =	vadd.s32 $0x9, v58;
	v15 =	vld.idx.msk [tilespmem:v63+s4+$0x0], $0xffff  }
0x344: {  	[tilespmem:s31+$0xD9A0] =	vst v24;
	v41 =	vadd.s32 $0xA, v58;
	v22 =	vld.idx.msk [tilespmem:v36+s4+$0x0], $0xffff  }
0x345: {  	[tilespmem:s31+$0xDAA0] =	vst v29;
	v42 =	vadd.s32 $0xB, v58;
	v23 =	vld.idx.msk [tilespmem:v37+s4+$0x0], $0xffff  }
0x346: {  	[tilespmem:s31+$0xDB20] =	vst v25;
	v43 =	vadd.s32 $0xC, v58;
	v24 =	vld.idx.msk [tilespmem:v38+s4+$0x0], $0xffff  }
0x347: {  	v44 =	vadd.s32 $0xD, v58;
	[tilespmem:s31+$0xDA20] =	vst v0;
	v0 =	vld.idx.msk [tilespmem:v39+s4+$0x0], $0xffff  }
0x348: {  	[tilespmem:s31+$0xDBA0] =	vst v26;
	v45 =	vadd.s32 $0xE, v58;
	v21 =	vld.idx.msk [tilespmem:v40+s4+$0x0], $0xffff  }
0x349: {  	[tilespmem:s31+$0x11820] =	vst v27;
	v46 =	vadd.s32 $0xF, v58;
	v25 =	vld.idx.msk [tilespmem:v41+s4+$0x0], $0xffff  }
0x34a: {  	[tilespmem:s31+$0x118A0] =	vst v19;
	v47 =	vadd.s32 $0x10, v58;
	v26 =	vld.idx.msk [tilespmem:v42+s4+$0x0], $0xffff  }
0x34b: {  	[tilespmem:s31+$0x11920] =	vst v28;
	v48 =	vadd.s32 $0x11, v58;
	v27 =	vld.idx.msk [tilespmem:v43+s4+$0x0], $0xffff  }
0x34c: {  	v49 =	vadd.s32 $0x12, v58;
	[tilespmem:s31+$0x119A0] =	vst v5;
	v19 =	vld.idx.msk [tilespmem:v44+s4+$0x0], $0xffff  }
0x34d: {  	v51 =	vadd.s32 $0x13, v58;
	[tilespmem:s31+$0x11A20] =	vst v1;
	v5 =	vld.idx.msk [tilespmem:v45+s4+$0x0], $0xffff  }
0x34e: {  	v52 =	vadd.s32 $0x14, v58;
	[tilespmem:s31+$0x11AA0] =	vst v2;
	v1 =	vld.idx.msk [tilespmem:v46+s4+$0x0], $0xffff  }
0x34f: {  	v54 =	vadd.s32 $0x15, v58;
	[tilespmem:s31+$0x11B20] =	vst v4;
	v53 =	vld.idx.msk [tilespmem:v47+s4+$0x0], $0xffff  }
0x350: {  	v55 =	vadd.s32 $0x16, v58;
	[tilespmem:s31+$0x11BA0] =	vst v6;
	v4 =	vld.idx.msk [tilespmem:v48+s4+$0x0], $0xffff  }
0x351: {  	v20 =	vadd.s32 $0x17, v58;
	[tilespmem:s31+$0x15820] =	vst v7;
	v6 =	vld.idx.msk [tilespmem:v49+s4+$0x0], $0xffff  }
0x352: {  	v56 =	vmul.u32 $0x18, v50;
	[tilespmem:s31+$0x158A0] =	vst v8;
	v7 =	vld.idx.msk [tilespmem:v51+s4+$0x0], $0xffff  }
0x353: {  	[tilespmem:s31+$0x15920] =	vst v3;
	v8 =	vld.idx.msk [tilespmem:v52+s4+$0x0], $0xffff  }
0x354: {  	[tilespmem:s31+$0x159A0] =	vst v59;
	v57 =	vor.u32 $0x1, v56;
	v3 =	vld.idx.msk [tilespmem:v54+s4+$0x0], $0xffff  }
0x355: {  	[tilespmem:s31+$0x15A20] =	vst v12;
	v58 =	vor.u32 $0x2, v56;
	v11 =	vld.idx.msk [tilespmem:v55+s4+$0x0], $0xffff  }
0x356: {  	[tilespmem:s31+$0x15AA0] =	vst v13;
	v59 =	vor.u32 $0x3, v56;
	v12 =	vld.idx.msk [tilespmem:v20+s4+$0x0], $0xffff  }
0x357: {  	[tilespmem:s31+$0x15B20] =	vst v9;
	v60 =	vor.u32 $0x4, v56;
	v48 =	vld [tilespmem:s0+$0x1050]  }
0x358: {  	[tilespmem:s31+$0x15BA0] =	vst v10;
	v61 =	vor.u32 $0x5, v56;
	v13 =	vld.idx.msk [tilespmem:v56+s4+$0x0], $0xffff  }
0x359: {  	v62 =	vor.u32 $0x6, v56;
	[tilespmem:s31+$0xD830] =	vst v16;
	v9 =	vld.idx.msk [tilespmem:v57+s4+$0x0], $0xffff  }
0x35a: {  	v63 =	vor.u32 $0x7, v56;
	v10 =	vld.idx.msk [tilespmem:v58+s4+$0x0], $0xffff;
	[tilespmem:s31+$0xD8B0] =	vst v17  }
0x35b: {  	v36 =	vadd.s32 $0x8, v56;
	v16 =	vld.idx.msk [tilespmem:v59+s4+$0x0], $0xffff;
	[tilespmem:s31+$0xD930] =	vst v18  }
0x35c: {  	v38 =	vadd.s32 $0x9, v56;
	v37 =	vld.idx.msk [tilespmem:v60+s4+$0x0], $0xffff;
	[tilespmem:s31+$0xD9B0] =	vst v14  }
0x35d: {  	v39 =	vadd.s32 $0xA, v56;
	v18 =	vld.idx.msk [tilespmem:v61+s4+$0x0], $0xffff;
	[tilespmem:s31+$0xDA30] =	vst v15  }
0x35e: {  	v40 =	vadd.s32 $0xB, v56;
	v14 =	vld.idx.msk [tilespmem:v62+s4+$0x0], $0xffff;
	[tilespmem:s31+$0xDAB0] =	vst v22  }
0x35f: {  	v41 =	vadd.s32 $0xC, v56;
	v15 =	vld.idx.msk [tilespmem:v63+s4+$0x0], $0xffff;
	[tilespmem:s31+$0xDB30] =	vst v23  }
0x360: {  	v42 =	vadd.s32 $0xD, v56;
	v22 =	vld.idx.msk [tilespmem:v36+s4+$0x0], $0xffff;
	[tilespmem:s31+$0xDBB0] =	vst v24  }
0x361: {  	v43 =	vadd.s32 $0xE, v56;
	v20 =	vld.idx.msk [tilespmem:v38+s4+$0x0], $0xffff;
	[tilespmem:s31+$0x11830] =	vst v0  }
0x362: {  	v44 =	vadd.s32 $0xF, v56;
	v23 =	vld.idx.msk [tilespmem:v39+s4+$0x0], $0xffff;
	[tilespmem:s31+$0x118B0] =	vst v21  }
0x363: {  	v45 =	vadd.s32 $0x10, v56;
	v0 =	vld.idx.msk [tilespmem:v40+s4+$0x0], $0xffff;
	[tilespmem:s31+$0x11930] =	vst v25  }
0x364: {  	v46 =	vadd.s32 $0x11, v56;
	v21 =	vld.idx.msk [tilespmem:v41+s4+$0x0], $0xffff;
	[tilespmem:s31+$0x119B0] =	vst v26  }
0x365: {  	v47 =	vadd.s32 $0x12, v56;
	v25 =	vld.idx.msk [tilespmem:v42+s4+$0x0], $0xffff;
	[tilespmem:s31+$0x11A30] =	vst v27  }
0x366: {  	v49 =	vadd.s32 $0x13, v56;
	v24 =	vld.idx.msk [tilespmem:v43+s4+$0x0], $0xffff;
	[tilespmem:s31+$0x11AB0] =	vst v19  }
0x367: {  	v19 =	vld.idx.msk [tilespmem:v44+s4+$0x0], $0xffff;
	[tilespmem:s31+$0x11B30] =	vst v5  }
0x368: {  	v50 =	vadd.s32 $0x14, v56;
	v5 =	vld.idx.msk [tilespmem:v45+s4+$0x0], $0xffff;
	[tilespmem:s31+$0x11BB0] =	vst v1  }
0x369: {  	v51 =	vadd.s32 $0x15, v56;
	v1 =	vld.idx.msk [tilespmem:v46+s4+$0x0], $0xffff;
	[tilespmem:s31+$0x15830] =	vst v53  }
0x36a: {  	v52 =	vadd.s32 $0x16, v56;
	v2 =	vld.idx.msk [tilespmem:v47+s4+$0x0], $0xffff;
	[tilespmem:s31+$0x158B0] =	vst v4  }
0x36b: {  	v53 =	vadd.s32 $0x17, v56;
	v55 =	vld.idx.msk [tilespmem:v49+s4+$0x0], $0xffff;
	[tilespmem:s31+$0x15930] =	vst v6  }
0x36c: {  	v54 =	vmul.u32 $0x18, v48;
	[tilespmem:s31+$0x159B0] =	vst v7;
	v49 =	vld [tilespmem:s0+$0x1060]  }
0x36d: {  	v6 =	vld.idx.msk [tilespmem:v50+s4+$0x0], $0xffff;
	[tilespmem:s31+$0x15A30] =	vst v8  }
0x36e: {  	v7 =	vld.idx.msk [tilespmem:v51+s4+$0x0], $0xffff;
	[tilespmem:s31+$0x15AB0] =	vst v3;
	v56 =	vor.u32 $0x1, v54  }
0x36f: {  	v8 =	vld.idx.msk [tilespmem:v52+s4+$0x0], $0xffff;
	[tilespmem:s31+$0x15B30] =	vst v11;
	v57 =	vor.u32 $0x2, v54  }
0x370: {  	[tilespmem:s31+$0x15BB0] =	vst v12;
	v58 =	vor.u32 $0x3, v54;
	v3 =	vld.idx.msk [tilespmem:v53+s4+$0x0], $0xffff  }
0x371: {  	v59 =	vor.u32 $0x4, v54;
	[tilespmem:s31+$0xD840] =	vst v13;
	v28 =	vmul.u32 $0x18, v49;
	v49 =	vld [tilespmem:s0+$0x1070]  }
0x372: {  	v60 =	vor.u32 $0x5, v54;
	[tilespmem:s31+$0xD8C0] =	vst v9;
	v11 =	vld.idx.msk [tilespmem:v54+s4+$0x0], $0xffff  }
0x373: {  	v61 =	vor.u32 $0x6, v54;
	[tilespmem:s31+$0xD940] =	vst v10;
	v12 =	vld.idx.msk [tilespmem:v56+s4+$0x0], $0xffff  }
0x374: {  	v62 =	vor.u32 $0x7, v54;
	[tilespmem:s31+$0xD9C0] =	vst v16;
	v13 =	vld.idx.msk [tilespmem:v57+s4+$0x0], $0xffff  }
0x375: {  	v63 =	vadd.s32 $0x8, v54;
	[tilespmem:s31+$0xDA40] =	vst v37;
	v9 =	vld.idx.msk [tilespmem:v58+s4+$0x0], $0xffff  }
0x376: {  	v34 =	vadd.s32 $0x9, v54;
	[tilespmem:s31+$0xDAC0] =	vst v18;
	v33 =	vld.idx.msk [tilespmem:v59+s4+$0x0], $0xffff  }
0x377: {  	v36 =	vadd.s32 $0xA, v54;
	[tilespmem:s31+$0xDB40] =	vst v14;
	v35 =	vld.idx.msk [tilespmem:v60+s4+$0x0], $0xffff  }
0x378: {  	v38 =	vadd.s32 $0xB, v54;
	[tilespmem:s31+$0xDBC0] =	vst v15;
	v37 =	vld.idx.msk [tilespmem:v61+s4+$0x0], $0xffff  }
0x379: {  	v40 =	vadd.s32 $0xC, v54;
	[tilespmem:s31+$0x11840] =	vst v22;
	v39 =	vld.idx.msk [tilespmem:v62+s4+$0x0], $0xffff  }
0x37a: {  	v42 =	vadd.s32 $0xD, v54;
	[tilespmem:s31+$0x118C0] =	vst v20;
	v41 =	vld.idx.msk [tilespmem:v63+s4+$0x0], $0xffff  }
0x37b: {  	v44 =	vadd.s32 $0xE, v54;
	[tilespmem:s31+$0x11940] =	vst v23;
	v43 =	vld.idx.msk [tilespmem:v34+s4+$0x0], $0xffff  }
0x37c: {  	v45 =	vadd.s32 $0xF, v54;
	[tilespmem:s31+$0x119C0] =	vst v0;
	v22 =	vld.idx.msk [tilespmem:v36+s4+$0x0], $0xffff  }
0x37d: {  	v46 =	vadd.s32 $0x10, v54;
	[tilespmem:s31+$0x11A40] =	vst v21;
	v20 =	vld.idx.msk [tilespmem:v38+s4+$0x0], $0xffff  }
0x37e: {  	v47 =	vadd.s32 $0x11, v54;
	[tilespmem:s31+$0x11AC0] =	vst v25;
	v23 =	vld.idx.msk [tilespmem:v40+s4+$0x0], $0xffff  }
0x37f: {  	v48 =	vadd.s32 $0x12, v54;
	[tilespmem:s31+$0x11B40] =	vst v24;
	v0 =	vld.idx.msk [tilespmem:v42+s4+$0x0], $0xffff  }
0x380: {  	v50 =	vadd.s32 $0x13, v54;
	[tilespmem:s31+$0x11BC0] =	vst v19;
	v25 =	vld.idx.msk [tilespmem:v44+s4+$0x0], $0xffff  }
0x381: {  	v51 =	vadd.s32 $0x14, v54;
	[tilespmem:s31+$0x15840] =	vst v5;
	v24 =	vld.idx.msk [tilespmem:v45+s4+$0x0], $0xffff  }
0x382: {  	v52 =	vadd.s32 $0x15, v54;
	[tilespmem:s31+$0x158C0] =	vst v1;
	v19 =	vld.idx.msk [tilespmem:v46+s4+$0x0], $0xffff  }
0x383: {  	v53 =	vadd.s32 $0x16, v54;
	[tilespmem:s31+$0x15940] =	vst v2;
	v5 =	vld.idx.msk [tilespmem:v47+s4+$0x0], $0xffff  }
0x384: {  	[tilespmem:s31+$0x159C0] =	vst v55;
	v54 =	vadd.s32 $0x17, v54;
	v1 =	vld.idx.msk [tilespmem:v48+s4+$0x0], $0xffff  }
0x385: {  	[tilespmem:s31+$0x15A40] =	vst v6;
	v2 =	vld.idx.msk [tilespmem:v50+s4+$0x0], $0xffff  }
0x386: {  	[tilespmem:s31+$0x15AC0] =	vst v7;
	v4 =	vld.idx.msk [tilespmem:v51+s4+$0x0], $0xffff;
	v55 =	vor.u32 $0x1, v28  }
0x387: {  	[tilespmem:s31+$0x15B40] =	vst v8;
	v6 =	vld.idx.msk [tilespmem:v52+s4+$0x0], $0xffff;
	v56 =	vor.u32 $0x2, v28  }
0x388: {  	v57 =	vor.u32 $0x3, v28;
	v7 =	vld.idx.msk [tilespmem:v53+s4+$0x0], $0xffff;
	[tilespmem:s31+$0x15BC0] =	vst v3  }
0x389: {  	v58 =	vor.u32 $0x4, v28;
	v8 =	vld.idx.msk [tilespmem:v54+s4+$0x0], $0xffff;
	[tilespmem:s31+$0xD850] =	vst v11  }
0x38a: {  	v59 =	vor.u32 $0x5, v28;
	v3 =	vld.idx.msk [tilespmem:v28+s4+$0x0], $0xffff;
	[tilespmem:s31+$0xD8D0] =	vst v12  }
0x38b: {  	v60 =	vor.u32 $0x6, v28;
	v11 =	vld.idx.msk [tilespmem:v55+s4+$0x0], $0xffff;
	[tilespmem:s31+$0xD950] =	vst v13  }
0x38c: {  	v61 =	vor.u32 $0x7, v28;
	v12 =	vld.idx.msk [tilespmem:v56+s4+$0x0], $0xffff;
	[tilespmem:s31+$0xD9D0] =	vst v9  }
0x38d: {  	v62 =	vadd.s32 $0x8, v28;
	v13 =	vld.idx.msk [tilespmem:v57+s4+$0x0], $0xffff;
	[tilespmem:s31+$0xDA50] =	vst v33  }
0x38e: {  	v63 =	vadd.s32 $0x9, v28;
	v9 =	vld.idx.msk [tilespmem:v58+s4+$0x0], $0xffff;
	[tilespmem:s31+$0xDAD0] =	vst v35  }
0x38f: {  	v34 =	vadd.s32 $0xA, v28;
	v33 =	vld.idx.msk [tilespmem:v59+s4+$0x0], $0xffff;
	[tilespmem:s31+$0xDB50] =	vst v37  }
0x390: {  	v36 =	vadd.s32 $0xB, v28;
	v35 =	vld.idx.msk [tilespmem:v60+s4+$0x0], $0xffff;
	[tilespmem:s31+$0xDBD0] =	vst v39  }
0x391: {  	v38 =	vadd.s32 $0xC, v28;
	v37 =	vld.idx.msk [tilespmem:v61+s4+$0x0], $0xffff;
	[tilespmem:s31+$0x11850] =	vst v41  }
0x392: {  	v40 =	vadd.s32 $0xD, v28;
	v39 =	vld.idx.msk [tilespmem:v62+s4+$0x0], $0xffff;
	[tilespmem:s31+$0x118D0] =	vst v43  }
0x393: {  	v45 =	vadd.s32 $0xF, v28;
	v41 =	vld.idx.msk [tilespmem:v63+s4+$0x0], $0xffff;
	[tilespmem:s31+$0x11950] =	vst v22  }
0x394: {  	v46 =	vadd.s32 $0x10, v28;
	v42 =	vld.idx.msk [tilespmem:v34+s4+$0x0], $0xffff;
	[tilespmem:s31+$0x119D0] =	vst v20  }
0x395: {  	v47 =	vadd.s32 $0x11, v28;
	v44 =	vld.idx.msk [tilespmem:v36+s4+$0x0], $0xffff;
	[tilespmem:s31+$0x11A50] =	vst v23  }
0x396: {  	v48 =	vadd.s32 $0x12, v28;
	v20 =	vld.idx.msk [tilespmem:v38+s4+$0x0], $0xffff;
	[tilespmem:s31+$0x11AD0] =	vst v0  }
0x397: {  	v50 =	vadd.s32 $0x13, v28;
	v23 =	vld.idx.msk [tilespmem:v40+s4+$0x0], $0xffff;
	[tilespmem:s31+$0x11B50] =	vst v25  }
0x398: {  	v52 =	vadd.s32 $0x14, v28;
	[tilespmem:s31+$0x11BD0] =	vst v24;
	v51 =	vld.idx.msk [tilespmem:v45+s4+$0x0], $0xffff  }
0x399: {  	v53 =	vadd.s32 $0x15, v28;
	[tilespmem:s31+$0x15850] =	vst v19;
	v19 =	vld.idx.msk [tilespmem:v46+s4+$0x0], $0xffff  }
0x39a: {  	v54 =	vadd.s32 $0x16, v28;
	[tilespmem:s31+$0x158D0] =	vst v5;
	v5 =	vld.idx.msk [tilespmem:v47+s4+$0x0], $0xffff  }
0x39b: {  	v43 =	vadd.s32 $0xE, v28;
	[tilespmem:s31+$0x15950] =	vst v1;
	v0 =	vld.idx.msk [tilespmem:v48+s4+$0x0], $0xffff  }
0x39c: {  	v55 =	vadd.s32 $0x17, v28;
	v28 =	vmul.u32 $0x18, v49;
	[tilespmem:s31+$0x159D0] =	vst v2;
	v2 =	vld.idx.msk [tilespmem:v50+s4+$0x0], $0xffff  }
0x39d: {  	[tilespmem:s31+$0x15A50] =	vst v4;
	v4 =	vld.idx.msk [tilespmem:v52+s4+$0x0], $0xffff  }
0x39e: {  	[tilespmem:s31+$0x15AD0] =	vst v6;
	v56 =	vor.u32 $0x1, v28;
	v6 =	vld.idx.msk [tilespmem:v53+s4+$0x0], $0xffff  }
0x39f: {  	v57 =	vor.u32 $0x2, v28;
	[tilespmem:s31+$0x15B50] =	vst v7;
	v7 =	vld.idx.msk [tilespmem:v54+s4+$0x0], $0xffff  }
0x3a0: {  	v58 =	vor.u32 $0x3, v28;
	[tilespmem:s31+$0x15BD0] =	vst v8;
	v21 =	vld.idx.msk [tilespmem:v43+s4+$0x0], $0xffff  }
0x3a1: {  	v59 =	vor.u32 $0x4, v28;
	v1 =	vld.idx.msk [tilespmem:v55+s4+$0x0], $0xffff;
	[tilespmem:s31+$0xD860] =	vst v3  }
0x3a2: {  	v60 =	vor.u32 $0x5, v28;
	[tilespmem:s31+$0xD8E0] =	vst v11;
	v3 =	vld.idx.msk [tilespmem:v28+s4+$0x0], $0xffff  }
0x3a3: {  	v61 =	vor.u32 $0x6, v28;
	[tilespmem:s31+$0xD960] =	vst v12;
	v11 =	vld.idx.msk [tilespmem:v56+s4+$0x0], $0xffff  }
0x3a4: {  	v62 =	vor.u32 $0x7, v28;
	[tilespmem:s31+$0xD9E0] =	vst v13;
	v12 =	vld.idx.msk [tilespmem:v57+s4+$0x0], $0xffff  }
0x3a5: {  	v63 =	vadd.s32 $0x8, v28;
	[tilespmem:s31+$0xDA60] =	vst v9;
	v13 =	vld.idx.msk [tilespmem:v58+s4+$0x0], $0xffff  }
0x3a6: {  	v32 =	vadd.s32 $0x9, v28;
	[tilespmem:s31+$0xDAE0] =	vst v33;
	v8 =	vld.idx.msk [tilespmem:v59+s4+$0x0], $0xffff  }
0x3a7: {  	v34 =	vadd.s32 $0xA, v28;
	[tilespmem:s31+$0xDB60] =	vst v35;
	v33 =	vld.idx.msk [tilespmem:v60+s4+$0x0], $0xffff  }
0x3a8: {  	v36 =	vadd.s32 $0xB, v28;
	[tilespmem:s31+$0xDBE0] =	vst v37;
	v35 =	vld.idx.msk [tilespmem:v61+s4+$0x0], $0xffff  }
0x3a9: {  	v38 =	vadd.s32 $0xC, v28;
	[tilespmem:s31+$0x11860] =	vst v39;
	v37 =	vld.idx.msk [tilespmem:v62+s4+$0x0], $0xffff  }
0x3aa: {  	v40 =	vadd.s32 $0xD, v28;
	[tilespmem:s31+$0x118E0] =	vst v41;
	v39 =	vld.idx.msk [tilespmem:v63+s4+$0x0], $0xffff  }
0x3ab: {  	v45 =	vadd.s32 $0x10, v28;
	[tilespmem:s31+$0x11960] =	vst v42;
	v9 =	vld.idx.msk [tilespmem:v32+s4+$0x0], $0xffff  }
0x3ac: {  	v47 =	vadd.s32 $0x11, v28;
	[tilespmem:s31+$0x119E0] =	vst v44;
	v42 =	vld.idx.msk [tilespmem:v34+s4+$0x0], $0xffff  }
0x3ad: {  	v49 =	vadd.s32 $0x12, v28;
	[tilespmem:s31+$0x11A60] =	vst v20;
	v44 =	vld.idx.msk [tilespmem:v36+s4+$0x0], $0xffff  }
0x3ae: {  	v50 =	vadd.s32 $0x13, v28;
	[tilespmem:s31+$0x11AE0] =	vst v23;
	v46 =	vld.idx.msk [tilespmem:v38+s4+$0x0], $0xffff  }
0x3af: {  	v52 =	vadd.s32 $0x14, v28;
	[tilespmem:s31+$0x11BE0] =	vst v51;
	v48 =	vld.idx.msk [tilespmem:v40+s4+$0x0], $0xffff  }
0x3b0: {  	v54 =	vadd.s32 $0x15, v28;
	[tilespmem:s31+$0x15860] =	vst v19;
	v53 =	vld.idx.msk [tilespmem:v45+s4+$0x0], $0xffff  }
0x3b1: {  	v41 =	vadd.s32 $0xE, v28;
	[tilespmem:s31+$0x158E0] =	vst v5;
	v55 =	vld.idx.msk [tilespmem:v47+s4+$0x0], $0xffff  }
0x3b2: {  	v43 =	vadd.s32 $0xF, v28;
	[tilespmem:s31+$0x15960] =	vst v0;
	v57 =	vld.idx.msk [tilespmem:v49+s4+$0x0], $0xffff  }
0x3b3: {  	[tilespmem:s31+$0x159E0] =	vst v2;
	v56 =	vadd.s32 $0x16, v28;
	v59 =	vld.idx.msk [tilespmem:v50+s4+$0x0], $0xffff  }
0x3b4: {  	[tilespmem:s31+$0x15A60] =	vst v4;
	v58 =	vadd.s32 $0x17, v28;
	v60 =	vld.idx.msk [tilespmem:v52+s4+$0x0], $0xffff  }
0x3b5: {  	[tilespmem:s31+$0x15AE0] =	vst v6;
	v61 =	vld.idx.msk [tilespmem:v54+s4+$0x0], $0xffff  }
0x3b6: {  	[tilespmem:s31+$0x15B60] =	vst v7;
	v14 =	vld.idx.msk [tilespmem:v41+s4+$0x0], $0xffff  }
0x3b7: {  	[tilespmem:s31+$0x11B60] =	vst v21;
	v51 =	vld.idx.msk [tilespmem:v43+s4+$0x0], $0xffff  }
0x3b8: {  	[tilespmem:s31+$0x15BE0] =	vst v1;
	v62 =	vld.idx.msk [tilespmem:v56+s4+$0x0], $0xffff  }
0x3b9: {  	v63 =	vld.idx.msk [tilespmem:v58+s4+$0x0], $0xffff;
	[tilespmem:s31+$0xD870] =	vst v3  }
0x3ba: {  	[tilespmem:s31+$0xD8F0] =	vst v11  }
0x3bb: {  	[tilespmem:s31+$0xD970] =	vst v12  }
0x3bc: {  	[tilespmem:s31+$0xD9F0] =	vst v13  }
0x3bd: {  	[tilespmem:s31+$0xDA70] =	vst v8  }
0x3be: {  	[tilespmem:s31+$0xDAF0] =	vst v33  }
0x3bf: {  	[tilespmem:s31+$0xDB70] =	vst v35  }
0x3c0: {  	[tilespmem:s31+$0xDBF0] =	vst v37  }
0x3c1: {  	[tilespmem:s31+$0x11870] =	vst v39  }
0x3c2: {  	[tilespmem:s31+$0x118F0] =	vst v9  }
0x3c3: {  	[tilespmem:s31+$0x11970] =	vst v42  }
0x3c4: {  	[tilespmem:s31+$0x119F0] =	vst v44  }
0x3c5: {  	[tilespmem:s31+$0x11A70] =	vst v46  }
0x3c6: {  	[tilespmem:s31+$0x11AF0] =	vst v48  }
0x3c7: {  	[tilespmem:s31+$0x15870] =	vst v53  }
0x3c8: {  	[tilespmem:s31+$0x158F0] =	vst v55  }
0x3c9: {  	[tilespmem:s31+$0x15970] =	vst v57  }
0x3ca: {  	[tilespmem:s31+$0x159F0] =	vst v59  }
0x3cb: {  	p1 =	slt.u32 s30, $0x78;
	[tilespmem:s31+$0x15A70] =	vst v60  }
.Ltmp5:
0x3cc: {  	[tilespmem:s31+$0x15AF0] =	vst v61;
	(pc) =	sbr.rel @p1 .LBB2_9-.Ltmp5, $4  }
0x3cd: {  	[tilespmem:s31+$0x11B70] =	vst v14  }
0x3ce: {  	[tilespmem:s31+$0x11BF0] =	vst v51  }
0x3cf: {  	s0 =	sadd.s32 $0x8, s30;
	[tilespmem:s31+$0x15B70] =	vst v62  }
0x3d0: {  	s30 =	smov.u32 s0;
	[tilespmem:s31+$0x15BF0] =	vst v63  }
.Ltmp6:
0x3d1: {  	(pc) =	sbr.rel @p0 .LBB2_12-.Ltmp6, $3  }
0x3d2: {  	_ =	sdelay $0x1  }
0x3d3: {  	s0 =	sadd.s32 $0x800, s29  }
0x3d4: {  	[hbm4b:s0+s18] =	stream.strided.scatter [tilespmem:s22], [sflag:$0x4], $0xC000, s19, s18, $0x38;
	[tilespmem:$0x19800] =	vst v63  }
.Ltmp7:
0x3d5: {  	(pc) =	sbr.rel .LBB2_6-.Ltmp7, $4  }
0x3d6: {  	s0 =	sadd.s32 s28, s12  }
0x3d7: {  	s0 =	sshrl.u32 s0, $0x3  }
0x3d8: {  	s26 =	sadd.s32 $0x1, s26;
	s0 =	sadd.s32 s1, s0  }
0x3d9: {  	[tilespmem:s16], [sflag:$0x2] =	stream.linear.gather [hbm4b:s0+s4], $0x800, $0x38;
	[tilespmem:$0x19800] =	vst v63  }
.LBB2_13:
0x3da: {  	_ =	sfence.sel $0x180000  }
0x3db: {  	[bflag:$0x0] =	sbarrier.arrive $0xFFFF  }
0x3dc: {  	_ =	strace $0x90000047  }
0x3dd: {  	[bflag:$0x2] =	sbarrier.arrive $0xFFFF  }
0x3de: {  	p0 =	sne.s32 s2, $0x0;
	s0 =	rddreg [dreg:$0x3]  }
0x3df: {  	s0 =	sadd.s32 @!p0 $0x100000, s0  }
0x3e0: {  	[sflag:s0] =	ssyncadd.tile.s32 @!p0 $0x1;
	_ =	shalt  }
.Lfunc_end2:
_tile_overlayer_lowered:
.L_overlay_start_2:
0x3e1: {  	(tag) =	ssettag $0x2  }
0x3e2: {  	s0 =	rddreg [dreg:$0x0];
	s2 =	stileid.u32  }
0x3e3: {  	s1 =	rddreg [dreg:$0x1];
	p0 =	sne.s32 s2, $0x0  }
0x3e4: {  	s3 =	rddreg [dreg:$0x2];
	[bflag:$0x3] =	sbarrier.arrive $0xFFFF;
	s2 =	simm.s32 @!p0 $0x1C05  }
0x3e5: {  	[timem:s3], [sflag:s2] =	dma.local @!p0 [hbm:s0], s1  }
0x3e6: {  	s0 =	simm.s32 @!p0 $0x5  }
0x3e7: {  	_ =	swait.ge @!p0 [sflag:s0], s1  }
0x3e8: {  	s1 =	ssub.s32 @!p0 $0x0, s1;
	[sflag:s0] =	ssyncset.done @!p0 $0x0  }
0x3e9: {  	[sflag:s0] =	ssyncadd.s32 @!p0 s1  }
0x3ea: {  	[bflag:$0x3] =	sbarrier.arrive $0xFFFF  }
0x3eb: {  	_ =	shalt  }

</sc_bundles>
